<compile_context>
chip_gen: v7x
topology: tpu7x:2x2x1
jax: 0.10.2.dev20260603
libtpu: 0.0.44.dev20260713+nightly
codegen_flags: <defaults>
</compile_context>

<pallas_src>
import functools

import jax
import jax.numpy as jnp
from jax import lax
from jax.experimental import pallas as pl
from jax.experimental.pallas import tpu as pltpu
from jax.experimental.pallas import tpu_sc as plsc

N = 10000
D = 128
E = 320000
E2 = 2 * E

NC = 2
NS = 16
NPAD = 10240
NPT = NPAD // NS

CH = 80
EPC = E // NC
EPT = EPC // NS
NCHUNK = EPT // CH

E2PC = E2 // NC
E2PT = E2PC // NS
NCHUNK2 = E2PT // CH

_mesh = plsc.VectorSubcoreMesh(core_axis_name="c", subcore_axis_name="s")


NW = NC * NS


@functools.partial(
    pl.kernel,
    out_type=jax.ShapeDtypeStruct((NW * NPAD,), jnp.float32),
    mesh=_mesh,
    compiler_params=pltpu.CompilerParams(needs_layout_passes=False),
    scratch_types=[
        pltpu.VMEM((NPAD,), jnp.float32),
        pltpu.VMEM((EPT,), jnp.int32),
    ],
)
def _degree_sc(dst_hbm, out_hbm, hist, didx):
    c = lax.axis_index("c")
    s = lax.axis_index("s")

    def z(r, carry):
        for q in range(16):
            hist[pl.ds((r * 16 + q) * 16, 16)] = jnp.zeros((16,), jnp.float32)
        return carry

    lax.fori_loop(0, NPAD // 256, z, 0)

    base = c * EPC + s * EPT
    pltpu.sync_copy(dst_hbm.at[pl.ds(base, EPT)], didx)
    ones = jnp.ones((16,), jnp.float32)

    def step(t, carry):
        for q in range(25):
            iv = didx[pl.ds((t * 25 + q) * 16, 16)]
            plsc.addupdate_scatter(hist, [iv], ones)
        return carry

    lax.fori_loop(0, EPT // (25 * 16), step, 0)
    wid = c * NS + s
    pltpu.sync_copy(hist, out_hbm.at[pl.ds(wid * NPAD, NPAD)])


NBUF = 3


@functools.partial(
    pl.kernel,
    out_type=jax.ShapeDtypeStruct((NC, NPAD, D), jnp.float32),
    mesh=_mesh,
    compiler_params=pltpu.CompilerParams(needs_layout_passes=False),
    scratch_types=[
        pltpu.VMEM_SHARED((NPAD, D), jnp.float32),
        pltpu.VMEM((EPT,), jnp.int32),
        pltpu.VMEM((NBUF, CH), jnp.int32),
        pltpu.VMEM((NBUF, CH, D), jnp.float32),
        pltpu.SemaphoreType.DMA((NBUF,)),
        pltpu.SemaphoreType.DMA((NBUF,)),
        pltpu.SemaphoreType.DMA((NBUF,)),
    ],
)
def _scatter_sc(table_hbm, src_hbm, dst_hbm, zeros_hbm, out_hbm, acc,
                sidx, dcur, rows, semg, semd, sems):
    c = lax.axis_index("c")
    s = lax.axis_index("s")
    pltpu.sync_copy(zeros_hbm, acc.at[pl.ds(s * NPT, NPT)])
    base = c * EPC + s * EPT
    pltpu.sync_copy(src_hbm.at[pl.ds(base, EPT)], sidx)
    plsc.subcore_barrier()

    for p in range(NBUF - 1):
        pltpu.async_copy(table_hbm.at[sidx.at[pl.ds(p * CH, CH)]],
                         rows.at[p], semg.at[p])
        pltpu.async_copy(dst_hbm.at[pl.ds(base + p * CH, CH)],
                         dcur.at[p], semd.at[p])

    def chunk(t, carry):
        b = lax.rem(t, NBUF)
        nb = lax.rem(t + NBUF - 1, NBUF)
        pltpu.make_async_copy(table_hbm.at[sidx.at[pl.ds(t * CH, CH)]],
                              rows.at[b], semg.at[b]).wait()
        pltpu.make_async_copy(dst_hbm.at[pl.ds(base, CH)],
                              dcur.at[b], semd.at[b]).wait()
        pltpu.async_copy(rows.at[b], acc.at[dcur.at[b]], sems.at[b], add=True)

        @pl.when(t + NBUF - 1 < NCHUNK)
        def _():
            @pl.when(t >= 1)
            def _():
                pltpu.make_async_copy(rows.at[nb], acc.at[dcur.at[nb]],
                                      sems.at[nb]).wait()
            pltpu.async_copy(
                table_hbm.at[sidx.at[pl.ds((t + NBUF - 1) * CH, CH)]],
                rows.at[nb], semg.at[nb])
            pltpu.async_copy(
                dst_hbm.at[pl.ds(base + (t + NBUF - 1) * CH, CH)],
                dcur.at[nb], semd.at[nb])

        return carry

    lax.fori_loop(0, NCHUNK, chunk, 0)
    for p in range(NBUF):
        pltpu.make_async_copy(rows.at[p], acc.at[dcur.at[p]],
                              sems.at[p]).wait()
    plsc.subcore_barrier()
    pltpu.sync_copy(acc.at[pl.ds(s * NPT, NPT)],
                    out_hbm.at[c, pl.ds(s * NPT, NPT)])


DEPTH = 24


@functools.partial(
    pl.kernel,
    out_type=jax.ShapeDtypeStruct((E2,), jnp.float32),
    mesh=_mesh,
    compiler_params=pltpu.CompilerParams(needs_layout_passes=False),
    scratch_types=[
        pltpu.VMEM((E2PT,), jnp.int32),
        pltpu.VMEM((E2PT,), jnp.int32),
        pltpu.VMEM((E2PT,), jnp.int32),
        pltpu.VMEM((E2PT,), jnp.float32),
        pltpu.SemaphoreType.DMA,
    ],
)
def _link_sc(g_hbm, ei_hbm, ej_hbm, out_hbm, iidx, jidx, fidx, dots, sem):
    c = lax.axis_index("c")
    s = lax.axis_index("s")
    base = c * E2PC + s * E2PT
    pltpu.sync_copy(ei_hbm.at[pl.ds(base, E2PT)], iidx)
    pltpu.sync_copy(ej_hbm.at[pl.ds(base, E2PT)], jidx)

    def flat(t, carry):
        for q in range(5):
            o = (t * 5 + q) * 16
            iv = iidx[pl.ds(o, 16)]
            jv = jidx[pl.ds(o, 16)]
            jb = lax.shift_right_logical(jv, 8)
            cc = jv & 127
            fidx[pl.ds(o, 16)] = jb * (NPAD * D) + iv * D + cc
        return carry

    lax.fori_loop(0, E2PT // 80, flat, 0)

    def fire(t, carry):
        pltpu.async_copy(g_hbm.at[fidx.at[pl.ds(t * CH, CH)]],
                         dots.at[pl.ds(t * CH, CH)], sem)

        @pl.when(t >= DEPTH)
        def _():
            pltpu.make_async_copy(g_hbm.at[fidx.at[pl.ds(0, CH)]],
                                  dots.at[pl.ds(0, CH)], sem).wait()

        return carry

    lax.fori_loop(0, NCHUNK2, fire, 0)
    for _q in range(DEPTH):
        pltpu.make_async_copy(g_hbm.at[fidx.at[pl.ds(0, CH)]],
                              dots.at[pl.ds(0, CH)], sem).wait()

    def decode(t, carry):
        for q in range(5):
            o = (t * 5 + q) * 16
            w = plsc.bitcast(dots[pl.ds(o, 16)], jnp.int32)
            jv = jidx[pl.ds(o, 16)]
            half = (lax.shift_right_logical(jv, 7) & 1) == 1
            hi = w & jnp.int32(-65536)
            lo = lax.shift_left(w, 16)
            dots[pl.ds(o, 16)] = plsc.bitcast(
                jnp.where(half, hi, lo), jnp.float32)
        return carry

    lax.fori_loop(0, E2PT // 80, decode, 0)
    pltpu.sync_copy(dots, out_hbm.at[pl.ds(base, E2PT)])


NJB = NPAD // (2 * D)


def _dinv_from(deg_ref):
    deg = jnp.sum(deg_ref[...], axis=0)[:N]
    return lax.rsqrt(deg + 1.0)[:, None]


def _stage1_tc(deg_ref, x_ref, w1_ref, p1_ref):
    dinv = _dinv_from(deg_ref)
    g = jnp.dot(x_ref[...], w1_ref[...], preferred_element_type=jnp.float32,
                precision=lax.Precision.HIGHEST)
    p1_ref[...] = g * dinv


def _stage2_tc(deg_ref, s1_ref, p1_ref, b1_ref, w2_ref, p2_ref):
    dinv = _dinv_from(deg_ref)
    s1 = s1_ref[0][:N] + s1_ref[1][:N]
    h1 = jnp.maximum(dinv * (s1 + p1_ref[...]) + b1_ref[...], 0.0)
    g = jnp.dot(h1, w2_ref[...], preferred_element_type=jnp.float32,
                precision=lax.Precision.HIGHEST)
    p2_ref[...] = g * dinv


def _gram_fused_tc(deg_ref, s2_ref, p2_ref, b2_ref, g_ref, h2b):
    @pl.when(pl.program_id(0) == 0)
    def _():
        dinv = _dinv_from(deg_ref)
        s2 = s2_ref[0][:N] + s2_ref[1][:N]
        h2 = dinv * (s2 + p2_ref[...]) + b2_ref[...]
        h2b[...] = jnp.concatenate(
            [h2, jnp.zeros((NPAD - N, D), jnp.float32)],
            axis=0).astype(jnp.bfloat16)

    j = pl.program_id(0)
    a = h2b[...]
    b = h2b[pl.ds(j * (2 * D), 2 * D), :]
    res = lax.dot_general(a, b, (((1,), (1,)), ((), ())),
                          preferred_element_type=jnp.float32)
    ib = lax.bitcast_convert_type(res, jnp.int32)
    rnd = ib + 0x7FFF + (lax.shift_right_logical(ib, 16) & 1)
    b16 = lax.shift_right_logical(rnd, 16)
    packed = lax.shift_left(b16[:, D:], 16) | b16[:, :D]
    g_ref[...] = lax.bitcast_convert_type(packed, jnp.float32)[None]


_f32 = jnp.float32


def kernel(x, pos_edge_index, neg_edge_index, W1, b1, W2, b2):
    src = pos_edge_index[0]
    dst = pos_edge_index[1]

    zeros_d = jnp.zeros((NPT, D), _f32)

    deg_part = _degree_sc(dst).reshape(NW, NPAD)

    p1 = pl.pallas_call(
        _stage1_tc, out_shape=jax.ShapeDtypeStruct((N, D), _f32),
    )(deg_part, x, W1)

    s1 = _scatter_sc(p1, src, dst, zeros_d)

    p2 = pl.pallas_call(
        _stage2_tc, out_shape=jax.ShapeDtypeStruct((N, D), _f32),
    )(deg_part, s1, p1, b1, W2)

    s2 = _scatter_sc(p2, src, dst, zeros_d)

    gram = pl.pallas_call(
        _gram_fused_tc,
        grid=(NJB,),
        in_specs=[
            pl.BlockSpec((NW, NPAD), lambda j: (0, 0)),
            pl.BlockSpec((NC, NPAD, D), lambda j: (0, 0, 0)),
            pl.BlockSpec((N, D), lambda j: (0, 0)),
            pl.BlockSpec((D,), lambda j: (0,)),
        ],
        out_specs=pl.BlockSpec((1, NPAD, D), lambda j: (j, 0, 0)),
        out_shape=jax.ShapeDtypeStruct((NJB, NPAD, D), _f32),
        scratch_shapes=[pltpu.VMEM((NPAD, D), jnp.bfloat16)],
    )(deg_part, s2, p2, b2)

    ei = jnp.concatenate([pos_edge_index[0], neg_edge_index[0]])
    ej = jnp.concatenate([pos_edge_index[1], neg_edge_index[1]])
    return _link_sc(gram.reshape(-1), ei, ej)

# --- scband reference (transcript-rebuilt; emitter-appended) ---
"""Pipeline reference for scband-gcnlink-predictor-88819923681391 (READ-ONLY COPY).

The authoritative reference and input builder live on the scoring server;
editing this copy changes nothing except your own understanding.
"""

import jax, jax.numpy as jnp
import numpy as np

N = 10000
E = 320000
D_IN = 128
D_HID = 128
D_OUT = 128


def setup_inputs(seed: int = 0) -> dict:
    key = jax.random.key(seed)
    k1, k2, k3, k4, k5 = jax.random.split(key, 5)
    x = jax.random.normal(k1, (N, D_IN), dtype=jnp.float32)
    pos_edge_index = jax.random.randint(k2, (2, E), 0, N, dtype=jnp.int32)
    neg_edge_index = jax.random.randint(k3, (2, E), 0, N, dtype=jnp.int32)
    W1 = jax.random.normal(k4, (D_IN, D_HID), dtype=jnp.float32) / np.sqrt(D_IN)
    b1 = jnp.zeros((D_HID,), dtype=jnp.float32)
    W2 = jax.random.normal(k5, (D_HID, D_OUT), dtype=jnp.float32) / np.sqrt(D_HID)
    b2 = jnp.zeros((D_OUT,), dtype=jnp.float32)
    return {"x": x, "pos_edge_index": pos_edge_index, "neg_edge_index": neg_edge_index,
            "W1": W1, "b1": b1, "W2": W2, "b2": b2}


def _gcn_norm(edge_index, num_nodes):
    # add remaining self loops
    loop = jnp.arange(num_nodes, dtype=edge_index.dtype)
    src = jnp.concatenate([edge_index[0], loop])
    dst = jnp.concatenate([edge_index[1], loop])
    deg = jnp.zeros((num_nodes,), dtype=jnp.float32).at[dst].add(1.0)
    dinv = jnp.where(deg > 0, 1.0 / jnp.sqrt(deg), 0.0)
    norm = dinv[src] * dinv[dst]
    return src, dst, norm


def _gcn_layer(h, W, b, src, dst, norm, num_nodes):
    h = h @ W
    msg = h[src] * norm[:, None]
    agg = jax.ops.segment_sum(msg, dst, num_segments=num_nodes)
    return agg + b


def reference(x, pos_edge_index, neg_edge_index, W1, b1, W2, b2):
    num_nodes = x.shape[0]
    src, dst, norm = _gcn_norm(pos_edge_index, num_nodes)
    # 2-layer GCN forward: self(x, pos_edge_index)
    h = _gcn_layer(x, W1, b1, src, dst, norm, num_nodes)
    h = jax.nn.relu(h)
    h = _gcn_layer(h, W2, b2, src, dst, norm, num_nodes)
    # link logits over pos + neg edges
    total_edge_index = jnp.concatenate([pos_edge_index, neg_edge_index], axis=-1)
    x_j = jnp.take(h, total_edge_index[0], axis=0)
    x_i = jnp.take(h, total_edge_index[1], axis=0)
    link_logits = jnp.einsum('ef,ef->e', x_i, x_j)
    return link_logits

if __name__ == "__main__":
    import jax
    _d = setup_inputs()
    print(jax.jit(kernel)(*tuple(_d.values())))

</pallas_src>

<mosaic_0001>
#map = affine_map<(d0, d1) -> (0)>
module attributes {stable_mosaic.version = 14 : i64} {
  func.func @_degree_sc(%arg0: i32, %arg1: i32, %arg2: memref<320000xi32, #tpu.memory_space<hbm>>, %arg3: memref<327680xf32, #tpu.memory_space<hbm>>, %arg4: memref<10240xf32, #tpu.memory_space<vmem>>, %arg5: memref<10000xi32, #tpu.memory_space<vmem>>) attributes {dimension_semantics = [#tpu.dimension_semantics<core_parallel>, #tpu.dimension_semantics<subcore_parallel>], iteration_bounds = array<i64: 2, 16>, scalar_prefetch = 0 : i64, scratch_operands = 2 : i64, tpu.core_type = #tpu.core_type<sc_vector_subcore>, window_params = [{transform_indices = #map}, {transform_indices = #map}]} {
    %scan3A = arith.constant 0 : i32
    %scan3A_0 = arith.constant 0 : i32
    %scan3A_1 = arith.constant 40 : i32
    %scan3A_2 = arith.addi %scan3A_0, %scan3A_1 : i32
    %scan3A_3 = arith.constant 1 : i32
    scf.for %scan3A_20 = %scan3A_0 to %scan3A_2 step %scan3A_3  : i32 {
      %broadcast_in_dim3A_21 = arith.constant 0.000000e+00 : f32
      %broadcast_in_dim3A_22 = vector.broadcast %broadcast_in_dim3A_21 : f32 to vector<16xf32>
      %mul3A_23 = arith.constant 16 : i32
      %mul3A_24 = arith.muli %scan3A_20, %mul3A_23 : i32
      %add3A_25 = arith.constant 0 : i32
      %add3A_26 = arith.addi %mul3A_24, %add3A_25 : i32
      %mul3A_27 = arith.constant 16 : i32
      %mul3A_28 = arith.muli %add3A_26, %mul3A_27 : i32
      %swap3A = arith.index_cast %mul3A_28 : i32 to index
      %swap3A_29 = tpu.vector_load %arg4[%swap3A] {strides = array<i32>} : memref<10240xf32, #tpu.memory_space<vmem>>, vector<16xf32>,
      tpu.vector_store %arg4[%swap3A], %broadcast_in_dim3A_22 {strides = array<i32>} : memref<10240xf32, #tpu.memory_space<vmem>>, vector<16xf32>,
      %broadcast_in_dim3A_30 = arith.constant 0.000000e+00 : f32
      %broadcast_in_dim3A_31 = vector.broadcast %broadcast_in_dim3A_30 : f32 to vector<16xf32>
      %mul3A_32 = arith.constant 16 : i32
      %mul3A_33 = arith.muli %scan3A_20, %mul3A_32 : i32
      %add3A_34 = arith.constant 1 : i32
      %add3A_35 = arith.addi %mul3A_33, %add3A_34 : i32
      %mul3A_36 = arith.constant 16 : i32
      %mul3A_37 = arith.muli %add3A_35, %mul3A_36 : i32
      %swap3A_38 = arith.index_cast %mul3A_37 : i32 to index
      %swap3A_39 = tpu.vector_load %arg4[%swap3A_38] {strides = array<i32>} : memref<10240xf32, #tpu.memory_space<vmem>>, vector<16xf32>,
      tpu.vector_store %arg4[%swap3A_38], %broadcast_in_dim3A_31 {strides = array<i32>} : memref<10240xf32, #tpu.memory_space<vmem>>, vector<16xf32>,
      %broadcast_in_dim3A_40 = arith.constant 0.000000e+00 : f32
      %broadcast_in_dim3A_41 = vector.broadcast %broadcast_in_dim3A_40 : f32 to vector<16xf32>
      %mul3A_42 = arith.constant 16 : i32
      %mul3A_43 = arith.muli %scan3A_20, %mul3A_42 : i32
      %add3A_44 = arith.constant 2 : i32
      %add3A_45 = arith.addi %mul3A_43, %add3A_44 : i32
      %mul3A_46 = arith.constant 16 : i32
      %mul3A_47 = arith.muli %add3A_45, %mul3A_46 : i32
      %swap3A_48 = arith.index_cast %mul3A_47 : i32 to index
      %swap3A_49 = tpu.vector_load %arg4[%swap3A_48] {strides = array<i32>} : memref<10240xf32, #tpu.memory_space<vmem>>, vector<16xf32>,
      tpu.vector_store %arg4[%swap3A_48], %broadcast_in_dim3A_41 {strides = array<i32>} : memref<10240xf32, #tpu.memory_space<vmem>>, vector<16xf32>,
      %broadcast_in_dim3A_50 = arith.constant 0.000000e+00 : f32
      %broadcast_in_dim3A_51 = vector.broadcast %broadcast_in_dim3A_50 : f32 to vector<16xf32>
      %mul3A_52 = arith.constant 16 : i32
      %mul3A_53 = arith.muli %scan3A_20, %mul3A_52 : i32
      %add3A_54 = arith.constant 3 : i32
      %add3A_55 = arith.addi %mul3A_53, %add3A_54 : i32
      %mul3A_56 = arith.constant 16 : i32
      %mul3A_57 = arith.muli %add3A_55, %mul3A_56 : i32
      %swap3A_58 = arith.index_cast %mul3A_57 : i32 to index
      %swap3A_59 = tpu.vector_load %arg4[%swap3A_58] {strides = array<i32>} : memref<10240xf32, #tpu.memory_space<vmem>>, vector<16xf32>,
      tpu.vector_store %arg4[%swap3A_58], %broadcast_in_dim3A_51 {strides = array<i32>} : memref<10240xf32, #tpu.memory_space<vmem>>, vector<16xf32>,
      %broadcast_in_dim3A_60 = arith.constant 0.000000e+00 : f32
      %broadcast_in_dim3A_61 = vector.broadcast %broadcast_in_dim3A_60 : f32 to vector<16xf32>
      %mul3A_62 = arith.constant 16 : i32
      %mul3A_63 = arith.muli %scan3A_20, %mul3A_62 : i32
      %add3A_64 = arith.constant 4 : i32
      %add3A_65 = arith.addi %mul3A_63, %add3A_64 : i32
      %mul3A_66 = arith.constant 16 : i32
      %mul3A_67 = arith.muli %add3A_65, %mul3A_66 : i32
      %swap3A_68 = arith.index_cast %mul3A_67 : i32 to index
      %swap3A_69 = tpu.vector_load %arg4[%swap3A_68] {strides = array<i32>} : memref<10240xf32, #tpu.memory_space<vmem>>, vector<16xf32>,
      tpu.vector_store %arg4[%swap3A_68], %broadcast_in_dim3A_61 {strides = array<i32>} : memref<10240xf32, #tpu.memory_space<vmem>>, vector<16xf32>,
      %broadcast_in_dim3A_70 = arith.constant 0.000000e+00 : f32
      %broadcast_in_dim3A_71 = vector.broadcast %broadcast_in_dim3A_70 : f32 to vector<16xf32>
      %mul3A_72 = arith.constant 16 : i32
      %mul3A_73 = arith.muli %scan3A_20, %mul3A_72 : i32
      %add3A_74 = arith.constant 5 : i32
      %add3A_75 = arith.addi %mul3A_73, %add3A_74 : i32
      %mul3A_76 = arith.constant 16 : i32
      %mul3A_77 = arith.muli %add3A_75, %mul3A_76 : i32
      %swap3A_78 = arith.index_cast %mul3A_77 : i32 to index
      %swap3A_79 = tpu.vector_load %arg4[%swap3A_78] {strides = array<i32>} : memref<10240xf32, #tpu.memory_space<vmem>>, vector<16xf32>,
      tpu.vector_store %arg4[%swap3A_78], %broadcast_in_dim3A_71 {strides = array<i32>} : memref<10240xf32, #tpu.memory_space<vmem>>, vector<16xf32>,
      %broadcast_in_dim3A_80 = arith.constant 0.000000e+00 : f32
      %broadcast_in_dim3A_81 = vector.broadcast %broadcast_in_dim3A_80 : f32 to vector<16xf32>
      %mul3A_82 = arith.constant 16 : i32
      %mul3A_83 = arith.muli %scan3A_20, %mul3A_82 : i32
      %add3A_84 = arith.constant 6 : i32
      %add3A_85 = arith.addi %mul3A_83, %add3A_84 : i32
      %mul3A_86 = arith.constant 16 : i32
      %mul3A_87 = arith.muli %add3A_85, %mul3A_86 : i32
      %swap3A_88 = arith.index_cast %mul3A_87 : i32 to index
      %swap3A_89 = tpu.vector_load %arg4[%swap3A_88] {strides = array<i32>} : memref<10240xf32, #tpu.memory_space<vmem>>, vector<16xf32>,
      tpu.vector_store %arg4[%swap3A_88], %broadcast_in_dim3A_81 {strides = array<i32>} : memref<10240xf32, #tpu.memory_space<vmem>>, vector<16xf32>,
      %broadcast_in_dim3A_90 = arith.constant 0.000000e+00 : f32
      %broadcast_in_dim3A_91 = vector.broadcast %broadcast_in_dim3A_90 : f32 to vector<16xf32>
      %mul3A_92 = arith.constant 16 : i32
      %mul3A_93 = arith.muli %scan3A_20, %mul3A_92 : i32
      %add3A_94 = arith.constant 7 : i32
      %add3A_95 = arith.addi %mul3A_93, %add3A_94 : i32
      %mul3A_96 = arith.constant 16 : i32
      %mul3A_97 = arith.muli %add3A_95, %mul3A_96 : i32
      %swap3A_98 = arith.index_cast %mul3A_97 : i32 to index
      %swap3A_99 = tpu.vector_load %arg4[%swap3A_98] {strides = array<i32>} : memref<10240xf32, #tpu.memory_space<vmem>>, vector<16xf32>,
      tpu.vector_store %arg4[%swap3A_98], %broadcast_in_dim3A_91 {strides = array<i32>} : memref<10240xf32, #tpu.memory_space<vmem>>, vector<16xf32>,
      %broadcast_in_dim3A_100 = arith.constant 0.000000e+00 : f32
      %broadcast_in_dim3A_101 = vector.broadcast %broadcast_in_dim3A_100 : f32 to vector<16xf32>
      %mul3A_102 = arith.constant 16 : i32
      %mul3A_103 = arith.muli %scan3A_20, %mul3A_102 : i32
      %add3A_104 = arith.constant 8 : i32
      %add3A_105 = arith.addi %mul3A_103, %add3A_104 : i32
      %mul3A_106 = arith.constant 16 : i32
      %mul3A_107 = arith.muli %add3A_105, %mul3A_106 : i32
      %swap3A_108 = arith.index_cast %mul3A_107 : i32 to index
      %swap3A_109 = tpu.vector_load %arg4[%swap3A_108] {strides = array<i32>} : memref<10240xf32, #tpu.memory_space<vmem>>, vector<16xf32>,
      tpu.vector_store %arg4[%swap3A_108], %broadcast_in_dim3A_101 {strides = array<i32>} : memref<10240xf32, #tpu.memory_space<vmem>>, vector<16xf32>,
      %broadcast_in_dim3A_110 = arith.constant 0.000000e+00 : f32
      %broadcast_in_dim3A_111 = vector.broadcast %broadcast_in_dim3A_110 : f32 to vector<16xf32>
      %mul3A_112 = arith.constant 16 : i32
      %mul3A_113 = arith.muli %scan3A_20, %mul3A_112 : i32
      %add3A_114 = arith.constant 9 : i32
      %add3A_115 = arith.addi %mul3A_113, %add3A_114 : i32
      %mul3A_116 = arith.constant 16 : i32
      %mul3A_117 = arith.muli %add3A_115, %mul3A_116 : i32
      %swap3A_118 = arith.index_cast %mul3A_117 : i32 to index
      %swap3A_119 = tpu.vector_load %arg4[%swap3A_118] {strides = array<i32>} : memref<10240xf32, #tpu.memory_space<vmem>>, vector<16xf32>,
      tpu.vector_store %arg4[%swap3A_118], %broadcast_in_dim3A_111 {strides = array<i32>} : memref<10240xf32, #tpu.memory_space<vmem>>, vector<16xf32>,
      %broadcast_in_dim3A_120 = arith.constant 0.000000e+00 : f32
      %broadcast_in_dim3A_121 = vector.broadcast %broadcast_in_dim3A_120 : f32 to vector<16xf32>
      %mul3A_122 = arith.constant 16 : i32
      %mul3A_123 = arith.muli %scan3A_20, %mul3A_122 : i32
      %add3A_124 = arith.constant 10 : i32
      %add3A_125 = arith.addi %mul3A_123, %add3A_124 : i32
      %mul3A_126 = arith.constant 16 : i32
      %mul3A_127 = arith.muli %add3A_125, %mul3A_126 : i32
      %swap3A_128 = arith.index_cast %mul3A_127 : i32 to index
      %swap3A_129 = tpu.vector_load %arg4[%swap3A_128] {strides = array<i32>} : memref<10240xf32, #tpu.memory_space<vmem>>, vector<16xf32>,
      tpu.vector_store %arg4[%swap3A_128], %broadcast_in_dim3A_121 {strides = array<i32>} : memref<10240xf32, #tpu.memory_space<vmem>>, vector<16xf32>,
      %broadcast_in_dim3A_130 = arith.constant 0.000000e+00 : f32
      %broadcast_in_dim3A_131 = vector.broadcast %broadcast_in_dim3A_130 : f32 to vector<16xf32>
      %mul3A_132 = arith.constant 16 : i32
      %mul3A_133 = arith.muli %scan3A_20, %mul3A_132 : i32
      %add3A_134 = arith.constant 11 : i32
      %add3A_135 = arith.addi %mul3A_133, %add3A_134 : i32
      %mul3A_136 = arith.constant 16 : i32
      %mul3A_137 = arith.muli %add3A_135, %mul3A_136 : i32
      %swap3A_138 = arith.index_cast %mul3A_137 : i32 to index
      %swap3A_139 = tpu.vector_load %arg4[%swap3A_138] {strides = array<i32>} : memref<10240xf32, #tpu.memory_space<vmem>>, vector<16xf32>,
      tpu.vector_store %arg4[%swap3A_138], %broadcast_in_dim3A_131 {strides = array<i32>} : memref<10240xf32, #tpu.memory_space<vmem>>, vector<16xf32>,
      %broadcast_in_dim3A_140 = arith.constant 0.000000e+00 : f32
      %broadcast_in_dim3A_141 = vector.broadcast %broadcast_in_dim3A_140 : f32 to vector<16xf32>
      %mul3A_142 = arith.constant 16 : i32
      %mul3A_143 = arith.muli %scan3A_20, %mul3A_142 : i32
      %add3A_144 = arith.constant 12 : i32
      %add3A_145 = arith.addi %mul3A_143, %add3A_144 : i32
      %mul3A_146 = arith.constant 16 : i32
      %mul3A_147 = arith.muli %add3A_145, %mul3A_146 : i32
      %swap3A_148 = arith.index_cast %mul3A_147 : i32 to index
      %swap3A_149 = tpu.vector_load %arg4[%swap3A_148] {strides = array<i32>} : memref<10240xf32, #tpu.memory_space<vmem>>, vector<16xf32>,
      tpu.vector_store %arg4[%swap3A_148], %broadcast_in_dim3A_141 {strides = array<i32>} : memref<10240xf32, #tpu.memory_space<vmem>>, vector<16xf32>,
      %broadcast_in_dim3A_150 = arith.constant 0.000000e+00 : f32
      %broadcast_in_dim3A_151 = vector.broadcast %broadcast_in_dim3A_150 : f32 to vector<16xf32>
      %mul3A_152 = arith.constant 16 : i32
      %mul3A_153 = arith.muli %scan3A_20, %mul3A_152 : i32
      %add3A_154 = arith.constant 13 : i32
      %add3A_155 = arith.addi %mul3A_153, %add3A_154 : i32
      %mul3A_156 = arith.constant 16 : i32
      %mul3A_157 = arith.muli %add3A_155, %mul3A_156 : i32
      %swap3A_158 = arith.index_cast %mul3A_157 : i32 to index
      %swap3A_159 = tpu.vector_load %arg4[%swap3A_158] {strides = array<i32>} : memref<10240xf32, #tpu.memory_space<vmem>>, vector<16xf32>,
      tpu.vector_store %arg4[%swap3A_158], %broadcast_in_dim3A_151 {strides = array<i32>} : memref<10240xf32, #tpu.memory_space<vmem>>, vector<16xf32>,
      %broadcast_in_dim3A_160 = arith.constant 0.000000e+00 : f32
      %broadcast_in_dim3A_161 = vector.broadcast %broadcast_in_dim3A_160 : f32 to vector<16xf32>
      %mul3A_162 = arith.constant 16 : i32
      %mul3A_163 = arith.muli %scan3A_20, %mul3A_162 : i32
      %add3A_164 = arith.constant 14 : i32
      %add3A_165 = arith.addi %mul3A_163, %add3A_164 : i32
      %mul3A_166 = arith.constant 16 : i32
      %mul3A_167 = arith.muli %add3A_165, %mul3A_166 : i32
      %swap3A_168 = arith.index_cast %mul3A_167 : i32 to index
      %swap3A_169 = tpu.vector_load %arg4[%swap3A_168] {strides = array<i32>} : memref<10240xf32, #tpu.memory_space<vmem>>, vector<16xf32>,
      tpu.vector_store %arg4[%swap3A_168], %broadcast_in_dim3A_161 {strides = array<i32>} : memref<10240xf32, #tpu.memory_space<vmem>>, vector<16xf32>,
      %broadcast_in_dim3A_170 = arith.constant 0.000000e+00 : f32
      %broadcast_in_dim3A_171 = vector.broadcast %broadcast_in_dim3A_170 : f32 to vector<16xf32>
      %mul3A_172 = arith.constant 16 : i32
      %mul3A_173 = arith.muli %scan3A_20, %mul3A_172 : i32
      %add3A_174 = arith.constant 15 : i32
      %add3A_175 = arith.addi %mul3A_173, %add3A_174 : i32
      %mul3A_176 = arith.constant 16 : i32
      %mul3A_177 = arith.muli %add3A_175, %mul3A_176 : i32
      %swap3A_178 = arith.index_cast %mul3A_177 : i32 to index
      %swap3A_179 = tpu.vector_load %arg4[%swap3A_178] {strides = array<i32>} : memref<10240xf32, #tpu.memory_space<vmem>>, vector<16xf32>,
      tpu.vector_store %arg4[%swap3A_178], %broadcast_in_dim3A_171 {strides = array<i32>} : memref<10240xf32, #tpu.memory_space<vmem>>, vector<16xf32>,
    }
    %scan3A_4 = arith.constant 40 : i32
    %mul3A = arith.constant 160000 : i32
    %mul3A_5 = arith.muli %arg0, %mul3A : i32
    %mul3A_6 = arith.constant 10000 : i32
    %mul3A_7 = arith.muli %arg1, %mul3A_6 : i32
    %add3A = arith.addi %mul3A_5, %mul3A_7 : i32
    "tpu.region"() ({
      %run_scoped3A = tpu.sem_alloc : memref<!tpu.dma_semaphore, #tpu.memory_space<semaphore_mem>>
      %dma_start3A = tpu.memref_slice %arg2[%add3A] : memref<320000xi32, #tpu.memory_space<hbm>> -> memref<10000xi32, #tpu.memory_space<hbm>>
      %dma_start3A_20 = tpu.memref_slice %arg2[%add3A] : memref<320000xi32, #tpu.memory_space<hbm>> -> memref<10000xi32, #tpu.memory_space<hbm>>
      tpu.enqueue_dma source(%dma_start3A_20 : memref<10000xi32, #tpu.memory_space<hbm>>) target(%arg5 : memref<10000xi32, #tpu.memory_space<vmem>>) target_semaphore(%run_scoped3A : memref<!tpu.dma_semaphore, #tpu.memory_space<semaphore_mem>>)
      %dma_wait3A = tpu.memref_slice %arg2[%add3A] : memref<320000xi32, #tpu.memory_space<hbm>> -> memref<10000xi32, #tpu.memory_space<hbm>>
      %dma_wait3A_21 = tpu.memref_slice %arg2[%add3A] : memref<320000xi32, #tpu.memory_space<hbm>> -> memref<10000xi32, #tpu.memory_space<hbm>>
      tpu.wait_dma2 semaphore(%run_scoped3A : memref<!tpu.dma_semaphore, #tpu.memory_space<semaphore_mem>>) src(%dma_wait3A_21 : memref<10000xi32, #tpu.memory_space<hbm>>) dst(%arg5 : memref<10000xi32, #tpu.memory_space<vmem>>)
      tpu.yield
    }) : () -> ()
    %broadcast_in_dim3A = arith.constant 1.000000e+00 : f32
    %broadcast_in_dim3A_8 = vector.broadcast %broadcast_in_dim3A : f32 to vector<16xf32>
    %scan3A_9 = arith.constant 0 : i32
    %scan3A_10 = arith.constant 0 : i32
    %scan3A_11 = arith.constant 25 : i32
    %scan3A_12 = arith.addi %scan3A_10, %scan3A_11 : i32
    %scan3A_13 = arith.constant 1 : i32
    scf.for %scan3A_20 = %scan3A_10 to %scan3A_12 step %scan3A_13  : i32 {
      %mul3A_21 = arith.constant 25 : i32
      %mul3A_22 = arith.muli %scan3A_20, %mul3A_21 : i32
      %add3A_23 = arith.constant 0 : i32
      %add3A_24 = arith.addi %mul3A_22, %add3A_23 : i32
      %mul3A_25 = arith.constant 16 : i32
      %mul3A_26 = arith.muli %add3A_24, %mul3A_25 : i32
      %get3A = arith.index_cast %mul3A_26 : i32 to index
      %get3A_27 = tpu.vector_load %arg5[%get3A] {strides = array<i32>} : memref<10000xi32, #tpu.memory_space<vmem>>, vector<16xi32>,
      tpu.vector_store_idx %arg4[%get3A_27], %broadcast_in_dim3A_8 {add = true} : memref<10240xf32, #tpu.memory_space<vmem>>[vector<16xi32>], vector<16xf32>,
      %mul3A_28 = arith.constant 25 : i32
      %mul3A_29 = arith.muli %scan3A_20, %mul3A_28 : i32
      %add3A_30 = arith.constant 1 : i32
      %add3A_31 = arith.addi %mul3A_29, %add3A_30 : i32
      %mul3A_32 = arith.constant 16 : i32
      %mul3A_33 = arith.muli %add3A_31, %mul3A_32 : i32
      %get3A_34 = arith.index_cast %mul3A_33 : i32 to index
      %get3A_35 = tpu.vector_load %arg5[%get3A_34] {strides = array<i32>} : memref<10000xi32, #tpu.memory_space<vmem>>, vector<16xi32>,
      tpu.vector_store_idx %arg4[%get3A_35], %broadcast_in_dim3A_8 {add = true} : memref<10240xf32, #tpu.memory_space<vmem>>[vector<16xi32>], vector<16xf32>,
      %mul3A_36 = arith.constant 25 : i32
      %mul3A_37 = arith.muli %scan3A_20, %mul3A_36 : i32
      %add3A_38 = arith.constant 2 : i32
      %add3A_39 = arith.addi %mul3A_37, %add3A_38 : i32
      %mul3A_40 = arith.constant 16 : i32
      %mul3A_41 = arith.muli %add3A_39, %mul3A_40 : i32
      %get3A_42 = arith.index_cast %mul3A_41 : i32 to index
      %get3A_43 = tpu.vector_load %arg5[%get3A_42] {strides = array<i32>} : memref<10000xi32, #tpu.memory_space<vmem>>, vector<16xi32>,
      tpu.vector_store_idx %arg4[%get3A_43], %broadcast_in_dim3A_8 {add = true} : memref<10240xf32, #tpu.memory_space<vmem>>[vector<16xi32>], vector<16xf32>,
      %mul3A_44 = arith.constant 25 : i32
      %mul3A_45 = arith.muli %scan3A_20, %mul3A_44 : i32
      %add3A_46 = arith.constant 3 : i32
      %add3A_47 = arith.addi %mul3A_45, %add3A_46 : i32
      %mul3A_48 = arith.constant 16 : i32
      %mul3A_49 = arith.muli %add3A_47, %mul3A_48 : i32
      %get3A_50 = arith.index_cast %mul3A_49 : i32 to index
      %get3A_51 = tpu.vector_load %arg5[%get3A_50] {strides = array<i32>} : memref<10000xi32, #tpu.memory_space<vmem>>, vector<16xi32>,
      tpu.vector_store_idx %arg4[%get3A_51], %broadcast_in_dim3A_8 {add = true} : memref<10240xf32, #tpu.memory_space<vmem>>[vector<16xi32>], vector<16xf32>,
      %mul3A_52 = arith.constant 25 : i32
      %mul3A_53 = arith.muli %scan3A_20, %mul3A_52 : i32
      %add3A_54 = arith.constant 4 : i32
      %add3A_55 = arith.addi %mul3A_53, %add3A_54 : i32
      %mul3A_56 = arith.constant 16 : i32
      %mul3A_57 = arith.muli %add3A_55, %mul3A_56 : i32
      %get3A_58 = arith.index_cast %mul3A_57 : i32 to index
      %get3A_59 = tpu.vector_load %arg5[%get3A_58] {strides = array<i32>} : memref<10000xi32, #tpu.memory_space<vmem>>, vector<16xi32>,
      tpu.vector_store_idx %arg4[%get3A_59], %broadcast_in_dim3A_8 {add = true} : memref<10240xf32, #tpu.memory_space<vmem>>[vector<16xi32>], vector<16xf32>,
      %mul3A_60 = arith.constant 25 : i32
      %mul3A_61 = arith.muli %scan3A_20, %mul3A_60 : i32
      %add3A_62 = arith.constant 5 : i32
      %add3A_63 = arith.addi %mul3A_61, %add3A_62 : i32
      %mul3A_64 = arith.constant 16 : i32
      %mul3A_65 = arith.muli %add3A_63, %mul3A_64 : i32
      %get3A_66 = arith.index_cast %mul3A_65 : i32 to index
      %get3A_67 = tpu.vector_load %arg5[%get3A_66] {strides = array<i32>} : memref<10000xi32, #tpu.memory_space<vmem>>, vector<16xi32>,
      tpu.vector_store_idx %arg4[%get3A_67], %broadcast_in_dim3A_8 {add = true} : memref<10240xf32, #tpu.memory_space<vmem>>[vector<16xi32>], vector<16xf32>,
      %mul3A_68 = arith.constant 25 : i32
      %mul3A_69 = arith.muli %scan3A_20, %mul3A_68 : i32
      %add3A_70 = arith.constant 6 : i32
      %add3A_71 = arith.addi %mul3A_69, %add3A_70 : i32
      %mul3A_72 = arith.constant 16 : i32
      %mul3A_73 = arith.muli %add3A_71, %mul3A_72 : i32
      %get3A_74 = arith.index_cast %mul3A_73 : i32 to index
      %get3A_75 = tpu.vector_load %arg5[%get3A_74] {strides = array<i32>} : memref<10000xi32, #tpu.memory_space<vmem>>, vector<16xi32>,
      tpu.vector_store_idx %arg4[%get3A_75], %broadcast_in_dim3A_8 {add = true} : memref<10240xf32, #tpu.memory_space<vmem>>[vector<16xi32>], vector<16xf32>,
      %mul3A_76 = arith.constant 25 : i32
      %mul3A_77 = arith.muli %scan3A_20, %mul3A_76 : i32
      %add3A_78 = arith.constant 7 : i32
      %add3A_79 = arith.addi %mul3A_77, %add3A_78 : i32
      %mul3A_80 = arith.constant 16 : i32
      %mul3A_81 = arith.muli %add3A_79, %mul3A_80 : i32
      %get3A_82 = arith.index_cast %mul3A_81 : i32 to index
      %get3A_83 = tpu.vector_load %arg5[%get3A_82] {strides = array<i32>} : memref<10000xi32, #tpu.memory_space<vmem>>, vector<16xi32>,
      tpu.vector_store_idx %arg4[%get3A_83], %broadcast_in_dim3A_8 {add = true} : memref<10240xf32, #tpu.memory_space<vmem>>[vector<16xi32>], vector<16xf32>,
      %mul3A_84 = arith.constant 25 : i32
      %mul3A_85 = arith.muli %scan3A_20, %mul3A_84 : i32
      %add3A_86 = arith.constant 8 : i32
      %add3A_87 = arith.addi %mul3A_85, %add3A_86 : i32
      %mul3A_88 = arith.constant 16 : i32
      %mul3A_89 = arith.muli %add3A_87, %mul3A_88 : i32
      %get3A_90 = arith.index_cast %mul3A_89 : i32 to index
      %get3A_91 = tpu.vector_load %arg5[%get3A_90] {strides = array<i32>} : memref<10000xi32, #tpu.memory_space<vmem>>, vector<16xi32>,
      tpu.vector_store_idx %arg4[%get3A_91], %broadcast_in_dim3A_8 {add = true} : memref<10240xf32, #tpu.memory_space<vmem>>[vector<16xi32>], vector<16xf32>,
      %mul3A_92 = arith.constant 25 : i32
      %mul3A_93 = arith.muli %scan3A_20, %mul3A_92 : i32
      %add3A_94 = arith.constant 9 : i32
      %add3A_95 = arith.addi %mul3A_93, %add3A_94 : i32
      %mul3A_96 = arith.constant 16 : i32
      %mul3A_97 = arith.muli %add3A_95, %mul3A_96 : i32
      %get3A_98 = arith.index_cast %mul3A_97 : i32 to index
      %get3A_99 = tpu.vector_load %arg5[%get3A_98] {strides = array<i32>} : memref<10000xi32, #tpu.memory_space<vmem>>, vector<16xi32>,
      tpu.vector_store_idx %arg4[%get3A_99], %broadcast_in_dim3A_8 {add = true} : memref<10240xf32, #tpu.memory_space<vmem>>[vector<16xi32>], vector<16xf32>,
      %mul3A_100 = arith.constant 25 : i32
      %mul3A_101 = arith.muli %scan3A_20, %mul3A_100 : i32
      %add3A_102 = arith.constant 10 : i32
      %add3A_103 = arith.addi %mul3A_101, %add3A_102 : i32
      %mul3A_104 = arith.constant 16 : i32
      %mul3A_105 = arith.muli %add3A_103, %mul3A_104 : i32
      %get3A_106 = arith.index_cast %mul3A_105 : i32 to index
      %get3A_107 = tpu.vector_load %arg5[%get3A_106] {strides = array<i32>} : memref<10000xi32, #tpu.memory_space<vmem>>, vector<16xi32>,
      tpu.vector_store_idx %arg4[%get3A_107], %broadcast_in_dim3A_8 {add = true} : memref<10240xf32, #tpu.memory_space<vmem>>[vector<16xi32>], vector<16xf32>,
      %mul3A_108 = arith.constant 25 : i32
      %mul3A_109 = arith.muli %scan3A_20, %mul3A_108 : i32
      %add3A_110 = arith.constant 11 : i32
      %add3A_111 = arith.addi %mul3A_109, %add3A_110 : i32
      %mul3A_112 = arith.constant 16 : i32
      %mul3A_113 = arith.muli %add3A_111, %mul3A_112 : i32
      %get3A_114 = arith.index_cast %mul3A_113 : i32 to index
      %get3A_115 = tpu.vector_load %arg5[%get3A_114] {strides = array<i32>} : memref<10000xi32, #tpu.memory_space<vmem>>, vector<16xi32>,
      tpu.vector_store_idx %arg4[%get3A_115], %broadcast_in_dim3A_8 {add = true} : memref<10240xf32, #tpu.memory_space<vmem>>[vector<16xi32>], vector<16xf32>,
      %mul3A_116 = arith.constant 25 : i32
      %mul3A_117 = arith.muli %scan3A_20, %mul3A_116 : i32
      %add3A_118 = arith.constant 12 : i32
      %add3A_119 = arith.addi %mul3A_117, %add3A_118 : i32
      %mul3A_120 = arith.constant 16 : i32
      %mul3A_121 = arith.muli %add3A_119, %mul3A_120 : i32
      %get3A_122 = arith.index_cast %mul3A_121 : i32 to index
      %get3A_123 = tpu.vector_load %arg5[%get3A_122] {strides = array<i32>} : memref<10000xi32, #tpu.memory_space<vmem>>, vector<16xi32>,
      tpu.vector_store_idx %arg4[%get3A_123], %broadcast_in_dim3A_8 {add = true} : memref<10240xf32, #tpu.memory_space<vmem>>[vector<16xi32>], vector<16xf32>,
      %mul3A_124 = arith.constant 25 : i32
      %mul3A_125 = arith.muli %scan3A_20, %mul3A_124 : i32
      %add3A_126 = arith.constant 13 : i32
      %add3A_127 = arith.addi %mul3A_125, %add3A_126 : i32
      %mul3A_128 = arith.constant 16 : i32
      %mul3A_129 = arith.muli %add3A_127, %mul3A_128 : i32
      %get3A_130 = arith.index_cast %mul3A_129 : i32 to index
      %get3A_131 = tpu.vector_load %arg5[%get3A_130] {strides = array<i32>} : memref<10000xi32, #tpu.memory_space<vmem>>, vector<16xi32>,
      tpu.vector_store_idx %arg4[%get3A_131], %broadcast_in_dim3A_8 {add = true} : memref<10240xf32, #tpu.memory_space<vmem>>[vector<16xi32>], vector<16xf32>,
      %mul3A_132 = arith.constant 25 : i32
      %mul3A_133 = arith.muli %scan3A_20, %mul3A_132 : i32
      %add3A_134 = arith.constant 14 : i32
      %add3A_135 = arith.addi %mul3A_133, %add3A_134 : i32
      %mul3A_136 = arith.constant 16 : i32
      %mul3A_137 = arith.muli %add3A_135, %mul3A_136 : i32
      %get3A_138 = arith.index_cast %mul3A_137 : i32 to index
      %get3A_139 = tpu.vector_load %arg5[%get3A_138] {strides = array<i32>} : memref<10000xi32, #tpu.memory_space<vmem>>, vector<16xi32>,
      tpu.vector_store_idx %arg4[%get3A_139], %broadcast_in_dim3A_8 {add = true} : memref<10240xf32, #tpu.memory_space<vmem>>[vector<16xi32>], vector<16xf32>,
      %mul3A_140 = arith.constant 25 : i32
      %mul3A_141 = arith.muli %scan3A_20, %mul3A_140 : i32
      %add3A_142 = arith.constant 15 : i32
      %add3A_143 = arith.addi %mul3A_141, %add3A_142 : i32
      %mul3A_144 = arith.constant 16 : i32
      %mul3A_145 = arith.muli %add3A_143, %mul3A_144 : i32
      %get3A_146 = arith.index_cast %mul3A_145 : i32 to index
      %get3A_147 = tpu.vector_load %arg5[%get3A_146] {strides = array<i32>} : memref<10000xi32, #tpu.memory_space<vmem>>, vector<16xi32>,
      tpu.vector_store_idx %arg4[%get3A_147], %broadcast_in_dim3A_8 {add = true} : memref<10240xf32, #tpu.memory_space<vmem>>[vector<16xi32>], vector<16xf32>,
      %mul3A_148 = arith.constant 25 : i32
      %mul3A_149 = arith.muli %scan3A_20, %mul3A_148 : i32
      %add3A_150 = arith.constant 16 : i32
      %add3A_151 = arith.addi %mul3A_149, %add3A_150 : i32
      %mul3A_152 = arith.constant 16 : i32
      %mul3A_153 = arith.muli %add3A_151, %mul3A_152 : i32
      %get3A_154 = arith.index_cast %mul3A_153 : i32 to index
      %get3A_155 = tpu.vector_load %arg5[%get3A_154] {strides = array<i32>} : memref<10000xi32, #tpu.memory_space<vmem>>, vector<16xi32>,
      tpu.vector_store_idx %arg4[%get3A_155], %broadcast_in_dim3A_8 {add = true} : memref<10240xf32, #tpu.memory_space<vmem>>[vector<16xi32>], vector<16xf32>,
      %mul3A_156 = arith.constant 25 : i32
      %mul3A_157 = arith.muli %scan3A_20, %mul3A_156 : i32
      %add3A_158 = arith.constant 17 : i32
      %add3A_159 = arith.addi %mul3A_157, %add3A_158 : i32
      %mul3A_160 = arith.constant 16 : i32
      %mul3A_161 = arith.muli %add3A_159, %mul3A_160 : i32
      %get3A_162 = arith.index_cast %mul3A_161 : i32 to index
      %get3A_163 = tpu.vector_load %arg5[%get3A_162] {strides = array<i32>} : memref<10000xi32, #tpu.memory_space<vmem>>, vector<16xi32>,
      tpu.vector_store_idx %arg4[%get3A_163], %broadcast_in_dim3A_8 {add = true} : memref<10240xf32, #tpu.memory_space<vmem>>[vector<16xi32>], vector<16xf32>,
      %mul3A_164 = arith.constant 25 : i32
      %mul3A_165 = arith.muli %scan3A_20, %mul3A_164 : i32
      %add3A_166 = arith.constant 18 : i32
      %add3A_167 = arith.addi %mul3A_165, %add3A_166 : i32
      %mul3A_168 = arith.constant 16 : i32
      %mul3A_169 = arith.muli %add3A_167, %mul3A_168 : i32
      %get3A_170 = arith.index_cast %mul3A_169 : i32 to index
      %get3A_171 = tpu.vector_load %arg5[%get3A_170] {strides = array<i32>} : memref<10000xi32, #tpu.memory_space<vmem>>, vector<16xi32>,
      tpu.vector_store_idx %arg4[%get3A_171], %broadcast_in_dim3A_8 {add = true} : memref<10240xf32, #tpu.memory_space<vmem>>[vector<16xi32>], vector<16xf32>,
      %mul3A_172 = arith.constant 25 : i32
      %mul3A_173 = arith.muli %scan3A_20, %mul3A_172 : i32
      %add3A_174 = arith.constant 19 : i32
      %add3A_175 = arith.addi %mul3A_173, %add3A_174 : i32
      %mul3A_176 = arith.constant 16 : i32
      %mul3A_177 = arith.muli %add3A_175, %mul3A_176 : i32
      %get3A_178 = arith.index_cast %mul3A_177 : i32 to index
      %get3A_179 = tpu.vector_load %arg5[%get3A_178] {strides = array<i32>} : memref<10000xi32, #tpu.memory_space<vmem>>, vector<16xi32>,
      tpu.vector_store_idx %arg4[%get3A_179], %broadcast_in_dim3A_8 {add = true} : memref<10240xf32, #tpu.memory_space<vmem>>[vector<16xi32>], vector<16xf32>,
      %mul3A_180 = arith.constant 25 : i32
      %mul3A_181 = arith.muli %scan3A_20, %mul3A_180 : i32
      %add3A_182 = arith.constant 20 : i32
      %add3A_183 = arith.addi %mul3A_181, %add3A_182 : i32
      %mul3A_184 = arith.constant 16 : i32
      %mul3A_185 = arith.muli %add3A_183, %mul3A_184 : i32
      %get3A_186 = arith.index_cast %mul3A_185 : i32 to index
      %get3A_187 = tpu.vector_load %arg5[%get3A_186] {strides = array<i32>} : memref<10000xi32, #tpu.memory_space<vmem>>, vector<16xi32>,
      tpu.vector_store_idx %arg4[%get3A_187], %broadcast_in_dim3A_8 {add = true} : memref<10240xf32, #tpu.memory_space<vmem>>[vector<16xi32>], vector<16xf32>,
      %mul3A_188 = arith.constant 25 : i32
      %mul3A_189 = arith.muli %scan3A_20, %mul3A_188 : i32
      %add3A_190 = arith.constant 21 : i32
      %add3A_191 = arith.addi %mul3A_189, %add3A_190 : i32
      %mul3A_192 = arith.constant 16 : i32
      %mul3A_193 = arith.muli %add3A_191, %mul3A_192 : i32
      %get3A_194 = arith.index_cast %mul3A_193 : i32 to index
      %get3A_195 = tpu.vector_load %arg5[%get3A_194] {strides = array<i32>} : memref<10000xi32, #tpu.memory_space<vmem>>, vector<16xi32>,
      tpu.vector_store_idx %arg4[%get3A_195], %broadcast_in_dim3A_8 {add = true} : memref<10240xf32, #tpu.memory_space<vmem>>[vector<16xi32>], vector<16xf32>,
      %mul3A_196 = arith.constant 25 : i32
      %mul3A_197 = arith.muli %scan3A_20, %mul3A_196 : i32
      %add3A_198 = arith.constant 22 : i32
      %add3A_199 = arith.addi %mul3A_197, %add3A_198 : i32
      %mul3A_200 = arith.constant 16 : i32
      %mul3A_201 = arith.muli %add3A_199, %mul3A_200 : i32
      %get3A_202 = arith.index_cast %mul3A_201 : i32 to index
      %get3A_203 = tpu.vector_load %arg5[%get3A_202] {strides = array<i32>} : memref<10000xi32, #tpu.memory_space<vmem>>, vector<16xi32>,
      tpu.vector_store_idx %arg4[%get3A_203], %broadcast_in_dim3A_8 {add = true} : memref<10240xf32, #tpu.memory_space<vmem>>[vector<16xi32>], vector<16xf32>,
      %mul3A_204 = arith.constant 25 : i32
      %mul3A_205 = arith.muli %scan3A_20, %mul3A_204 : i32
      %add3A_206 = arith.constant 23 : i32
      %add3A_207 = arith.addi %mul3A_205, %add3A_206 : i32
      %mul3A_208 = arith.constant 16 : i32
      %mul3A_209 = arith.muli %add3A_207, %mul3A_208 : i32
      %get3A_210 = arith.index_cast %mul3A_209 : i32 to index
      %get3A_211 = tpu.vector_load %arg5[%get3A_210] {strides = array<i32>} : memref<10000xi32, #tpu.memory_space<vmem>>, vector<16xi32>,
      tpu.vector_store_idx %arg4[%get3A_211], %broadcast_in_dim3A_8 {add = true} : memref<10240xf32, #tpu.memory_space<vmem>>[vector<16xi32>], vector<16xf32>,
      %mul3A_212 = arith.constant 25 : i32
      %mul3A_213 = arith.muli %scan3A_20, %mul3A_212 : i32
      %add3A_214 = arith.constant 24 : i32
      %add3A_215 = arith.addi %mul3A_213, %add3A_214 : i32
      %mul3A_216 = arith.constant 16 : i32
      %mul3A_217 = arith.muli %add3A_215, %mul3A_216 : i32
      %get3A_218 = arith.index_cast %mul3A_217 : i32 to index
      %get3A_219 = tpu.vector_load %arg5[%get3A_218] {strides = array<i32>} : memref<10000xi32, #tpu.memory_space<vmem>>, vector<16xi32>,
      tpu.vector_store_idx %arg4[%get3A_219], %broadcast_in_dim3A_8 {add = true} : memref<10240xf32, #tpu.memory_space<vmem>>[vector<16xi32>], vector<16xf32>,
    }
    %scan3A_14 = arith.constant 25 : i32
    %mul3A_15 = arith.constant 16 : i32
    %mul3A_16 = arith.muli %arg0, %mul3A_15 : i32
    %add3A_17 = arith.addi %mul3A_16, %arg1 : i32
    %mul3A_18 = arith.constant 10240 : i32
    %mul3A_19 = arith.muli %add3A_17, %mul3A_18 : i32
    "tpu.region"() ({
      %run_scoped3A = tpu.sem_alloc : memref<!tpu.dma_semaphore, #tpu.memory_space<semaphore_mem>>
      %dma_start3A = tpu.memref_slice %arg3[%mul3A_19] : memref<327680xf32, #tpu.memory_space<hbm>> -> memref<10240xf32, #tpu.memory_space<hbm>>
      %dma_start3A_20 = tpu.memref_slice %arg3[%mul3A_19] : memref<327680xf32, #tpu.memory_space<hbm>> -> memref<10240xf32, #tpu.memory_space<hbm>>
      tpu.enqueue_dma source(%arg4 : memref<10240xf32, #tpu.memory_space<vmem>>) target(%dma_start3A_20 : memref<10240xf32, #tpu.memory_space<hbm>>) target_semaphore(%run_scoped3A : memref<!tpu.dma_semaphore, #tpu.memory_space<semaphore_mem>>)
      %dma_wait3A = tpu.memref_slice %arg3[%mul3A_19] : memref<327680xf32, #tpu.memory_space<hbm>> -> memref<10240xf32, #tpu.memory_space<hbm>>
      %dma_wait3A_21 = tpu.memref_slice %arg3[%mul3A_19] : memref<327680xf32, #tpu.memory_space<hbm>> -> memref<10240xf32, #tpu.memory_space<hbm>>
      tpu.wait_dma2 semaphore(%run_scoped3A : memref<!tpu.dma_semaphore, #tpu.memory_space<semaphore_mem>>) src(%arg4 : memref<10240xf32, #tpu.memory_space<vmem>>) dst(%dma_wait3A_21 : memref<10240xf32, #tpu.memory_space<hbm>>)
      tpu.yield
    }) : () -> ()
    return
  }
}

#map = affine_map<(d0, d1) -> (0, 0)>
#map1 = affine_map<(d0, d1) -> (0)>
#map2 = affine_map<(d0, d1) -> (0, 0, 0)>
module attributes {stable_mosaic.version = 14 : i64} {
  func.func @_scatter_sc(%arg0: i32, %arg1: i32, %arg2: memref<10000x128xf32, #tpu.memory_space<hbm>>, %arg3: memref<320000xi32, #tpu.memory_space<hbm>>, %arg4: memref<320000xi32, #tpu.memory_space<hbm>>, %arg5: memref<640x128xf32, #tpu.memory_space<hbm>>, %arg6: memref<2x10240x128xf32, #tpu.memory_space<hbm>>, %arg7: memref<10240x128xf32, #tpu.memory_space<vmem_shared>>, %arg8: memref<10000xi32, #tpu.memory_space<vmem>>, %arg9: memref<3x80xi32, #tpu.memory_space<vmem>>, %arg10: memref<3x80x128xf32, #tpu.memory_space<vmem>>, %arg11: memref<3x!tpu.dma_semaphore, #tpu.memory_space<semaphore_mem>>, %arg12: memref<3x!tpu.dma_semaphore, #tpu.memory_space<semaphore_mem>>, %arg13: memref<3x!tpu.dma_semaphore, #tpu.memory_space<semaphore_mem>>) attributes {dimension_semantics = [#tpu.dimension_semantics<core_parallel>, #tpu.dimension_semantics<subcore_parallel>], iteration_bounds = array<i64: 2, 16>, scalar_prefetch = 0 : i64, scratch_operands = 7 : i64, tpu.core_type = #tpu.core_type<sc_vector_subcore>, window_params = [{transform_indices = #map}, {transform_indices = #map1}, {transform_indices = #map1}, {transform_indices = #map}, {transform_indices = #map2}]} {
    %mul3A = arith.constant 640 : i32
    %mul3A_0 = arith.muli %arg1, %mul3A : i32
    "tpu.region"() ({
      %run_scoped3A = tpu.sem_alloc : memref<!tpu.dma_semaphore, #tpu.memory_space<semaphore_mem>>
      %dma_start3A_112 = arith.constant 0 : i32
      %dma_start3A_113 = tpu.memref_slice %arg7[%mul3A_0, %dma_start3A_112] : memref<10240x128xf32, #tpu.memory_space<vmem_shared>> -> memref<640x128xf32, #tpu.memory_space<vmem_shared>>
      tpu.enqueue_dma source(%arg5 : memref<640x128xf32, #tpu.memory_space<hbm>>) target(%dma_start3A_113 : memref<640x128xf32, #tpu.memory_space<vmem_shared>>) target_semaphore(%run_scoped3A : memref<!tpu.dma_semaphore, #tpu.memory_space<semaphore_mem>>)
      %dma_wait3A_114 = arith.constant 0 : i32
      %dma_wait3A_115 = tpu.memref_slice %arg7[%mul3A_0, %dma_wait3A_114] : memref<10240x128xf32, #tpu.memory_space<vmem_shared>> -> memref<640x128xf32, #tpu.memory_space<vmem_shared>>
      tpu.wait_dma2 semaphore(%run_scoped3A : memref<!tpu.dma_semaphore, #tpu.memory_space<semaphore_mem>>) src(%arg5 : memref<640x128xf32, #tpu.memory_space<hbm>>) dst(%dma_wait3A_115 : memref<640x128xf32, #tpu.memory_space<vmem_shared>>)
      tpu.yield
    }) : () -> ()
    %mul3A_1 = arith.constant 160000 : i32
    %mul3A_2 = arith.muli %arg0, %mul3A_1 : i32
    %mul3A_3 = arith.constant 10000 : i32
    %mul3A_4 = arith.muli %arg1, %mul3A_3 : i32
    %add3A = arith.addi %mul3A_2, %mul3A_4 : i32
    "tpu.region"() ({
      %run_scoped3A = tpu.sem_alloc : memref<!tpu.dma_semaphore, #tpu.memory_space<semaphore_mem>>
      %dma_start3A_112 = tpu.memref_slice %arg3[%add3A] : memref<320000xi32, #tpu.memory_space<hbm>> -> memref<10000xi32, #tpu.memory_space<hbm>>
      %dma_start3A_113 = tpu.memref_slice %arg3[%add3A] : memref<320000xi32, #tpu.memory_space<hbm>> -> memref<10000xi32, #tpu.memory_space<hbm>>
      tpu.enqueue_dma source(%dma_start3A_113 : memref<10000xi32, #tpu.memory_space<hbm>>) target(%arg8 : memref<10000xi32, #tpu.memory_space<vmem>>) target_semaphore(%run_scoped3A : memref<!tpu.dma_semaphore, #tpu.memory_space<semaphore_mem>>)
      %dma_wait3A_114 = tpu.memref_slice %arg3[%add3A] : memref<320000xi32, #tpu.memory_space<hbm>> -> memref<10000xi32, #tpu.memory_space<hbm>>
      %dma_wait3A_115 = tpu.memref_slice %arg3[%add3A] : memref<320000xi32, #tpu.memory_space<hbm>> -> memref<10000xi32, #tpu.memory_space<hbm>>
      tpu.wait_dma2 semaphore(%run_scoped3A : memref<!tpu.dma_semaphore, #tpu.memory_space<semaphore_mem>>) src(%dma_wait3A_115 : memref<10000xi32, #tpu.memory_space<hbm>>) dst(%arg8 : memref<10000xi32, #tpu.memory_space<vmem>>)
      tpu.yield
    }) : () -> ()
    %barrier3A = arith.constant 0 : index
    tpu.barrier barrier_id(%barrier3A)
    %dma_start3A = arith.constant 0 : i32
    %dma_start3A_5 = arith.constant 0 : i32
    %dma_start3A_6 = arith.constant 0 : i32
    %dma_start3A_7 = arith.constant 0 : i32
    %dma_start3A_8 = tpu.memref_slice %arg10[%dma_start3A, %dma_start3A_6, %dma_start3A_7] : memref<3x80x128xf32, #tpu.memory_space<vmem>> -> memref<1x80x128xf32, #tpu.memory_space<vmem>>
    %dma_start3A_9 = tpu.memref_squeeze %dma_start3A_8 : memref<1x80x128xf32, #tpu.memory_space<vmem>> -> memref<80x128xf32, #tpu.memory_space<vmem>>
    %dma_start3A_10 = arith.constant 0 : i32
    %dma_start3A_11 = tpu.memref_slice %arg8[%dma_start3A_10] : memref<10000xi32, #tpu.memory_space<vmem>> -> memref<80xi32, #tpu.memory_space<vmem>>
    %dma_start3A_12 = arith.constant 0 : i32
    %dma_start3A_13 = arith.constant 0 : i32
    %dma_start3A_14 = tpu.memref_slice %arg2[%dma_start3A_12, %dma_start3A_13] : memref<10000x128xf32, #tpu.memory_space<hbm>> -> memref<10000x128xf32, #tpu.memory_space<hbm>>
    %dma_start3A_15 = tpu.memref_slice %arg11[%dma_start3A_5] : memref<3x!tpu.dma_semaphore, #tpu.memory_space<semaphore_mem>> -> memref<1x!tpu.dma_semaphore, #tpu.memory_space<semaphore_mem>>
    %dma_start3A_16 = tpu.memref_squeeze %dma_start3A_15 : memref<1x!tpu.dma_semaphore, #tpu.memory_space<semaphore_mem>> -> memref<!tpu.dma_semaphore, #tpu.memory_space<semaphore_mem>>
    tpu.enqueue_indirect_dma source(%dma_start3A_14 : memref<10000x128xf32, #tpu.memory_space<hbm>>) target(%dma_start3A_9 : memref<80x128xf32, #tpu.memory_space<vmem>>) offsets(%dma_start3A_11 : memref<80xi32, #tpu.memory_space<vmem>>) semaphore(%dma_start3A_16 : memref<!tpu.dma_semaphore, #tpu.memory_space<semaphore_mem>>)
    %add3A_17 = arith.constant 0 : i32
    %add3A_18 = arith.addi %add3A, %add3A_17 : i32
    %dma_start3A_19 = arith.constant 0 : i32
    %dma_start3A_20 = arith.constant 0 : i32
    %dma_start3A_21 = arith.constant 0 : i32
    %dma_start3A_22 = tpu.memref_slice %arg9[%dma_start3A_19, %dma_start3A_21] : memref<3x80xi32, #tpu.memory_space<vmem>> -> memref<1x80xi32, #tpu.memory_space<vmem>>
    %dma_start3A_23 = tpu.memref_squeeze %dma_start3A_22 : memref<1x80xi32, #tpu.memory_space<vmem>> -> memref<80xi32, #tpu.memory_space<vmem>>
    %dma_start3A_24 = tpu.memref_slice %arg4[%add3A_18] : memref<320000xi32, #tpu.memory_space<hbm>> -> memref<80xi32, #tpu.memory_space<hbm>>
    %dma_start3A_25 = tpu.memref_slice %arg12[%dma_start3A_20] : memref<3x!tpu.dma_semaphore, #tpu.memory_space<semaphore_mem>> -> memref<1x!tpu.dma_semaphore, #tpu.memory_space<semaphore_mem>>
    %dma_start3A_26 = tpu.memref_squeeze %dma_start3A_25 : memref<1x!tpu.dma_semaphore, #tpu.memory_space<semaphore_mem>> -> memref<!tpu.dma_semaphore, #tpu.memory_space<semaphore_mem>>
    %dma_start3A_27 = arith.constant 0 : i32
    %dma_start3A_28 = tpu.memref_slice %arg9[%dma_start3A_19, %dma_start3A_27] : memref<3x80xi32, #tpu.memory_space<vmem>> -> memref<1x80xi32, #tpu.memory_space<vmem>>
    %dma_start3A_29 = tpu.memref_squeeze %dma_start3A_28 : memref<1x80xi32, #tpu.memory_space<vmem>> -> memref<80xi32, #tpu.memory_space<vmem>>
    %dma_start3A_30 = tpu.memref_slice %arg4[%add3A_18] : memref<320000xi32, #tpu.memory_space<hbm>> -> memref<80xi32, #tpu.memory_space<hbm>>
    tpu.enqueue_dma source(%dma_start3A_30 : memref<80xi32, #tpu.memory_space<hbm>>) target(%dma_start3A_29 : memref<80xi32, #tpu.memory_space<vmem>>) target_semaphore(%dma_start3A_26 : memref<!tpu.dma_semaphore, #tpu.memory_space<semaphore_mem>>)
    %dma_start3A_31 = arith.constant 1 : i32
    %dma_start3A_32 = arith.constant 1 : i32
    %dma_start3A_33 = arith.constant 0 : i32
    %dma_start3A_34 = arith.constant 0 : i32
    %dma_start3A_35 = tpu.memref_slice %arg10[%dma_start3A_31, %dma_start3A_33, %dma_start3A_34] : memref<3x80x128xf32, #tpu.memory_space<vmem>> -> memref<1x80x128xf32, #tpu.memory_space<vmem>>
    %dma_start3A_36 = tpu.memref_squeeze %dma_start3A_35 : memref<1x80x128xf32, #tpu.memory_space<vmem>> -> memref<80x128xf32, #tpu.memory_space<vmem>>
    %dma_start3A_37 = arith.constant 80 : i32
    %dma_start3A_38 = tpu.memref_slice %arg8[%dma_start3A_37] : memref<10000xi32, #tpu.memory_space<vmem>> -> memref<80xi32, #tpu.memory_space<vmem>>
    %dma_start3A_39 = arith.constant 0 : i32
    %dma_start3A_40 = arith.constant 0 : i32
    %dma_start3A_41 = tpu.memref_slice %arg2[%dma_start3A_39, %dma_start3A_40] : memref<10000x128xf32, #tpu.memory_space<hbm>> -> memref<10000x128xf32, #tpu.memory_space<hbm>>
    %dma_start3A_42 = tpu.memref_slice %arg11[%dma_start3A_32] : memref<3x!tpu.dma_semaphore, #tpu.memory_space<semaphore_mem>> -> memref<1x!tpu.dma_semaphore, #tpu.memory_space<semaphore_mem>>
    %dma_start3A_43 = tpu.memref_squeeze %dma_start3A_42 : memref<1x!tpu.dma_semaphore, #tpu.memory_space<semaphore_mem>> -> memref<!tpu.dma_semaphore, #tpu.memory_space<semaphore_mem>>
    tpu.enqueue_indirect_dma source(%dma_start3A_41 : memref<10000x128xf32, #tpu.memory_space<hbm>>) target(%dma_start3A_36 : memref<80x128xf32, #tpu.memory_space<vmem>>) offsets(%dma_start3A_38 : memref<80xi32, #tpu.memory_space<vmem>>) semaphore(%dma_start3A_43 : memref<!tpu.dma_semaphore, #tpu.memory_space<semaphore_mem>>)
    %add3A_44 = arith.constant 80 : i32
    %add3A_45 = arith.addi %add3A, %add3A_44 : i32
    %dma_start3A_46 = arith.constant 1 : i32
    %dma_start3A_47 = arith.constant 1 : i32
    %dma_start3A_48 = arith.constant 0 : i32
    %dma_start3A_49 = tpu.memref_slice %arg9[%dma_start3A_46, %dma_start3A_48] : memref<3x80xi32, #tpu.memory_space<vmem>> -> memref<1x80xi32, #tpu.memory_space<vmem>>
    %dma_start3A_50 = tpu.memref_squeeze %dma_start3A_49 : memref<1x80xi32, #tpu.memory_space<vmem>> -> memref<80xi32, #tpu.memory_space<vmem>>
    %dma_start3A_51 = tpu.memref_slice %arg4[%add3A_45] : memref<320000xi32, #tpu.memory_space<hbm>> -> memref<80xi32, #tpu.memory_space<hbm>>
    %dma_start3A_52 = tpu.memref_slice %arg12[%dma_start3A_47] : memref<3x!tpu.dma_semaphore, #tpu.memory_space<semaphore_mem>> -> memref<1x!tpu.dma_semaphore, #tpu.memory_space<semaphore_mem>>
    %dma_start3A_53 = tpu.memref_squeeze %dma_start3A_52 : memref<1x!tpu.dma_semaphore, #tpu.memory_space<semaphore_mem>> -> memref<!tpu.dma_semaphore, #tpu.memory_space<semaphore_mem>>
    %dma_start3A_54 = arith.constant 0 : i32
    %dma_start3A_55 = tpu.memref_slice %arg9[%dma_start3A_46, %dma_start3A_54] : memref<3x80xi32, #tpu.memory_space<vmem>> -> memref<1x80xi32, #tpu.memory_space<vmem>>
    %dma_start3A_56 = tpu.memref_squeeze %dma_start3A_55 : memref<1x80xi32, #tpu.memory_space<vmem>> -> memref<80xi32, #tpu.memory_space<vmem>>
    %dma_start3A_57 = tpu.memref_slice %arg4[%add3A_45] : memref<320000xi32, #tpu.memory_space<hbm>> -> memref<80xi32, #tpu.memory_space<hbm>>
    tpu.enqueue_dma source(%dma_start3A_57 : memref<80xi32, #tpu.memory_space<hbm>>) target(%dma_start3A_56 : memref<80xi32, #tpu.memory_space<vmem>>) target_semaphore(%dma_start3A_53 : memref<!tpu.dma_semaphore, #tpu.memory_space<semaphore_mem>>)
    %scan3A = arith.constant 0 : i32
    %scan3A_58 = arith.constant 0 : i32
    %scan3A_59 = arith.constant 125 : i32
    %scan3A_60 = arith.addi %scan3A_58, %scan3A_59 : i32
    %scan3A_61 = arith.constant 1 : i32
    scf.for %scan3A_112 = %scan3A_58 to %scan3A_60 step %scan3A_61  : i32 {
      %rem3A = arith.constant 3 : i32
      %rem3A_113 = arith.remsi %scan3A_112, %rem3A : i32
      %add3A_114 = arith.constant 3 : i32
      %add3A_115 = arith.addi %scan3A_112, %add3A_114 : i32
      %sub3A = arith.constant 1 : i32
      %sub3A_116 = arith.subi %add3A_115, %sub3A : i32
      %rem3A_117 = arith.constant 3 : i32
      %rem3A_118 = arith.remsi %sub3A_116, %rem3A_117 : i32
      %mul3A_119 = arith.constant 80 : i32
      %mul3A_120 = arith.muli %scan3A_112, %mul3A_119 : i32
      %dma_wait3A_121 = arith.constant 0 : i32
      %dma_wait3A_122 = arith.constant 0 : i32
      %dma_wait3A_123 = tpu.memref_slice %arg10[%rem3A_113, %dma_wait3A_121, %dma_wait3A_122] : memref<3x80x128xf32, #tpu.memory_space<vmem>> -> memref<1x80x128xf32, #tpu.memory_space<vmem>>
      %dma_wait3A_124 = tpu.memref_squeeze %dma_wait3A_123 : memref<1x80x128xf32, #tpu.memory_space<vmem>> -> memref<80x128xf32, #tpu.memory_space<vmem>>
      %dma_wait3A_125 = tpu.memref_slice %arg8[%mul3A_120] : memref<10000xi32, #tpu.memory_space<vmem>> -> memref<80xi32, #tpu.memory_space<vmem>>
      %dma_wait3A_126 = arith.constant 0 : i32
      %dma_wait3A_127 = arith.constant 0 : i32
      %dma_wait3A_128 = tpu.memref_slice %arg2[%dma_wait3A_126, %dma_wait3A_127] : memref<10000x128xf32, #tpu.memory_space<hbm>> -> memref<10000x128xf32, #tpu.memory_space<hbm>>
      %dma_wait3A_129 = tpu.memref_slice %arg11[%rem3A_113] : memref<3x!tpu.dma_semaphore, #tpu.memory_space<semaphore_mem>> -> memref<1x!tpu.dma_semaphore, #tpu.memory_space<semaphore_mem>>
      %dma_wait3A_130 = tpu.memref_squeeze %dma_wait3A_129 : memref<1x!tpu.dma_semaphore, #tpu.memory_space<semaphore_mem>> -> memref<!tpu.dma_semaphore, #tpu.memory_space<semaphore_mem>>
      tpu.wait_indirect_dma semaphore(%dma_wait3A_130 : memref<!tpu.dma_semaphore, #tpu.memory_space<semaphore_mem>>) src(%dma_wait3A_128 : memref<10000x128xf32, #tpu.memory_space<hbm>>) dst(%dma_wait3A_124 : memref<80x128xf32, #tpu.memory_space<vmem>>)
      %dma_wait3A_131 = arith.constant 0 : i32
      %dma_wait3A_132 = tpu.memref_slice %arg9[%rem3A_113, %dma_wait3A_131] : memref<3x80xi32, #tpu.memory_space<vmem>> -> memref<1x80xi32, #tpu.memory_space<vmem>>
      %dma_wait3A_133 = tpu.memref_squeeze %dma_wait3A_132 : memref<1x80xi32, #tpu.memory_space<vmem>> -> memref<80xi32, #tpu.memory_space<vmem>>
      %dma_wait3A_134 = tpu.memref_slice %arg4[%add3A] : memref<320000xi32, #tpu.memory_space<hbm>> -> memref<80xi32, #tpu.memory_space<hbm>>
      %dma_wait3A_135 = tpu.memref_slice %arg12[%rem3A_113] : memref<3x!tpu.dma_semaphore, #tpu.memory_space<semaphore_mem>> -> memref<1x!tpu.dma_semaphore, #tpu.memory_space<semaphore_mem>>
      %dma_wait3A_136 = tpu.memref_squeeze %dma_wait3A_135 : memref<1x!tpu.dma_semaphore, #tpu.memory_space<semaphore_mem>> -> memref<!tpu.dma_semaphore, #tpu.memory_space<semaphore_mem>>
      %dma_wait3A_137 = arith.constant 0 : i32
      %dma_wait3A_138 = tpu.memref_slice %arg9[%rem3A_113, %dma_wait3A_137] : memref<3x80xi32, #tpu.memory_space<vmem>> -> memref<1x80xi32, #tpu.memory_space<vmem>>
      %dma_wait3A_139 = tpu.memref_squeeze %dma_wait3A_138 : memref<1x80xi32, #tpu.memory_space<vmem>> -> memref<80xi32, #tpu.memory_space<vmem>>
      %dma_wait3A_140 = tpu.memref_slice %arg4[%add3A] : memref<320000xi32, #tpu.memory_space<hbm>> -> memref<80xi32, #tpu.memory_space<hbm>>
      tpu.wait_dma2 semaphore(%dma_wait3A_136 : memref<!tpu.dma_semaphore, #tpu.memory_space<semaphore_mem>>) src(%dma_wait3A_140 : memref<80xi32, #tpu.memory_space<hbm>>) dst(%dma_wait3A_139 : memref<80xi32, #tpu.memory_space<vmem>>)
      %dma_start3A_141 = arith.constant 0 : i32
      %dma_start3A_142 = arith.constant 0 : i32
      %dma_start3A_143 = tpu.memref_slice %arg10[%rem3A_113, %dma_start3A_141, %dma_start3A_142] : memref<3x80x128xf32, #tpu.memory_space<vmem>> -> memref<1x80x128xf32, #tpu.memory_space<vmem>>
      %dma_start3A_144 = tpu.memref_squeeze %dma_start3A_143 : memref<1x80x128xf32, #tpu.memory_space<vmem>> -> memref<80x128xf32, #tpu.memory_space<vmem>>
      %dma_start3A_145 = arith.constant 0 : i32
      %dma_start3A_146 = tpu.memref_slice %arg9[%rem3A_113, %dma_start3A_145] : memref<3x80xi32, #tpu.memory_space<vmem>> -> memref<1x80xi32, #tpu.memory_space<vmem>>
      %dma_start3A_147 = tpu.memref_squeeze %dma_start3A_146 : memref<1x80xi32, #tpu.memory_space<vmem>> -> memref<80xi32, #tpu.memory_space<vmem>>
      %dma_start3A_148 = arith.constant 0 : i32
      %dma_start3A_149 = arith.constant 0 : i32
      %dma_start3A_150 = tpu.memref_slice %arg7[%dma_start3A_148, %dma_start3A_149] : memref<10240x128xf32, #tpu.memory_space<vmem_shared>> -> memref<10240x128xf32, #tpu.memory_space<vmem_shared>>
      %dma_start3A_151 = tpu.memref_slice %arg13[%rem3A_113] : memref<3x!tpu.dma_semaphore, #tpu.memory_space<semaphore_mem>> -> memref<1x!tpu.dma_semaphore, #tpu.memory_space<semaphore_mem>>
      %dma_start3A_152 = tpu.memref_squeeze %dma_start3A_151 : memref<1x!tpu.dma_semaphore, #tpu.memory_space<semaphore_mem>> -> memref<!tpu.dma_semaphore, #tpu.memory_space<semaphore_mem>>
      tpu.enqueue_indirect_dma source(%dma_start3A_144 : memref<80x128xf32, #tpu.memory_space<vmem>>) target(%dma_start3A_150 : memref<10240x128xf32, #tpu.memory_space<vmem_shared>>) offsets(%dma_start3A_147 : memref<80xi32, #tpu.memory_space<vmem>>) semaphore(%dma_start3A_152 : memref<!tpu.dma_semaphore, #tpu.memory_space<semaphore_mem>>) {add = true}
      %add3A_153 = arith.constant 3 : i32
      %add3A_154 = arith.addi %scan3A_112, %add3A_153 : i32
      %sub3A_155 = arith.constant 1 : i32
      %sub3A_156 = arith.subi %add3A_154, %sub3A_155 : i32
      %lt3A = arith.constant 125 : i32
      %lt3A_157 = arith.cmpi slt, %sub3A_156, %lt3A : i32
      %convert_element_type3A = arith.extui %lt3A_157 : i1 to i32
      %cond3A = arith.constant 0 : i32
      %cond3A_158 = arith.cmpi ne, %convert_element_type3A, %cond3A : i32
      scf.if %cond3A_158 {
        %ge3A = arith.constant 1 : i32
        %ge3A_159 = arith.cmpi sge, %scan3A_112, %ge3A : i32
        %convert_element_type3A_160 = arith.extui %ge3A_159 : i1 to i32
        %cond3A_161 = arith.constant 0 : i32
        %cond3A_162 = arith.cmpi ne, %convert_element_type3A_160, %cond3A_161 : i32
        scf.if %cond3A_162 {
          %dma_wait3A_196 = arith.constant 0 : i32
          %dma_wait3A_197 = arith.constant 0 : i32
          %dma_wait3A_198 = tpu.memref_slice %arg10[%rem3A_118, %dma_wait3A_196, %dma_wait3A_197] : memref<3x80x128xf32, #tpu.memory_space<vmem>> -> memref<1x80x128xf32, #tpu.memory_space<vmem>>
          %dma_wait3A_199 = tpu.memref_squeeze %dma_wait3A_198 : memref<1x80x128xf32, #tpu.memory_space<vmem>> -> memref<80x128xf32, #tpu.memory_space<vmem>>
          %dma_wait3A_200 = arith.constant 0 : i32
          %dma_wait3A_201 = tpu.memref_slice %arg9[%rem3A_118, %dma_wait3A_200] : memref<3x80xi32, #tpu.memory_space<vmem>> -> memref<1x80xi32, #tpu.memory_space<vmem>>
          %dma_wait3A_202 = tpu.memref_squeeze %dma_wait3A_201 : memref<1x80xi32, #tpu.memory_space<vmem>> -> memref<80xi32, #tpu.memory_space<vmem>>
          %dma_wait3A_203 = arith.constant 0 : i32
          %dma_wait3A_204 = arith.constant 0 : i32
          %dma_wait3A_205 = tpu.memref_slice %arg7[%dma_wait3A_203, %dma_wait3A_204] : memref<10240x128xf32, #tpu.memory_space<vmem_shared>> -> memref<10240x128xf32, #tpu.memory_space<vmem_shared>>
          %dma_wait3A_206 = tpu.memref_slice %arg13[%rem3A_118] : memref<3x!tpu.dma_semaphore, #tpu.memory_space<semaphore_mem>> -> memref<1x!tpu.dma_semaphore, #tpu.memory_space<semaphore_mem>>
          %dma_wait3A_207 = tpu.memref_squeeze %dma_wait3A_206 : memref<1x!tpu.dma_semaphore, #tpu.memory_space<semaphore_mem>> -> memref<!tpu.dma_semaphore, #tpu.memory_space<semaphore_mem>>
          tpu.wait_indirect_dma semaphore(%dma_wait3A_207 : memref<!tpu.dma_semaphore, #tpu.memory_space<semaphore_mem>>) src(%dma_wait3A_199 : memref<80x128xf32, #tpu.memory_space<vmem>>) dst(%dma_wait3A_205 : memref<10240x128xf32, #tpu.memory_space<vmem_shared>>)
        } else {
        }
        %add3A_163 = arith.constant 3 : i32
        %add3A_164 = arith.addi %scan3A_112, %add3A_163 : i32
        %sub3A_165 = arith.constant 1 : i32
        %sub3A_166 = arith.subi %add3A_164, %sub3A_165 : i32
        %mul3A_167 = arith.constant 80 : i32
        %mul3A_168 = arith.muli %sub3A_166, %mul3A_167 : i32
        %dma_start3A_169 = arith.constant 0 : i32
        %dma_start3A_170 = arith.constant 0 : i32
        %dma_start3A_171 = tpu.memref_slice %arg10[%rem3A_118, %dma_start3A_169, %dma_start3A_170] : memref<3x80x128xf32, #tpu.memory_space<vmem>> -> memref<1x80x128xf32, #tpu.memory_space<vmem>>
        %dma_start3A_172 = tpu.memref_squeeze %dma_start3A_171 : memref<1x80x128xf32, #tpu.memory_space<vmem>> -> memref<80x128xf32, #tpu.memory_space<vmem>>
        %dma_start3A_173 = tpu.memref_slice %arg8[%mul3A_168] : memref<10000xi32, #tpu.memory_space<vmem>> -> memref<80xi32, #tpu.memory_space<vmem>>
        %dma_start3A_174 = arith.constant 0 : i32
        %dma_start3A_175 = arith.constant 0 : i32
        %dma_start3A_176 = tpu.memref_slice %arg2[%dma_start3A_174, %dma_start3A_175] : memref<10000x128xf32, #tpu.memory_space<hbm>> -> memref<10000x128xf32, #tpu.memory_space<hbm>>
        %dma_start3A_177 = tpu.memref_slice %arg11[%rem3A_118] : memref<3x!tpu.dma_semaphore, #tpu.memory_space<semaphore_mem>> -> memref<1x!tpu.dma_semaphore, #tpu.memory_space<semaphore_mem>>
        %dma_start3A_178 = tpu.memref_squeeze %dma_start3A_177 : memref<1x!tpu.dma_semaphore, #tpu.memory_space<semaphore_mem>> -> memref<!tpu.dma_semaphore, #tpu.memory_space<semaphore_mem>>
        tpu.enqueue_indirect_dma source(%dma_start3A_176 : memref<10000x128xf32, #tpu.memory_space<hbm>>) target(%dma_start3A_172 : memref<80x128xf32, #tpu.memory_space<vmem>>) offsets(%dma_start3A_173 : memref<80xi32, #tpu.memory_space<vmem>>) semaphore(%dma_start3A_178 : memref<!tpu.dma_semaphore, #tpu.memory_space<semaphore_mem>>)
        %add3A_179 = arith.constant 3 : i32
        %add3A_180 = arith.addi %scan3A_112, %add3A_179 : i32
        %sub3A_181 = arith.constant 1 : i32
        %sub3A_182 = arith.subi %add3A_180, %sub3A_181 : i32
        %mul3A_183 = arith.constant 80 : i32
        %mul3A_184 = arith.muli %sub3A_182, %mul3A_183 : i32
        %add3A_185 = arith.addi %add3A, %mul3A_184 : i32
        %dma_start3A_186 = arith.constant 0 : i32
        %dma_start3A_187 = tpu.memref_slice %arg9[%rem3A_118, %dma_start3A_186] : memref<3x80xi32, #tpu.memory_space<vmem>> -> memref<1x80xi32, #tpu.memory_space<vmem>>
        %dma_start3A_188 = tpu.memref_squeeze %dma_start3A_187 : memref<1x80xi32, #tpu.memory_space<vmem>> -> memref<80xi32, #tpu.memory_space<vmem>>
        %dma_start3A_189 = tpu.memref_slice %arg4[%add3A_185] : memref<320000xi32, #tpu.memory_space<hbm>> -> memref<80xi32, #tpu.memory_space<hbm>>
        %dma_start3A_190 = tpu.memref_slice %arg12[%rem3A_118] : memref<3x!tpu.dma_semaphore, #tpu.memory_space<semaphore_mem>> -> memref<1x!tpu.dma_semaphore, #tpu.memory_space<semaphore_mem>>
        %dma_start3A_191 = tpu.memref_squeeze %dma_start3A_190 : memref<1x!tpu.dma_semaphore, #tpu.memory_space<semaphore_mem>> -> memref<!tpu.dma_semaphore, #tpu.memory_space<semaphore_mem>>
        %dma_start3A_192 = arith.constant 0 : i32
        %dma_start3A_193 = tpu.memref_slice %arg9[%rem3A_118, %dma_start3A_192] : memref<3x80xi32, #tpu.memory_space<vmem>> -> memref<1x80xi32, #tpu.memory_space<vmem>>
        %dma_start3A_194 = tpu.memref_squeeze %dma_start3A_193 : memref<1x80xi32, #tpu.memory_space<vmem>> -> memref<80xi32, #tpu.memory_space<vmem>>
        %dma_start3A_195 = tpu.memref_slice %arg4[%add3A_185] : memref<320000xi32, #tpu.memory_space<hbm>> -> memref<80xi32, #tpu.memory_space<hbm>>
        tpu.enqueue_dma source(%dma_start3A_195 : memref<80xi32, #tpu.memory_space<hbm>>) target(%dma_start3A_194 : memref<80xi32, #tpu.memory_space<vmem>>) target_semaphore(%dma_start3A_191 : memref<!tpu.dma_semaphore, #tpu.memory_space<semaphore_mem>>)
      } else {
      }
    }
    %scan3A_62 = arith.constant 125 : i32
    %dma_wait3A = arith.constant 0 : i32
    %dma_wait3A_63 = arith.constant 0 : i32
    %dma_wait3A_64 = arith.constant 0 : i32
    %dma_wait3A_65 = arith.constant 0 : i32
    %dma_wait3A_66 = arith.constant 0 : i32
    %dma_wait3A_67 = tpu.memref_slice %arg10[%dma_wait3A, %dma_wait3A_65, %dma_wait3A_66] : memref<3x80x128xf32, #tpu.memory_space<vmem>> -> memref<1x80x128xf32, #tpu.memory_space<vmem>>
    %dma_wait3A_68 = tpu.memref_squeeze %dma_wait3A_67 : memref<1x80x128xf32, #tpu.memory_space<vmem>> -> memref<80x128xf32, #tpu.memory_space<vmem>>
    %dma_wait3A_69 = arith.constant 0 : i32
    %dma_wait3A_70 = tpu.memref_slice %arg9[%dma_wait3A_63, %dma_wait3A_69] : memref<3x80xi32, #tpu.memory_space<vmem>> -> memref<1x80xi32, #tpu.memory_space<vmem>>
    %dma_wait3A_71 = tpu.memref_squeeze %dma_wait3A_70 : memref<1x80xi32, #tpu.memory_space<vmem>> -> memref<80xi32, #tpu.memory_space<vmem>>
    %dma_wait3A_72 = arith.constant 0 : i32
    %dma_wait3A_73 = arith.constant 0 : i32
    %dma_wait3A_74 = tpu.memref_slice %arg7[%dma_wait3A_72, %dma_wait3A_73] : memref<10240x128xf32, #tpu.memory_space<vmem_shared>> -> memref<10240x128xf32, #tpu.memory_space<vmem_shared>>
    %dma_wait3A_75 = tpu.memref_slice %arg13[%dma_wait3A_64] : memref<3x!tpu.dma_semaphore, #tpu.memory_space<semaphore_mem>> -> memref<1x!tpu.dma_semaphore, #tpu.memory_space<semaphore_mem>>
    %dma_wait3A_76 = tpu.memref_squeeze %dma_wait3A_75 : memref<1x!tpu.dma_semaphore, #tpu.memory_space<semaphore_mem>> -> memref<!tpu.dma_semaphore, #tpu.memory_space<semaphore_mem>>
    tpu.wait_indirect_dma semaphore(%dma_wait3A_76 : memref<!tpu.dma_semaphore, #tpu.memory_space<semaphore_mem>>) src(%dma_wait3A_68 : memref<80x128xf32, #tpu.memory_space<vmem>>) dst(%dma_wait3A_74 : memref<10240x128xf32, #tpu.memory_space<vmem_shared>>)
    %dma_wait3A_77 = arith.constant 1 : i32
    %dma_wait3A_78 = arith.constant 1 : i32
    %dma_wait3A_79 = arith.constant 1 : i32
    %dma_wait3A_80 = arith.constant 0 : i32
    %dma_wait3A_81 = arith.constant 0 : i32
    %dma_wait3A_82 = tpu.memref_slice %arg10[%dma_wait3A_77, %dma_wait3A_80, %dma_wait3A_81] : memref<3x80x128xf32, #tpu.memory_space<vmem>> -> memref<1x80x128xf32, #tpu.memory_space<vmem>>
    %dma_wait3A_83 = tpu.memref_squeeze %dma_wait3A_82 : memref<1x80x128xf32, #tpu.memory_space<vmem>> -> memref<80x128xf32, #tpu.memory_space<vmem>>
    %dma_wait3A_84 = arith.constant 0 : i32
    %dma_wait3A_85 = tpu.memref_slice %arg9[%dma_wait3A_78, %dma_wait3A_84] : memref<3x80xi32, #tpu.memory_space<vmem>> -> memref<1x80xi32, #tpu.memory_space<vmem>>
    %dma_wait3A_86 = tpu.memref_squeeze %dma_wait3A_85 : memref<1x80xi32, #tpu.memory_space<vmem>> -> memref<80xi32, #tpu.memory_space<vmem>>
    %dma_wait3A_87 = arith.constant 0 : i32
    %dma_wait3A_88 = arith.constant 0 : i32
    %dma_wait3A_89 = tpu.memref_slice %arg7[%dma_wait3A_87, %dma_wait3A_88] : memref<10240x128xf32, #tpu.memory_space<vmem_shared>> -> memref<10240x128xf32, #tpu.memory_space<vmem_shared>>
    %dma_wait3A_90 = tpu.memref_slice %arg13[%dma_wait3A_79] : memref<3x!tpu.dma_semaphore, #tpu.memory_space<semaphore_mem>> -> memref<1x!tpu.dma_semaphore, #tpu.memory_space<semaphore_mem>>
    %dma_wait3A_91 = tpu.memref_squeeze %dma_wait3A_90 : memref<1x!tpu.dma_semaphore, #tpu.memory_space<semaphore_mem>> -> memref<!tpu.dma_semaphore, #tpu.memory_space<semaphore_mem>>
    tpu.wait_indirect_dma semaphore(%dma_wait3A_91 : memref<!tpu.dma_semaphore, #tpu.memory_space<semaphore_mem>>) src(%dma_wait3A_83 : memref<80x128xf32, #tpu.memory_space<vmem>>) dst(%dma_wait3A_89 : memref<10240x128xf32, #tpu.memory_space<vmem_shared>>)
    %dma_wait3A_92 = arith.constant 2 : i32
    %dma_wait3A_93 = arith.constant 2 : i32
    %dma_wait3A_94 = arith.constant 2 : i32
    %dma_wait3A_95 = arith.constant 0 : i32
    %dma_wait3A_96 = arith.constant 0 : i32
    %dma_wait3A_97 = tpu.memref_slice %arg10[%dma_wait3A_92, %dma_wait3A_95, %dma_wait3A_96] : memref<3x80x128xf32, #tpu.memory_space<vmem>> -> memref<1x80x128xf32, #tpu.memory_space<vmem>>
    %dma_wait3A_98 = tpu.memref_squeeze %dma_wait3A_97 : memref<1x80x128xf32, #tpu.memory_space<vmem>> -> memref<80x128xf32, #tpu.memory_space<vmem>>
    %dma_wait3A_99 = arith.constant 0 : i32
    %dma_wait3A_100 = tpu.memref_slice %arg9[%dma_wait3A_93, %dma_wait3A_99] : memref<3x80xi32, #tpu.memory_space<vmem>> -> memref<1x80xi32, #tpu.memory_space<vmem>>
    %dma_wait3A_101 = tpu.memref_squeeze %dma_wait3A_100 : memref<1x80xi32, #tpu.memory_space<vmem>> -> memref<80xi32, #tpu.memory_space<vmem>>
    %dma_wait3A_102 = arith.constant 0 : i32
    %dma_wait3A_103 = arith.constant 0 : i32
    %dma_wait3A_104 = tpu.memref_slice %arg7[%dma_wait3A_102, %dma_wait3A_103] : memref<10240x128xf32, #tpu.memory_space<vmem_shared>> -> memref<10240x128xf32, #tpu.memory_space<vmem_shared>>
    %dma_wait3A_105 = tpu.memref_slice %arg13[%dma_wait3A_94] : memref<3x!tpu.dma_semaphore, #tpu.memory_space<semaphore_mem>> -> memref<1x!tpu.dma_semaphore, #tpu.memory_space<semaphore_mem>>
    %dma_wait3A_106 = tpu.memref_squeeze %dma_wait3A_105 : memref<1x!tpu.dma_semaphore, #tpu.memory_space<semaphore_mem>> -> memref<!tpu.dma_semaphore, #tpu.memory_space<semaphore_mem>>
    tpu.wait_indirect_dma semaphore(%dma_wait3A_106 : memref<!tpu.dma_semaphore, #tpu.memory_space<semaphore_mem>>) src(%dma_wait3A_98 : memref<80x128xf32, #tpu.memory_space<vmem>>) dst(%dma_wait3A_104 : memref<10240x128xf32, #tpu.memory_space<vmem_shared>>)
    %barrier3A_107 = arith.constant 0 : index
    tpu.barrier barrier_id(%barrier3A_107)
    %mul3A_108 = arith.constant 640 : i32
    %mul3A_109 = arith.muli %arg1, %mul3A_108 : i32
    %mul3A_110 = arith.constant 640 : i32
    %mul3A_111 = arith.muli %arg1, %mul3A_110 : i32
    "tpu.region"() ({
      %run_scoped3A = tpu.sem_alloc : memref<!tpu.dma_semaphore, #tpu.memory_space<semaphore_mem>>
      %dma_start3A_112 = arith.constant 0 : i32
      %dma_start3A_113 = tpu.memref_slice %arg6[%arg0, %mul3A_111, %dma_start3A_112] : memref<2x10240x128xf32, #tpu.memory_space<hbm>> -> memref<1x640x128xf32, #tpu.memory_space<hbm>>
      %dma_start3A_114 = tpu.memref_squeeze %dma_start3A_113 : memref<1x640x128xf32, #tpu.memory_space<hbm>> -> memref<640x128xf32, #tpu.memory_space<hbm>>
      %dma_start3A_115 = arith.constant 0 : i32
      %dma_start3A_116 = tpu.memref_slice %arg7[%mul3A_109, %dma_start3A_115] : memref<10240x128xf32, #tpu.memory_space<vmem_shared>> -> memref<640x128xf32, #tpu.memory_space<vmem_shared>>
      tpu.enqueue_dma source(%dma_start3A_116 : memref<640x128xf32, #tpu.memory_space<vmem_shared>>) target(%dma_start3A_114 : memref<640x128xf32, #tpu.memory_space<hbm>>) target_semaphore(%run_scoped3A : memref<!tpu.dma_semaphore, #tpu.memory_space<semaphore_mem>>)
      %dma_wait3A_117 = arith.constant 0 : i32
      %dma_wait3A_118 = tpu.memref_slice %arg6[%arg0, %mul3A_111, %dma_wait3A_117] : memref<2x10240x128xf32, #tpu.memory_space<hbm>> -> memref<1x640x128xf32, #tpu.memory_space<hbm>>
      %dma_wait3A_119 = tpu.memref_squeeze %dma_wait3A_118 : memref<1x640x128xf32, #tpu.memory_space<hbm>> -> memref<640x128xf32, #tpu.memory_space<hbm>>
      %dma_wait3A_120 = arith.constant 0 : i32
      %dma_wait3A_121 = tpu.memref_slice %arg7[%mul3A_109, %dma_wait3A_120] : memref<10240x128xf32, #tpu.memory_space<vmem_shared>> -> memref<640x128xf32, #tpu.memory_space<vmem_shared>>
      tpu.wait_dma2 semaphore(%run_scoped3A : memref<!tpu.dma_semaphore, #tpu.memory_space<semaphore_mem>>) src(%dma_wait3A_121 : memref<640x128xf32, #tpu.memory_space<vmem_shared>>) dst(%dma_wait3A_119 : memref<640x128xf32, #tpu.memory_space<hbm>>)
      tpu.yield
    }) : () -> ()
    return
  }
}

#map = affine_map<(d0, d1) -> (0, 0)>
#map1 = affine_map<(d0, d1) -> (0)>
#map2 = affine_map<(d0, d1) -> (0, 0, 0)>
module attributes {stable_mosaic.version = 14 : i64} {
  func.func @_scatter_sc(%arg0: i32, %arg1: i32, %arg2: memref<10000x128xf32, #tpu.memory_space<hbm>>, %arg3: memref<320000xi32, #tpu.memory_space<hbm>>, %arg4: memref<320000xi32, #tpu.memory_space<hbm>>, %arg5: memref<640x128xf32, #tpu.memory_space<hbm>>, %arg6: memref<2x10240x128xf32, #tpu.memory_space<hbm>>, %arg7: memref<10240x128xf32, #tpu.memory_space<vmem_shared>>, %arg8: memref<10000xi32, #tpu.memory_space<vmem>>, %arg9: memref<3x80xi32, #tpu.memory_space<vmem>>, %arg10: memref<3x80x128xf32, #tpu.memory_space<vmem>>, %arg11: memref<3x!tpu.dma_semaphore, #tpu.memory_space<semaphore_mem>>, %arg12: memref<3x!tpu.dma_semaphore, #tpu.memory_space<semaphore_mem>>, %arg13: memref<3x!tpu.dma_semaphore, #tpu.memory_space<semaphore_mem>>) attributes {dimension_semantics = [#tpu.dimension_semantics<core_parallel>, #tpu.dimension_semantics<subcore_parallel>], iteration_bounds = array<i64: 2, 16>, scalar_prefetch = 0 : i64, scratch_operands = 7 : i64, tpu.core_type = #tpu.core_type<sc_vector_subcore>, window_params = [{transform_indices = #map}, {transform_indices = #map1}, {transform_indices = #map1}, {transform_indices = #map}, {transform_indices = #map2}]} {
    %mul3A = arith.constant 640 : i32
    %mul3A_0 = arith.muli %arg1, %mul3A : i32
    "tpu.region"() ({
      %run_scoped3A = tpu.sem_alloc : memref<!tpu.dma_semaphore, #tpu.memory_space<semaphore_mem>>
      %dma_start3A_112 = arith.constant 0 : i32
      %dma_start3A_113 = tpu.memref_slice %arg7[%mul3A_0, %dma_start3A_112] : memref<10240x128xf32, #tpu.memory_space<vmem_shared>> -> memref<640x128xf32, #tpu.memory_space<vmem_shared>>
      tpu.enqueue_dma source(%arg5 : memref<640x128xf32, #tpu.memory_space<hbm>>) target(%dma_start3A_113 : memref<640x128xf32, #tpu.memory_space<vmem_shared>>) target_semaphore(%run_scoped3A : memref<!tpu.dma_semaphore, #tpu.memory_space<semaphore_mem>>)
      %dma_wait3A_114 = arith.constant 0 : i32
      %dma_wait3A_115 = tpu.memref_slice %arg7[%mul3A_0, %dma_wait3A_114] : memref<10240x128xf32, #tpu.memory_space<vmem_shared>> -> memref<640x128xf32, #tpu.memory_space<vmem_shared>>
      tpu.wait_dma2 semaphore(%run_scoped3A : memref<!tpu.dma_semaphore, #tpu.memory_space<semaphore_mem>>) src(%arg5 : memref<640x128xf32, #tpu.memory_space<hbm>>) dst(%dma_wait3A_115 : memref<640x128xf32, #tpu.memory_space<vmem_shared>>)
      tpu.yield
    }) : () -> ()
    %mul3A_1 = arith.constant 160000 : i32
    %mul3A_2 = arith.muli %arg0, %mul3A_1 : i32
    %mul3A_3 = arith.constant 10000 : i32
    %mul3A_4 = arith.muli %arg1, %mul3A_3 : i32
    %add3A = arith.addi %mul3A_2, %mul3A_4 : i32
    "tpu.region"() ({
      %run_scoped3A = tpu.sem_alloc : memref<!tpu.dma_semaphore, #tpu.memory_space<semaphore_mem>>
      %dma_start3A_112 = tpu.memref_slice %arg3[%add3A] : memref<320000xi32, #tpu.memory_space<hbm>> -> memref<10000xi32, #tpu.memory_space<hbm>>
      %dma_start3A_113 = tpu.memref_slice %arg3[%add3A] : memref<320000xi32, #tpu.memory_space<hbm>> -> memref<10000xi32, #tpu.memory_space<hbm>>
      tpu.enqueue_dma source(%dma_start3A_113 : memref<10000xi32, #tpu.memory_space<hbm>>) target(%arg8 : memref<10000xi32, #tpu.memory_space<vmem>>) target_semaphore(%run_scoped3A : memref<!tpu.dma_semaphore, #tpu.memory_space<semaphore_mem>>)
      %dma_wait3A_114 = tpu.memref_slice %arg3[%add3A] : memref<320000xi32, #tpu.memory_space<hbm>> -> memref<10000xi32, #tpu.memory_space<hbm>>
      %dma_wait3A_115 = tpu.memref_slice %arg3[%add3A] : memref<320000xi32, #tpu.memory_space<hbm>> -> memref<10000xi32, #tpu.memory_space<hbm>>
      tpu.wait_dma2 semaphore(%run_scoped3A : memref<!tpu.dma_semaphore, #tpu.memory_space<semaphore_mem>>) src(%dma_wait3A_115 : memref<10000xi32, #tpu.memory_space<hbm>>) dst(%arg8 : memref<10000xi32, #tpu.memory_space<vmem>>)
      tpu.yield
    }) : () -> ()
    %barrier3A = arith.constant 0 : index
    tpu.barrier barrier_id(%barrier3A)
    %dma_start3A = arith.constant 0 : i32
    %dma_start3A_5 = arith.constant 0 : i32
    %dma_start3A_6 = arith.constant 0 : i32
    %dma_start3A_7 = arith.constant 0 : i32
    %dma_start3A_8 = tpu.memref_slice %arg10[%dma_start3A, %dma_start3A_6, %dma_start3A_7] : memref<3x80x128xf32, #tpu.memory_space<vmem>> -> memref<1x80x128xf32, #tpu.memory_space<vmem>>
    %dma_start3A_9 = tpu.memref_squeeze %dma_start3A_8 : memref<1x80x128xf32, #tpu.memory_space<vmem>> -> memref<80x128xf32, #tpu.memory_space<vmem>>
    %dma_start3A_10 = arith.constant 0 : i32
    %dma_start3A_11 = tpu.memref_slice %arg8[%dma_start3A_10] : memref<10000xi32, #tpu.memory_space<vmem>> -> memref<80xi32, #tpu.memory_space<vmem>>
    %dma_start3A_12 = arith.constant 0 : i32
    %dma_start3A_13 = arith.constant 0 : i32
    %dma_start3A_14 = tpu.memref_slice %arg2[%dma_start3A_12, %dma_start3A_13] : memref<10000x128xf32, #tpu.memory_space<hbm>> -> memref<10000x128xf32, #tpu.memory_space<hbm>>
    %dma_start3A_15 = tpu.memref_slice %arg11[%dma_start3A_5] : memref<3x!tpu.dma_semaphore, #tpu.memory_space<semaphore_mem>> -> memref<1x!tpu.dma_semaphore, #tpu.memory_space<semaphore_mem>>
    %dma_start3A_16 = tpu.memref_squeeze %dma_start3A_15 : memref<1x!tpu.dma_semaphore, #tpu.memory_space<semaphore_mem>> -> memref<!tpu.dma_semaphore, #tpu.memory_space<semaphore_mem>>
    tpu.enqueue_indirect_dma source(%dma_start3A_14 : memref<10000x128xf32, #tpu.memory_space<hbm>>) target(%dma_start3A_9 : memref<80x128xf32, #tpu.memory_space<vmem>>) offsets(%dma_start3A_11 : memref<80xi32, #tpu.memory_space<vmem>>) semaphore(%dma_start3A_16 : memref<!tpu.dma_semaphore, #tpu.memory_space<semaphore_mem>>)
    %add3A_17 = arith.constant 0 : i32
    %add3A_18 = arith.addi %add3A, %add3A_17 : i32
    %dma_start3A_19 = arith.constant 0 : i32
    %dma_start3A_20 = arith.constant 0 : i32
    %dma_start3A_21 = arith.constant 0 : i32
    %dma_start3A_22 = tpu.memref_slice %arg9[%dma_start3A_19, %dma_start3A_21] : memref<3x80xi32, #tpu.memory_space<vmem>> -> memref<1x80xi32, #tpu.memory_space<vmem>>
    %dma_start3A_23 = tpu.memref_squeeze %dma_start3A_22 : memref<1x80xi32, #tpu.memory_space<vmem>> -> memref<80xi32, #tpu.memory_space<vmem>>
    %dma_start3A_24 = tpu.memref_slice %arg4[%add3A_18] : memref<320000xi32, #tpu.memory_space<hbm>> -> memref<80xi32, #tpu.memory_space<hbm>>
    %dma_start3A_25 = tpu.memref_slice %arg12[%dma_start3A_20] : memref<3x!tpu.dma_semaphore, #tpu.memory_space<semaphore_mem>> -> memref<1x!tpu.dma_semaphore, #tpu.memory_space<semaphore_mem>>
    %dma_start3A_26 = tpu.memref_squeeze %dma_start3A_25 : memref<1x!tpu.dma_semaphore, #tpu.memory_space<semaphore_mem>> -> memref<!tpu.dma_semaphore, #tpu.memory_space<semaphore_mem>>
    %dma_start3A_27 = arith.constant 0 : i32
    %dma_start3A_28 = tpu.memref_slice %arg9[%dma_start3A_19, %dma_start3A_27] : memref<3x80xi32, #tpu.memory_space<vmem>> -> memref<1x80xi32, #tpu.memory_space<vmem>>
    %dma_start3A_29 = tpu.memref_squeeze %dma_start3A_28 : memref<1x80xi32, #tpu.memory_space<vmem>> -> memref<80xi32, #tpu.memory_space<vmem>>
    %dma_start3A_30 = tpu.memref_slice %arg4[%add3A_18] : memref<320000xi32, #tpu.memory_space<hbm>> -> memref<80xi32, #tpu.memory_space<hbm>>
    tpu.enqueue_dma source(%dma_start3A_30 : memref<80xi32, #tpu.memory_space<hbm>>) target(%dma_start3A_29 : memref<80xi32, #tpu.memory_space<vmem>>) target_semaphore(%dma_start3A_26 : memref<!tpu.dma_semaphore, #tpu.memory_space<semaphore_mem>>)
    %dma_start3A_31 = arith.constant 1 : i32
    %dma_start3A_32 = arith.constant 1 : i32
    %dma_start3A_33 = arith.constant 0 : i32
    %dma_start3A_34 = arith.constant 0 : i32
    %dma_start3A_35 = tpu.memref_slice %arg10[%dma_start3A_31, %dma_start3A_33, %dma_start3A_34] : memref<3x80x128xf32, #tpu.memory_space<vmem>> -> memref<1x80x128xf32, #tpu.memory_space<vmem>>
    %dma_start3A_36 = tpu.memref_squeeze %dma_start3A_35 : memref<1x80x128xf32, #tpu.memory_space<vmem>> -> memref<80x128xf32, #tpu.memory_space<vmem>>
    %dma_start3A_37 = arith.constant 80 : i32
    %dma_start3A_38 = tpu.memref_slice %arg8[%dma_start3A_37] : memref<10000xi32, #tpu.memory_space<vmem>> -> memref<80xi32, #tpu.memory_space<vmem>>
    %dma_start3A_39 = arith.constant 0 : i32
    %dma_start3A_40 = arith.constant 0 : i32
    %dma_start3A_41 = tpu.memref_slice %arg2[%dma_start3A_39, %dma_start3A_40] : memref<10000x128xf32, #tpu.memory_space<hbm>> -> memref<10000x128xf32, #tpu.memory_space<hbm>>
    %dma_start3A_42 = tpu.memref_slice %arg11[%dma_start3A_32] : memref<3x!tpu.dma_semaphore, #tpu.memory_space<semaphore_mem>> -> memref<1x!tpu.dma_semaphore, #tpu.memory_space<semaphore_mem>>
    %dma_start3A_43 = tpu.memref_squeeze %dma_start3A_42 : memref<1x!tpu.dma_semaphore, #tpu.memory_space<semaphore_mem>> -> memref<!tpu.dma_semaphore, #tpu.memory_space<semaphore_mem>>
    tpu.enqueue_indirect_dma source(%dma_start3A_41 : memref<10000x128xf32, #tpu.memory_space<hbm>>) target(%dma_start3A_36 : memref<80x128xf32, #tpu.memory_space<vmem>>) offsets(%dma_start3A_38 : memref<80xi32, #tpu.memory_space<vmem>>) semaphore(%dma_start3A_43 : memref<!tpu.dma_semaphore, #tpu.memory_space<semaphore_mem>>)
    %add3A_44 = arith.constant 80 : i32
    %add3A_45 = arith.addi %add3A, %add3A_44 : i32
    %dma_start3A_46 = arith.constant 1 : i32
    %dma_start3A_47 = arith.constant 1 : i32
    %dma_start3A_48 = arith.constant 0 : i32
    %dma_start3A_49 = tpu.memref_slice %arg9[%dma_start3A_46, %dma_start3A_48] : memref<3x80xi32, #tpu.memory_space<vmem>> -> memref<1x80xi32, #tpu.memory_space<vmem>>
    %dma_start3A_50 = tpu.memref_squeeze %dma_start3A_49 : memref<1x80xi32, #tpu.memory_space<vmem>> -> memref<80xi32, #tpu.memory_space<vmem>>
    %dma_start3A_51 = tpu.memref_slice %arg4[%add3A_45] : memref<320000xi32, #tpu.memory_space<hbm>> -> memref<80xi32, #tpu.memory_space<hbm>>
    %dma_start3A_52 = tpu.memref_slice %arg12[%dma_start3A_47] : memref<3x!tpu.dma_semaphore, #tpu.memory_space<semaphore_mem>> -> memref<1x!tpu.dma_semaphore, #tpu.memory_space<semaphore_mem>>
    %dma_start3A_53 = tpu.memref_squeeze %dma_start3A_52 : memref<1x!tpu.dma_semaphore, #tpu.memory_space<semaphore_mem>> -> memref<!tpu.dma_semaphore, #tpu.memory_space<semaphore_mem>>
    %dma_start3A_54 = arith.constant 0 : i32
    %dma_start3A_55 = tpu.memref_slice %arg9[%dma_start3A_46, %dma_start3A_54] : memref<3x80xi32, #tpu.memory_space<vmem>> -> memref<1x80xi32, #tpu.memory_space<vmem>>
    %dma_start3A_56 = tpu.memref_squeeze %dma_start3A_55 : memref<1x80xi32, #tpu.memory_space<vmem>> -> memref<80xi32, #tpu.memory_space<vmem>>
    %dma_start3A_57 = tpu.memref_slice %arg4[%add3A_45] : memref<320000xi32, #tpu.memory_space<hbm>> -> memref<80xi32, #tpu.memory_space<hbm>>
    tpu.enqueue_dma source(%dma_start3A_57 : memref<80xi32, #tpu.memory_space<hbm>>) target(%dma_start3A_56 : memref<80xi32, #tpu.memory_space<vmem>>) target_semaphore(%dma_start3A_53 : memref<!tpu.dma_semaphore, #tpu.memory_space<semaphore_mem>>)
    %scan3A = arith.constant 0 : i32
    %scan3A_58 = arith.constant 0 : i32
    %scan3A_59 = arith.constant 125 : i32
    %scan3A_60 = arith.addi %scan3A_58, %scan3A_59 : i32
    %scan3A_61 = arith.constant 1 : i32
    scf.for %scan3A_112 = %scan3A_58 to %scan3A_60 step %scan3A_61  : i32 {
      %rem3A = arith.constant 3 : i32
      %rem3A_113 = arith.remsi %scan3A_112, %rem3A : i32
      %add3A_114 = arith.constant 3 : i32
      %add3A_115 = arith.addi %scan3A_112, %add3A_114 : i32
      %sub3A = arith.constant 1 : i32
      %sub3A_116 = arith.subi %add3A_115, %sub3A : i32
      %rem3A_117 = arith.constant 3 : i32
      %rem3A_118 = arith.remsi %sub3A_116, %rem3A_117 : i32
      %mul3A_119 = arith.constant 80 : i32
      %mul3A_120 = arith.muli %scan3A_112, %mul3A_119 : i32
      %dma_wait3A_121 = arith.constant 0 : i32
      %dma_wait3A_122 = arith.constant 0 : i32
      %dma_wait3A_123 = tpu.memref_slice %arg10[%rem3A_113, %dma_wait3A_121, %dma_wait3A_122] : memref<3x80x128xf32, #tpu.memory_space<vmem>> -> memref<1x80x128xf32, #tpu.memory_space<vmem>>
      %dma_wait3A_124 = tpu.memref_squeeze %dma_wait3A_123 : memref<1x80x128xf32, #tpu.memory_space<vmem>> -> memref<80x128xf32, #tpu.memory_space<vmem>>
      %dma_wait3A_125 = tpu.memref_slice %arg8[%mul3A_120] : memref<10000xi32, #tpu.memory_space<vmem>> -> memref<80xi32, #tpu.memory_space<vmem>>
      %dma_wait3A_126 = arith.constant 0 : i32
      %dma_wait3A_127 = arith.constant 0 : i32
      %dma_wait3A_128 = tpu.memref_slice %arg2[%dma_wait3A_126, %dma_wait3A_127] : memref<10000x128xf32, #tpu.memory_space<hbm>> -> memref<10000x128xf32, #tpu.memory_space<hbm>>
      %dma_wait3A_129 = tpu.memref_slice %arg11[%rem3A_113] : memref<3x!tpu.dma_semaphore, #tpu.memory_space<semaphore_mem>> -> memref<1x!tpu.dma_semaphore, #tpu.memory_space<semaphore_mem>>
      %dma_wait3A_130 = tpu.memref_squeeze %dma_wait3A_129 : memref<1x!tpu.dma_semaphore, #tpu.memory_space<semaphore_mem>> -> memref<!tpu.dma_semaphore, #tpu.memory_space<semaphore_mem>>
      tpu.wait_indirect_dma semaphore(%dma_wait3A_130 : memref<!tpu.dma_semaphore, #tpu.memory_space<semaphore_mem>>) src(%dma_wait3A_128 : memref<10000x128xf32, #tpu.memory_space<hbm>>) dst(%dma_wait3A_124 : memref<80x128xf32, #tpu.memory_space<vmem>>)
      %dma_wait3A_131 = arith.constant 0 : i32
      %dma_wait3A_132 = tpu.memref_slice %arg9[%rem3A_113, %dma_wait3A_131] : memref<3x80xi32, #tpu.memory_space<vmem>> -> memref<1x80xi32, #tpu.memory_space<vmem>>
      %dma_wait3A_133 = tpu.memref_squeeze %dma_wait3A_132 : memref<1x80xi32, #tpu.memory_space<vmem>> -> memref<80xi32, #tpu.memory_space<vmem>>
      %dma_wait3A_134 = tpu.memref_slice %arg4[%add3A] : memref<320000xi32, #tpu.memory_space<hbm>> -> memref<80xi32, #tpu.memory_space<hbm>>
      %dma_wait3A_135 = tpu.memref_slice %arg12[%rem3A_113] : memref<3x!tpu.dma_semaphore, #tpu.memory_space<semaphore_mem>> -> memref<1x!tpu.dma_semaphore, #tpu.memory_space<semaphore_mem>>
      %dma_wait3A_136 = tpu.memref_squeeze %dma_wait3A_135 : memref<1x!tpu.dma_semaphore, #tpu.memory_space<semaphore_mem>> -> memref<!tpu.dma_semaphore, #tpu.memory_space<semaphore_mem>>
      %dma_wait3A_137 = arith.constant 0 : i32
      %dma_wait3A_138 = tpu.memref_slice %arg9[%rem3A_113, %dma_wait3A_137] : memref<3x80xi32, #tpu.memory_space<vmem>> -> memref<1x80xi32, #tpu.memory_space<vmem>>
      %dma_wait3A_139 = tpu.memref_squeeze %dma_wait3A_138 : memref<1x80xi32, #tpu.memory_space<vmem>> -> memref<80xi32, #tpu.memory_space<vmem>>
      %dma_wait3A_140 = tpu.memref_slice %arg4[%add3A] : memref<320000xi32, #tpu.memory_space<hbm>> -> memref<80xi32, #tpu.memory_space<hbm>>
      tpu.wait_dma2 semaphore(%dma_wait3A_136 : memref<!tpu.dma_semaphore, #tpu.memory_space<semaphore_mem>>) src(%dma_wait3A_140 : memref<80xi32, #tpu.memory_space<hbm>>) dst(%dma_wait3A_139 : memref<80xi32, #tpu.memory_space<vmem>>)
      %dma_start3A_141 = arith.constant 0 : i32
      %dma_start3A_142 = arith.constant 0 : i32
      %dma_start3A_143 = tpu.memref_slice %arg10[%rem3A_113, %dma_start3A_141, %dma_start3A_142] : memref<3x80x128xf32, #tpu.memory_space<vmem>> -> memref<1x80x128xf32, #tpu.memory_space<vmem>>
      %dma_start3A_144 = tpu.memref_squeeze %dma_start3A_143 : memref<1x80x128xf32, #tpu.memory_space<vmem>> -> memref<80x128xf32, #tpu.memory_space<vmem>>
      %dma_start3A_145 = arith.constant 0 : i32
      %dma_start3A_146 = tpu.memref_slice %arg9[%rem3A_113, %dma_start3A_145] : memref<3x80xi32, #tpu.memory_space<vmem>> -> memref<1x80xi32, #tpu.memory_space<vmem>>
      %dma_start3A_147 = tpu.memref_squeeze %dma_start3A_146 : memref<1x80xi32, #tpu.memory_space<vmem>> -> memref<80xi32, #tpu.memory_space<vmem>>
      %dma_start3A_148 = arith.constant 0 : i32
      %dma_start3A_149 = arith.constant 0 : i32
      %dma_start3A_150 = tpu.memref_slice %arg7[%dma_start3A_148, %dma_start3A_149] : memref<10240x128xf32, #tpu.memory_space<vmem_shared>> -> memref<10240x128xf32, #tpu.memory_space<vmem_shared>>
      %dma_start3A_151 = tpu.memref_slice %arg13[%rem3A_113] : memref<3x!tpu.dma_semaphore, #tpu.memory_space<semaphore_mem>> -> memref<1x!tpu.dma_semaphore, #tpu.memory_space<semaphore_mem>>
      %dma_start3A_152 = tpu.memref_squeeze %dma_start3A_151 : memref<1x!tpu.dma_semaphore, #tpu.memory_space<semaphore_mem>> -> memref<!tpu.dma_semaphore, #tpu.memory_space<semaphore_mem>>
      tpu.enqueue_indirect_dma source(%dma_start3A_144 : memref<80x128xf32, #tpu.memory_space<vmem>>) target(%dma_start3A_150 : memref<10240x128xf32, #tpu.memory_space<vmem_shared>>) offsets(%dma_start3A_147 : memref<80xi32, #tpu.memory_space<vmem>>) semaphore(%dma_start3A_152 : memref<!tpu.dma_semaphore, #tpu.memory_space<semaphore_mem>>) {add = true}
      %add3A_153 = arith.constant 3 : i32
      %add3A_154 = arith.addi %scan3A_112, %add3A_153 : i32
      %sub3A_155 = arith.constant 1 : i32
      %sub3A_156 = arith.subi %add3A_154, %sub3A_155 : i32
      %lt3A = arith.constant 125 : i32
      %lt3A_157 = arith.cmpi slt, %sub3A_156, %lt3A : i32
      %convert_element_type3A = arith.extui %lt3A_157 : i1 to i32
      %cond3A = arith.constant 0 : i32
      %cond3A_158 = arith.cmpi ne, %convert_element_type3A, %cond3A : i32
      scf.if %cond3A_158 {
        %ge3A = arith.constant 1 : i32
        %ge3A_159 = arith.cmpi sge, %scan3A_112, %ge3A : i32
        %convert_element_type3A_160 = arith.extui %ge3A_159 : i1 to i32
        %cond3A_161 = arith.constant 0 : i32
        %cond3A_162 = arith.cmpi ne, %convert_element_type3A_160, %cond3A_161 : i32
        scf.if %cond3A_162 {
          %dma_wait3A_196 = arith.constant 0 : i32
          %dma_wait3A_197 = arith.constant 0 : i32
          %dma_wait3A_198 = tpu.memref_slice %arg10[%rem3A_118, %dma_wait3A_196, %dma_wait3A_197] : memref<3x80x128xf32, #tpu.memory_space<vmem>> -> memref<1x80x128xf32, #tpu.memory_space<vmem>>
          %dma_wait3A_199 = tpu.memref_squeeze %dma_wait3A_198 : memref<1x80x128xf32, #tpu.memory_space<vmem>> -> memref<80x128xf32, #tpu.memory_space<vmem>>
          %dma_wait3A_200 = arith.constant 0 : i32
          %dma_wait3A_201 = tpu.memref_slice %arg9[%rem3A_118, %dma_wait3A_200] : memref<3x80xi32, #tpu.memory_space<vmem>> -> memref<1x80xi32, #tpu.memory_space<vmem>>
          %dma_wait3A_202 = tpu.memref_squeeze %dma_wait3A_201 : memref<1x80xi32, #tpu.memory_space<vmem>> -> memref<80xi32, #tpu.memory_space<vmem>>
          %dma_wait3A_203 = arith.constant 0 : i32
          %dma_wait3A_204 = arith.constant 0 : i32
          %dma_wait3A_205 = tpu.memref_slice %arg7[%dma_wait3A_203, %dma_wait3A_204] : memref<10240x128xf32, #tpu.memory_space<vmem_shared>> -> memref<10240x128xf32, #tpu.memory_space<vmem_shared>>
          %dma_wait3A_206 = tpu.memref_slice %arg13[%rem3A_118] : memref<3x!tpu.dma_semaphore, #tpu.memory_space<semaphore_mem>> -> memref<1x!tpu.dma_semaphore, #tpu.memory_space<semaphore_mem>>
          %dma_wait3A_207 = tpu.memref_squeeze %dma_wait3A_206 : memref<1x!tpu.dma_semaphore, #tpu.memory_space<semaphore_mem>> -> memref<!tpu.dma_semaphore, #tpu.memory_space<semaphore_mem>>
          tpu.wait_indirect_dma semaphore(%dma_wait3A_207 : memref<!tpu.dma_semaphore, #tpu.memory_space<semaphore_mem>>) src(%dma_wait3A_199 : memref<80x128xf32, #tpu.memory_space<vmem>>) dst(%dma_wait3A_205 : memref<10240x128xf32, #tpu.memory_space<vmem_shared>>)
        } else {
        }
        %add3A_163 = arith.constant 3 : i32
        %add3A_164 = arith.addi %scan3A_112, %add3A_163 : i32
        %sub3A_165 = arith.constant 1 : i32
        %sub3A_166 = arith.subi %add3A_164, %sub3A_165 : i32
        %mul3A_167 = arith.constant 80 : i32
        %mul3A_168 = arith.muli %sub3A_166, %mul3A_167 : i32
        %dma_start3A_169 = arith.constant 0 : i32
        %dma_start3A_170 = arith.constant 0 : i32
        %dma_start3A_171 = tpu.memref_slice %arg10[%rem3A_118, %dma_start3A_169, %dma_start3A_170] : memref<3x80x128xf32, #tpu.memory_space<vmem>> -> memref<1x80x128xf32, #tpu.memory_space<vmem>>
        %dma_start3A_172 = tpu.memref_squeeze %dma_start3A_171 : memref<1x80x128xf32, #tpu.memory_space<vmem>> -> memref<80x128xf32, #tpu.memory_space<vmem>>
        %dma_start3A_173 = tpu.memref_slice %arg8[%mul3A_168] : memref<10000xi32, #tpu.memory_space<vmem>> -> memref<80xi32, #tpu.memory_space<vmem>>
        %dma_start3A_174 = arith.constant 0 : i32
        %dma_start3A_175 = arith.constant 0 : i32
        %dma_start3A_176 = tpu.memref_slice %arg2[%dma_start3A_174, %dma_start3A_175] : memref<10000x128xf32, #tpu.memory_space<hbm>> -> memref<10000x128xf32, #tpu.memory_space<hbm>>
        %dma_start3A_177 = tpu.memref_slice %arg11[%rem3A_118] : memref<3x!tpu.dma_semaphore, #tpu.memory_space<semaphore_mem>> -> memref<1x!tpu.dma_semaphore, #tpu.memory_space<semaphore_mem>>
        %dma_start3A_178 = tpu.memref_squeeze %dma_start3A_177 : memref<1x!tpu.dma_semaphore, #tpu.memory_space<semaphore_mem>> -> memref<!tpu.dma_semaphore, #tpu.memory_space<semaphore_mem>>
        tpu.enqueue_indirect_dma source(%dma_start3A_176 : memref<10000x128xf32, #tpu.memory_space<hbm>>) target(%dma_start3A_172 : memref<80x128xf32, #tpu.memory_space<vmem>>) offsets(%dma_start3A_173 : memref<80xi32, #tpu.memory_space<vmem>>) semaphore(%dma_start3A_178 : memref<!tpu.dma_semaphore, #tpu.memory_space<semaphore_mem>>)
        %add3A_179 = arith.constant 3 : i32
        %add3A_180 = arith.addi %scan3A_112, %add3A_179 : i32
        %sub3A_181 = arith.constant 1 : i32
        %sub3A_182 = arith.subi %add3A_180, %sub3A_181 : i32
        %mul3A_183 = arith.constant 80 : i32
        %mul3A_184 = arith.muli %sub3A_182, %mul3A_183 : i32
        %add3A_185 = arith.addi %add3A, %mul3A_184 : i32
        %dma_start3A_186 = arith.constant 0 : i32
        %dma_start3A_187 = tpu.memref_slice %arg9[%rem3A_118, %dma_start3A_186] : memref<3x80xi32, #tpu.memory_space<vmem>> -> memref<1x80xi32, #tpu.memory_space<vmem>>
        %dma_start3A_188 = tpu.memref_squeeze %dma_start3A_187 : memref<1x80xi32, #tpu.memory_space<vmem>> -> memref<80xi32, #tpu.memory_space<vmem>>
        %dma_start3A_189 = tpu.memref_slice %arg4[%add3A_185] : memref<320000xi32, #tpu.memory_space<hbm>> -> memref<80xi32, #tpu.memory_space<hbm>>
        %dma_start3A_190 = tpu.memref_slice %arg12[%rem3A_118] : memref<3x!tpu.dma_semaphore, #tpu.memory_space<semaphore_mem>> -> memref<1x!tpu.dma_semaphore, #tpu.memory_space<semaphore_mem>>
        %dma_start3A_191 = tpu.memref_squeeze %dma_start3A_190 : memref<1x!tpu.dma_semaphore, #tpu.memory_space<semaphore_mem>> -> memref<!tpu.dma_semaphore, #tpu.memory_space<semaphore_mem>>
        %dma_start3A_192 = arith.constant 0 : i32
        %dma_start3A_193 = tpu.memref_slice %arg9[%rem3A_118, %dma_start3A_192] : memref<3x80xi32, #tpu.memory_space<vmem>> -> memref<1x80xi32, #tpu.memory_space<vmem>>
        %dma_start3A_194 = tpu.memref_squeeze %dma_start3A_193 : memref<1x80xi32, #tpu.memory_space<vmem>> -> memref<80xi32, #tpu.memory_space<vmem>>
        %dma_start3A_195 = tpu.memref_slice %arg4[%add3A_185] : memref<320000xi32, #tpu.memory_space<hbm>> -> memref<80xi32, #tpu.memory_space<hbm>>
        tpu.enqueue_dma source(%dma_start3A_195 : memref<80xi32, #tpu.memory_space<hbm>>) target(%dma_start3A_194 : memref<80xi32, #tpu.memory_space<vmem>>) target_semaphore(%dma_start3A_191 : memref<!tpu.dma_semaphore, #tpu.memory_space<semaphore_mem>>)
      } else {
      }
    }
    %scan3A_62 = arith.constant 125 : i32
    %dma_wait3A = arith.constant 0 : i32
    %dma_wait3A_63 = arith.constant 0 : i32
    %dma_wait3A_64 = arith.constant 0 : i32
    %dma_wait3A_65 = arith.constant 0 : i32
    %dma_wait3A_66 = arith.constant 0 : i32
    %dma_wait3A_67 = tpu.memref_slice %arg10[%dma_wait3A, %dma_wait3A_65, %dma_wait3A_66] : memref<3x80x128xf32, #tpu.memory_space<vmem>> -> memref<1x80x128xf32, #tpu.memory_space<vmem>>
    %dma_wait3A_68 = tpu.memref_squeeze %dma_wait3A_67 : memref<1x80x128xf32, #tpu.memory_space<vmem>> -> memref<80x128xf32, #tpu.memory_space<vmem>>
    %dma_wait3A_69 = arith.constant 0 : i32
    %dma_wait3A_70 = tpu.memref_slice %arg9[%dma_wait3A_63, %dma_wait3A_69] : memref<3x80xi32, #tpu.memory_space<vmem>> -> memref<1x80xi32, #tpu.memory_space<vmem>>
    %dma_wait3A_71 = tpu.memref_squeeze %dma_wait3A_70 : memref<1x80xi32, #tpu.memory_space<vmem>> -> memref<80xi32, #tpu.memory_space<vmem>>
    %dma_wait3A_72 = arith.constant 0 : i32
    %dma_wait3A_73 = arith.constant 0 : i32
    %dma_wait3A_74 = tpu.memref_slice %arg7[%dma_wait3A_72, %dma_wait3A_73] : memref<10240x128xf32, #tpu.memory_space<vmem_shared>> -> memref<10240x128xf32, #tpu.memory_space<vmem_shared>>
    %dma_wait3A_75 = tpu.memref_slice %arg13[%dma_wait3A_64] : memref<3x!tpu.dma_semaphore, #tpu.memory_space<semaphore_mem>> -> memref<1x!tpu.dma_semaphore, #tpu.memory_space<semaphore_mem>>
    %dma_wait3A_76 = tpu.memref_squeeze %dma_wait3A_75 : memref<1x!tpu.dma_semaphore, #tpu.memory_space<semaphore_mem>> -> memref<!tpu.dma_semaphore, #tpu.memory_space<semaphore_mem>>
    tpu.wait_indirect_dma semaphore(%dma_wait3A_76 : memref<!tpu.dma_semaphore, #tpu.memory_space<semaphore_mem>>) src(%dma_wait3A_68 : memref<80x128xf32, #tpu.memory_space<vmem>>) dst(%dma_wait3A_74 : memref<10240x128xf32, #tpu.memory_space<vmem_shared>>)
    %dma_wait3A_77 = arith.constant 1 : i32
    %dma_wait3A_78 = arith.constant 1 : i32
    %dma_wait3A_79 = arith.constant 1 : i32
    %dma_wait3A_80 = arith.constant 0 : i32
    %dma_wait3A_81 = arith.constant 0 : i32
    %dma_wait3A_82 = tpu.memref_slice %arg10[%dma_wait3A_77, %dma_wait3A_80, %dma_wait3A_81] : memref<3x80x128xf32, #tpu.memory_space<vmem>> -> memref<1x80x128xf32, #tpu.memory_space<vmem>>
    %dma_wait3A_83 = tpu.memref_squeeze %dma_wait3A_82 : memref<1x80x128xf32, #tpu.memory_space<vmem>> -> memref<80x128xf32, #tpu.memory_space<vmem>>
    %dma_wait3A_84 = arith.constant 0 : i32
    %dma_wait3A_85 = tpu.memref_slice %arg9[%dma_wait3A_78, %dma_wait3A_84] : memref<3x80xi32, #tpu.memory_space<vmem>> -> memref<1x80xi32, #tpu.memory_space<vmem>>
    %dma_wait3A_86 = tpu.memref_squeeze %dma_wait3A_85 : memref<1x80xi32, #tpu.memory_space<vmem>> -> memref<80xi32, #tpu.memory_space<vmem>>
    %dma_wait3A_87 = arith.constant 0 : i32
    %dma_wait3A_88 = arith.constant 0 : i32
    %dma_wait3A_89 = tpu.memref_slice %arg7[%dma_wait3A_87, %dma_wait3A_88] : memref<10240x128xf32, #tpu.memory_space<vmem_shared>> -> memref<10240x128xf32, #tpu.memory_space<vmem_shared>>
    %dma_wait3A_90 = tpu.memref_slice %arg13[%dma_wait3A_79] : memref<3x!tpu.dma_semaphore, #tpu.memory_space<semaphore_mem>> -> memref<1x!tpu.dma_semaphore, #tpu.memory_space<semaphore_mem>>
    %dma_wait3A_91 = tpu.memref_squeeze %dma_wait3A_90 : memref<1x!tpu.dma_semaphore, #tpu.memory_space<semaphore_mem>> -> memref<!tpu.dma_semaphore, #tpu.memory_space<semaphore_mem>>
    tpu.wait_indirect_dma semaphore(%dma_wait3A_91 : memref<!tpu.dma_semaphore, #tpu.memory_space<semaphore_mem>>) src(%dma_wait3A_83 : memref<80x128xf32, #tpu.memory_space<vmem>>) dst(%dma_wait3A_89 : memref<10240x128xf32, #tpu.memory_space<vmem_shared>>)
    %dma_wait3A_92 = arith.constant 2 : i32
    %dma_wait3A_93 = arith.constant 2 : i32
    %dma_wait3A_94 = arith.constant 2 : i32
    %dma_wait3A_95 = arith.constant 0 : i32
    %dma_wait3A_96 = arith.constant 0 : i32
    %dma_wait3A_97 = tpu.memref_slice %arg10[%dma_wait3A_92, %dma_wait3A_95, %dma_wait3A_96] : memref<3x80x128xf32, #tpu.memory_space<vmem>> -> memref<1x80x128xf32, #tpu.memory_space<vmem>>
    %dma_wait3A_98 = tpu.memref_squeeze %dma_wait3A_97 : memref<1x80x128xf32, #tpu.memory_space<vmem>> -> memref<80x128xf32, #tpu.memory_space<vmem>>
    %dma_wait3A_99 = arith.constant 0 : i32
    %dma_wait3A_100 = tpu.memref_slice %arg9[%dma_wait3A_93, %dma_wait3A_99] : memref<3x80xi32, #tpu.memory_space<vmem>> -> memref<1x80xi32, #tpu.memory_space<vmem>>
    %dma_wait3A_101 = tpu.memref_squeeze %dma_wait3A_100 : memref<1x80xi32, #tpu.memory_space<vmem>> -> memref<80xi32, #tpu.memory_space<vmem>>
    %dma_wait3A_102 = arith.constant 0 : i32
    %dma_wait3A_103 = arith.constant 0 : i32
    %dma_wait3A_104 = tpu.memref_slice %arg7[%dma_wait3A_102, %dma_wait3A_103] : memref<10240x128xf32, #tpu.memory_space<vmem_shared>> -> memref<10240x128xf32, #tpu.memory_space<vmem_shared>>
    %dma_wait3A_105 = tpu.memref_slice %arg13[%dma_wait3A_94] : memref<3x!tpu.dma_semaphore, #tpu.memory_space<semaphore_mem>> -> memref<1x!tpu.dma_semaphore, #tpu.memory_space<semaphore_mem>>
    %dma_wait3A_106 = tpu.memref_squeeze %dma_wait3A_105 : memref<1x!tpu.dma_semaphore, #tpu.memory_space<semaphore_mem>> -> memref<!tpu.dma_semaphore, #tpu.memory_space<semaphore_mem>>
    tpu.wait_indirect_dma semaphore(%dma_wait3A_106 : memref<!tpu.dma_semaphore, #tpu.memory_space<semaphore_mem>>) src(%dma_wait3A_98 : memref<80x128xf32, #tpu.memory_space<vmem>>) dst(%dma_wait3A_104 : memref<10240x128xf32, #tpu.memory_space<vmem_shared>>)
    %barrier3A_107 = arith.constant 0 : index
    tpu.barrier barrier_id(%barrier3A_107)
    %mul3A_108 = arith.constant 640 : i32
    %mul3A_109 = arith.muli %arg1, %mul3A_108 : i32
    %mul3A_110 = arith.constant 640 : i32
    %mul3A_111 = arith.muli %arg1, %mul3A_110 : i32
    "tpu.region"() ({
      %run_scoped3A = tpu.sem_alloc : memref<!tpu.dma_semaphore, #tpu.memory_space<semaphore_mem>>
      %dma_start3A_112 = arith.constant 0 : i32
      %dma_start3A_113 = tpu.memref_slice %arg6[%arg0, %mul3A_111, %dma_start3A_112] : memref<2x10240x128xf32, #tpu.memory_space<hbm>> -> memref<1x640x128xf32, #tpu.memory_space<hbm>>
      %dma_start3A_114 = tpu.memref_squeeze %dma_start3A_113 : memref<1x640x128xf32, #tpu.memory_space<hbm>> -> memref<640x128xf32, #tpu.memory_space<hbm>>
      %dma_start3A_115 = arith.constant 0 : i32
      %dma_start3A_116 = tpu.memref_slice %arg7[%mul3A_109, %dma_start3A_115] : memref<10240x128xf32, #tpu.memory_space<vmem_shared>> -> memref<640x128xf32, #tpu.memory_space<vmem_shared>>
      tpu.enqueue_dma source(%dma_start3A_116 : memref<640x128xf32, #tpu.memory_space<vmem_shared>>) target(%dma_start3A_114 : memref<640x128xf32, #tpu.memory_space<hbm>>) target_semaphore(%run_scoped3A : memref<!tpu.dma_semaphore, #tpu.memory_space<semaphore_mem>>)
      %dma_wait3A_117 = arith.constant 0 : i32
      %dma_wait3A_118 = tpu.memref_slice %arg6[%arg0, %mul3A_111, %dma_wait3A_117] : memref<2x10240x128xf32, #tpu.memory_space<hbm>> -> memref<1x640x128xf32, #tpu.memory_space<hbm>>
      %dma_wait3A_119 = tpu.memref_squeeze %dma_wait3A_118 : memref<1x640x128xf32, #tpu.memory_space<hbm>> -> memref<640x128xf32, #tpu.memory_space<hbm>>
      %dma_wait3A_120 = arith.constant 0 : i32
      %dma_wait3A_121 = tpu.memref_slice %arg7[%mul3A_109, %dma_wait3A_120] : memref<10240x128xf32, #tpu.memory_space<vmem_shared>> -> memref<640x128xf32, #tpu.memory_space<vmem_shared>>
      tpu.wait_dma2 semaphore(%run_scoped3A : memref<!tpu.dma_semaphore, #tpu.memory_space<semaphore_mem>>) src(%dma_wait3A_121 : memref<640x128xf32, #tpu.memory_space<vmem_shared>>) dst(%dma_wait3A_119 : memref<640x128xf32, #tpu.memory_space<hbm>>)
      tpu.yield
    }) : () -> ()
    return
  }
}

#map = affine_map<(d0, d1) -> (0)>
module attributes {stable_mosaic.version = 14 : i64} {
  func.func @_link_sc(%arg0: i32, %arg1: i32, %arg2: memref<52428800xf32, #tpu.memory_space<hbm>>, %arg3: memref<640000xi32, #tpu.memory_space<hbm>>, %arg4: memref<640000xi32, #tpu.memory_space<hbm>>, %arg5: memref<640000xf32, #tpu.memory_space<hbm>>, %arg6: memref<20000xi32, #tpu.memory_space<vmem>>, %arg7: memref<20000xi32, #tpu.memory_space<vmem>>, %arg8: memref<20000xi32, #tpu.memory_space<vmem>>, %arg9: memref<20000xf32, #tpu.memory_space<vmem>>, %arg10: memref<!tpu.dma_semaphore, #tpu.memory_space<semaphore_mem>>) attributes {dimension_semantics = [#tpu.dimension_semantics<core_parallel>, #tpu.dimension_semantics<subcore_parallel>], iteration_bounds = array<i64: 2, 16>, scalar_prefetch = 0 : i64, scratch_operands = 5 : i64, tpu.core_type = #tpu.core_type<sc_vector_subcore>, window_params = [{transform_indices = #map}, {transform_indices = #map}, {transform_indices = #map}, {transform_indices = #map}]} {
    %mul3A = arith.constant 320000 : i32
    %mul3A_0 = arith.muli %arg0, %mul3A : i32
    %mul3A_1 = arith.constant 20000 : i32
    %mul3A_2 = arith.muli %arg1, %mul3A_1 : i32
    %add3A = arith.addi %mul3A_0, %mul3A_2 : i32
    "tpu.region"() ({
      %run_scoped3A = tpu.sem_alloc : memref<!tpu.dma_semaphore, #tpu.memory_space<semaphore_mem>>
      %dma_start3A = tpu.memref_slice %arg3[%add3A] : memref<640000xi32, #tpu.memory_space<hbm>> -> memref<20000xi32, #tpu.memory_space<hbm>>
      %dma_start3A_163 = tpu.memref_slice %arg3[%add3A] : memref<640000xi32, #tpu.memory_space<hbm>> -> memref<20000xi32, #tpu.memory_space<hbm>>
      tpu.enqueue_dma source(%dma_start3A_163 : memref<20000xi32, #tpu.memory_space<hbm>>) target(%arg6 : memref<20000xi32, #tpu.memory_space<vmem>>) target_semaphore(%run_scoped3A : memref<!tpu.dma_semaphore, #tpu.memory_space<semaphore_mem>>)
      %dma_wait3A_164 = tpu.memref_slice %arg3[%add3A] : memref<640000xi32, #tpu.memory_space<hbm>> -> memref<20000xi32, #tpu.memory_space<hbm>>
      %dma_wait3A_165 = tpu.memref_slice %arg3[%add3A] : memref<640000xi32, #tpu.memory_space<hbm>> -> memref<20000xi32, #tpu.memory_space<hbm>>
      tpu.wait_dma2 semaphore(%run_scoped3A : memref<!tpu.dma_semaphore, #tpu.memory_space<semaphore_mem>>) src(%dma_wait3A_165 : memref<20000xi32, #tpu.memory_space<hbm>>) dst(%arg6 : memref<20000xi32, #tpu.memory_space<vmem>>)
      tpu.yield
    }) : () -> ()
    "tpu.region"() ({
      %run_scoped3A = tpu.sem_alloc : memref<!tpu.dma_semaphore, #tpu.memory_space<semaphore_mem>>
      %dma_start3A = tpu.memref_slice %arg4[%add3A] : memref<640000xi32, #tpu.memory_space<hbm>> -> memref<20000xi32, #tpu.memory_space<hbm>>
      %dma_start3A_163 = tpu.memref_slice %arg4[%add3A] : memref<640000xi32, #tpu.memory_space<hbm>> -> memref<20000xi32, #tpu.memory_space<hbm>>
      tpu.enqueue_dma source(%dma_start3A_163 : memref<20000xi32, #tpu.memory_space<hbm>>) target(%arg7 : memref<20000xi32, #tpu.memory_space<vmem>>) target_semaphore(%run_scoped3A : memref<!tpu.dma_semaphore, #tpu.memory_space<semaphore_mem>>)
      %dma_wait3A_164 = tpu.memref_slice %arg4[%add3A] : memref<640000xi32, #tpu.memory_space<hbm>> -> memref<20000xi32, #tpu.memory_space<hbm>>
      %dma_wait3A_165 = tpu.memref_slice %arg4[%add3A] : memref<640000xi32, #tpu.memory_space<hbm>> -> memref<20000xi32, #tpu.memory_space<hbm>>
      tpu.wait_dma2 semaphore(%run_scoped3A : memref<!tpu.dma_semaphore, #tpu.memory_space<semaphore_mem>>) src(%dma_wait3A_165 : memref<20000xi32, #tpu.memory_space<hbm>>) dst(%arg7 : memref<20000xi32, #tpu.memory_space<vmem>>)
      tpu.yield
    }) : () -> ()
    %scan3A = arith.constant 0 : i32
    %scan3A_3 = arith.constant 0 : i32
    %scan3A_4 = arith.constant 250 : i32
    %scan3A_5 = arith.addi %scan3A_3, %scan3A_4 : i32
    %scan3A_6 = arith.constant 1 : i32
    scf.for %scan3A_163 = %scan3A_3 to %scan3A_5 step %scan3A_6  : i32 {
      %mul3A_164 = arith.constant 5 : i32
      %mul3A_165 = arith.muli %scan3A_163, %mul3A_164 : i32
      %add3A_166 = arith.constant 0 : i32
      %add3A_167 = arith.addi %mul3A_165, %add3A_166 : i32
      %mul3A_168 = arith.constant 16 : i32
      %mul3A_169 = arith.muli %add3A_167, %mul3A_168 : i32
      %get3A = arith.index_cast %mul3A_169 : i32 to index
      %get3A_170 = tpu.vector_load %arg6[%get3A] {strides = array<i32>} : memref<20000xi32, #tpu.memory_space<vmem>>, vector<16xi32>,
      %get3A_171 = arith.index_cast %mul3A_169 : i32 to index
      %get3A_172 = tpu.vector_load %arg7[%get3A_171] {strides = array<i32>} : memref<20000xi32, #tpu.memory_space<vmem>>, vector<16xi32>,
      %shift_right_logical3A = arith.constant 8 : i32
      %shift_right_logical3A_173 = vector.broadcast %shift_right_logical3A : i32 to vector<16xi32>
      %shift_right_logical3A_174 = arith.shrui %get3A_172, %shift_right_logical3A_173 : vector<16xi32>
      %and3A = arith.constant 127 : i32
      %and3A_175 = vector.broadcast %and3A : i32 to vector<16xi32>
      %and3A_176 = arith.andi %get3A_172, %and3A_175 : vector<16xi32>
      %mul3A_177 = arith.constant 1310720 : i32
      %mul3A_178 = vector.broadcast %mul3A_177 : i32 to vector<16xi32>
      %mul3A_179 = arith.muli %shift_right_logical3A_174, %mul3A_178 : vector<16xi32>
      %mul3A_180 = arith.constant 128 : i32
      %mul3A_181 = vector.broadcast %mul3A_180 : i32 to vector<16xi32>
      %mul3A_182 = arith.muli %get3A_170, %mul3A_181 : vector<16xi32>
      %add3A_183 = arith.addi %mul3A_179, %mul3A_182 : vector<16xi32>
      %add3A_184 = arith.addi %add3A_183, %and3A_176 : vector<16xi32>
      %swap3A = arith.index_cast %mul3A_169 : i32 to index
      %swap3A_185 = tpu.vector_load %arg8[%swap3A] {strides = array<i32>} : memref<20000xi32, #tpu.memory_space<vmem>>, vector<16xi32>,
      tpu.vector_store %arg8[%swap3A], %add3A_184 {strides = array<i32>} : memref<20000xi32, #tpu.memory_space<vmem>>, vector<16xi32>,
      %mul3A_186 = arith.constant 5 : i32
      %mul3A_187 = arith.muli %scan3A_163, %mul3A_186 : i32
      %add3A_188 = arith.constant 1 : i32
      %add3A_189 = arith.addi %mul3A_187, %add3A_188 : i32
      %mul3A_190 = arith.constant 16 : i32
      %mul3A_191 = arith.muli %add3A_189, %mul3A_190 : i32
      %get3A_192 = arith.index_cast %mul3A_191 : i32 to index
      %get3A_193 = tpu.vector_load %arg6[%get3A_192] {strides = array<i32>} : memref<20000xi32, #tpu.memory_space<vmem>>, vector<16xi32>,
      %get3A_194 = arith.index_cast %mul3A_191 : i32 to index
      %get3A_195 = tpu.vector_load %arg7[%get3A_194] {strides = array<i32>} : memref<20000xi32, #tpu.memory_space<vmem>>, vector<16xi32>,
      %shift_right_logical3A_196 = arith.constant 8 : i32
      %shift_right_logical3A_197 = vector.broadcast %shift_right_logical3A_196 : i32 to vector<16xi32>
      %shift_right_logical3A_198 = arith.shrui %get3A_195, %shift_right_logical3A_197 : vector<16xi32>
      %and3A_199 = arith.constant 127 : i32
      %and3A_200 = vector.broadcast %and3A_199 : i32 to vector<16xi32>
      %and3A_201 = arith.andi %get3A_195, %and3A_200 : vector<16xi32>
      %mul3A_202 = arith.constant 1310720 : i32
      %mul3A_203 = vector.broadcast %mul3A_202 : i32 to vector<16xi32>
      %mul3A_204 = arith.muli %shift_right_logical3A_198, %mul3A_203 : vector<16xi32>
      %mul3A_205 = arith.constant 128 : i32
      %mul3A_206 = vector.broadcast %mul3A_205 : i32 to vector<16xi32>
      %mul3A_207 = arith.muli %get3A_193, %mul3A_206 : vector<16xi32>
      %add3A_208 = arith.addi %mul3A_204, %mul3A_207 : vector<16xi32>
      %add3A_209 = arith.addi %add3A_208, %and3A_201 : vector<16xi32>
      %swap3A_210 = arith.index_cast %mul3A_191 : i32 to index
      %swap3A_211 = tpu.vector_load %arg8[%swap3A_210] {strides = array<i32>} : memref<20000xi32, #tpu.memory_space<vmem>>, vector<16xi32>,
      tpu.vector_store %arg8[%swap3A_210], %add3A_209 {strides = array<i32>} : memref<20000xi32, #tpu.memory_space<vmem>>, vector<16xi32>,
      %mul3A_212 = arith.constant 5 : i32
      %mul3A_213 = arith.muli %scan3A_163, %mul3A_212 : i32
      %add3A_214 = arith.constant 2 : i32
      %add3A_215 = arith.addi %mul3A_213, %add3A_214 : i32
      %mul3A_216 = arith.constant 16 : i32
      %mul3A_217 = arith.muli %add3A_215, %mul3A_216 : i32
      %get3A_218 = arith.index_cast %mul3A_217 : i32 to index
      %get3A_219 = tpu.vector_load %arg6[%get3A_218] {strides = array<i32>} : memref<20000xi32, #tpu.memory_space<vmem>>, vector<16xi32>,
      %get3A_220 = arith.index_cast %mul3A_217 : i32 to index
      %get3A_221 = tpu.vector_load %arg7[%get3A_220] {strides = array<i32>} : memref<20000xi32, #tpu.memory_space<vmem>>, vector<16xi32>,
      %shift_right_logical3A_222 = arith.constant 8 : i32
      %shift_right_logical3A_223 = vector.broadcast %shift_right_logical3A_222 : i32 to vector<16xi32>
      %shift_right_logical3A_224 = arith.shrui %get3A_221, %shift_right_logical3A_223 : vector<16xi32>
      %and3A_225 = arith.constant 127 : i32
      %and3A_226 = vector.broadcast %and3A_225 : i32 to vector<16xi32>
      %and3A_227 = arith.andi %get3A_221, %and3A_226 : vector<16xi32>
      %mul3A_228 = arith.constant 1310720 : i32
      %mul3A_229 = vector.broadcast %mul3A_228 : i32 to vector<16xi32>
      %mul3A_230 = arith.muli %shift_right_logical3A_224, %mul3A_229 : vector<16xi32>
      %mul3A_231 = arith.constant 128 : i32
      %mul3A_232 = vector.broadcast %mul3A_231 : i32 to vector<16xi32>
      %mul3A_233 = arith.muli %get3A_219, %mul3A_232 : vector<16xi32>
      %add3A_234 = arith.addi %mul3A_230, %mul3A_233 : vector<16xi32>
      %add3A_235 = arith.addi %add3A_234, %and3A_227 : vector<16xi32>
      %swap3A_236 = arith.index_cast %mul3A_217 : i32 to index
      %swap3A_237 = tpu.vector_load %arg8[%swap3A_236] {strides = array<i32>} : memref<20000xi32, #tpu.memory_space<vmem>>, vector<16xi32>,
      tpu.vector_store %arg8[%swap3A_236], %add3A_235 {strides = array<i32>} : memref<20000xi32, #tpu.memory_space<vmem>>, vector<16xi32>,
      %mul3A_238 = arith.constant 5 : i32
      %mul3A_239 = arith.muli %scan3A_163, %mul3A_238 : i32
      %add3A_240 = arith.constant 3 : i32
      %add3A_241 = arith.addi %mul3A_239, %add3A_240 : i32
      %mul3A_242 = arith.constant 16 : i32
      %mul3A_243 = arith.muli %add3A_241, %mul3A_242 : i32
      %get3A_244 = arith.index_cast %mul3A_243 : i32 to index
      %get3A_245 = tpu.vector_load %arg6[%get3A_244] {strides = array<i32>} : memref<20000xi32, #tpu.memory_space<vmem>>, vector<16xi32>,
      %get3A_246 = arith.index_cast %mul3A_243 : i32 to index
      %get3A_247 = tpu.vector_load %arg7[%get3A_246] {strides = array<i32>} : memref<20000xi32, #tpu.memory_space<vmem>>, vector<16xi32>,
      %shift_right_logical3A_248 = arith.constant 8 : i32
      %shift_right_logical3A_249 = vector.broadcast %shift_right_logical3A_248 : i32 to vector<16xi32>
      %shift_right_logical3A_250 = arith.shrui %get3A_247, %shift_right_logical3A_249 : vector<16xi32>
      %and3A_251 = arith.constant 127 : i32
      %and3A_252 = vector.broadcast %and3A_251 : i32 to vector<16xi32>
      %and3A_253 = arith.andi %get3A_247, %and3A_252 : vector<16xi32>
      %mul3A_254 = arith.constant 1310720 : i32
      %mul3A_255 = vector.broadcast %mul3A_254 : i32 to vector<16xi32>
      %mul3A_256 = arith.muli %shift_right_logical3A_250, %mul3A_255 : vector<16xi32>
      %mul3A_257 = arith.constant 128 : i32
      %mul3A_258 = vector.broadcast %mul3A_257 : i32 to vector<16xi32>
      %mul3A_259 = arith.muli %get3A_245, %mul3A_258 : vector<16xi32>
      %add3A_260 = arith.addi %mul3A_256, %mul3A_259 : vector<16xi32>
      %add3A_261 = arith.addi %add3A_260, %and3A_253 : vector<16xi32>
      %swap3A_262 = arith.index_cast %mul3A_243 : i32 to index
      %swap3A_263 = tpu.vector_load %arg8[%swap3A_262] {strides = array<i32>} : memref<20000xi32, #tpu.memory_space<vmem>>, vector<16xi32>,
      tpu.vector_store %arg8[%swap3A_262], %add3A_261 {strides = array<i32>} : memref<20000xi32, #tpu.memory_space<vmem>>, vector<16xi32>,
      %mul3A_264 = arith.constant 5 : i32
      %mul3A_265 = arith.muli %scan3A_163, %mul3A_264 : i32
      %add3A_266 = arith.constant 4 : i32
      %add3A_267 = arith.addi %mul3A_265, %add3A_266 : i32
      %mul3A_268 = arith.constant 16 : i32
      %mul3A_269 = arith.muli %add3A_267, %mul3A_268 : i32
      %get3A_270 = arith.index_cast %mul3A_269 : i32 to index
      %get3A_271 = tpu.vector_load %arg6[%get3A_270] {strides = array<i32>} : memref<20000xi32, #tpu.memory_space<vmem>>, vector<16xi32>,
      %get3A_272 = arith.index_cast %mul3A_269 : i32 to index
      %get3A_273 = tpu.vector_load %arg7[%get3A_272] {strides = array<i32>} : memref<20000xi32, #tpu.memory_space<vmem>>, vector<16xi32>,
      %shift_right_logical3A_274 = arith.constant 8 : i32
      %shift_right_logical3A_275 = vector.broadcast %shift_right_logical3A_274 : i32 to vector<16xi32>
      %shift_right_logical3A_276 = arith.shrui %get3A_273, %shift_right_logical3A_275 : vector<16xi32>
      %and3A_277 = arith.constant 127 : i32
      %and3A_278 = vector.broadcast %and3A_277 : i32 to vector<16xi32>
      %and3A_279 = arith.andi %get3A_273, %and3A_278 : vector<16xi32>
      %mul3A_280 = arith.constant 1310720 : i32
      %mul3A_281 = vector.broadcast %mul3A_280 : i32 to vector<16xi32>
      %mul3A_282 = arith.muli %shift_right_logical3A_276, %mul3A_281 : vector<16xi32>
      %mul3A_283 = arith.constant 128 : i32
      %mul3A_284 = vector.broadcast %mul3A_283 : i32 to vector<16xi32>
      %mul3A_285 = arith.muli %get3A_271, %mul3A_284 : vector<16xi32>
      %add3A_286 = arith.addi %mul3A_282, %mul3A_285 : vector<16xi32>
      %add3A_287 = arith.addi %add3A_286, %and3A_279 : vector<16xi32>
      %swap3A_288 = arith.index_cast %mul3A_269 : i32 to index
      %swap3A_289 = tpu.vector_load %arg8[%swap3A_288] {strides = array<i32>} : memref<20000xi32, #tpu.memory_space<vmem>>, vector<16xi32>,
      tpu.vector_store %arg8[%swap3A_288], %add3A_287 {strides = array<i32>} : memref<20000xi32, #tpu.memory_space<vmem>>, vector<16xi32>,
    }
    %scan3A_7 = arith.constant 250 : i32
    %scan3A_8 = arith.constant 0 : i32
    %scan3A_9 = arith.constant 0 : i32
    %scan3A_10 = arith.constant 250 : i32
    %scan3A_11 = arith.addi %scan3A_9, %scan3A_10 : i32
    %scan3A_12 = arith.constant 1 : i32
    scf.for %scan3A_163 = %scan3A_9 to %scan3A_11 step %scan3A_12  : i32 {
      %mul3A_164 = arith.constant 80 : i32
      %mul3A_165 = arith.muli %scan3A_163, %mul3A_164 : i32
      %mul3A_166 = arith.constant 80 : i32
      %mul3A_167 = arith.muli %scan3A_163, %mul3A_166 : i32
      %dma_start3A = tpu.memref_slice %arg9[%mul3A_167] : memref<20000xf32, #tpu.memory_space<vmem>> -> memref<80xf32, #tpu.memory_space<vmem>>
      %dma_start3A_168 = tpu.memref_slice %arg8[%mul3A_165] : memref<20000xi32, #tpu.memory_space<vmem>> -> memref<80xi32, #tpu.memory_space<vmem>>
      %dma_start3A_169 = arith.constant 0 : i32
      %dma_start3A_170 = tpu.memref_slice %arg2[%dma_start3A_169] : memref<52428800xf32, #tpu.memory_space<hbm>> -> memref<52428800xf32, #tpu.memory_space<hbm>>
      tpu.enqueue_indirect_dma source(%dma_start3A_170 : memref<52428800xf32, #tpu.memory_space<hbm>>) target(%dma_start3A : memref<80xf32, #tpu.memory_space<vmem>>) offsets(%dma_start3A_168 : memref<80xi32, #tpu.memory_space<vmem>>) semaphore(%arg10 : memref<!tpu.dma_semaphore, #tpu.memory_space<semaphore_mem>>)
      %ge3A = arith.constant 24 : i32
      %ge3A_171 = arith.cmpi sge, %scan3A_163, %ge3A : i32
      %convert_element_type3A = arith.extui %ge3A_171 : i1 to i32
      %cond3A = arith.constant 0 : i32
      %cond3A_172 = arith.cmpi ne, %convert_element_type3A, %cond3A : i32
      scf.if %cond3A_172 {
        %dma_wait3A_173 = arith.constant 0 : i32
        %dma_wait3A_174 = tpu.memref_slice %arg9[%dma_wait3A_173] : memref<20000xf32, #tpu.memory_space<vmem>> -> memref<80xf32, #tpu.memory_space<vmem>>
        %dma_wait3A_175 = arith.constant 0 : i32
        %dma_wait3A_176 = tpu.memref_slice %arg8[%dma_wait3A_175] : memref<20000xi32, #tpu.memory_space<vmem>> -> memref<80xi32, #tpu.memory_space<vmem>>
        %dma_wait3A_177 = arith.constant 0 : i32
        %dma_wait3A_178 = tpu.memref_slice %arg2[%dma_wait3A_177] : memref<52428800xf32, #tpu.memory_space<hbm>> -> memref<52428800xf32, #tpu.memory_space<hbm>>
        tpu.wait_indirect_dma semaphore(%arg10 : memref<!tpu.dma_semaphore, #tpu.memory_space<semaphore_mem>>) src(%dma_wait3A_178 : memref<52428800xf32, #tpu.memory_space<hbm>>) dst(%dma_wait3A_174 : memref<80xf32, #tpu.memory_space<vmem>>)
      } else {
      }
    }
    %scan3A_13 = arith.constant 250 : i32
    %dma_wait3A = arith.constant 0 : i32
    %dma_wait3A_14 = tpu.memref_slice %arg9[%dma_wait3A] : memref<20000xf32, #tpu.memory_space<vmem>> -> memref<80xf32, #tpu.memory_space<vmem>>
    %dma_wait3A_15 = arith.constant 0 : i32
    %dma_wait3A_16 = tpu.memref_slice %arg8[%dma_wait3A_15] : memref<20000xi32, #tpu.memory_space<vmem>> -> memref<80xi32, #tpu.memory_space<vmem>>
    %dma_wait3A_17 = arith.constant 0 : i32
    %dma_wait3A_18 = tpu.memref_slice %arg2[%dma_wait3A_17] : memref<52428800xf32, #tpu.memory_space<hbm>> -> memref<52428800xf32, #tpu.memory_space<hbm>>
    tpu.wait_indirect_dma semaphore(%arg10 : memref<!tpu.dma_semaphore, #tpu.memory_space<semaphore_mem>>) src(%dma_wait3A_18 : memref<52428800xf32, #tpu.memory_space<hbm>>) dst(%dma_wait3A_14 : memref<80xf32, #tpu.memory_space<vmem>>)
    %dma_wait3A_19 = arith.constant 0 : i32
    %dma_wait3A_20 = tpu.memref_slice %arg9[%dma_wait3A_19] : memref<20000xf32, #tpu.memory_space<vmem>> -> memref<80xf32, #tpu.memory_space<vmem>>
    %dma_wait3A_21 = arith.constant 0 : i32
    %dma_wait3A_22 = tpu.memref_slice %arg8[%dma_wait3A_21] : memref<20000xi32, #tpu.memory_space<vmem>> -> memref<80xi32, #tpu.memory_space<vmem>>
    %dma_wait3A_23 = arith.constant 0 : i32
    %dma_wait3A_24 = tpu.memref_slice %arg2[%dma_wait3A_23] : memref<52428800xf32, #tpu.memory_space<hbm>> -> memref<52428800xf32, #tpu.memory_space<hbm>>
    tpu.wait_indirect_dma semaphore(%arg10 : memref<!tpu.dma_semaphore, #tpu.memory_space<semaphore_mem>>) src(%dma_wait3A_24 : memref<52428800xf32, #tpu.memory_space<hbm>>) dst(%dma_wait3A_20 : memref<80xf32, #tpu.memory_space<vmem>>)
    %dma_wait3A_25 = arith.constant 0 : i32
    %dma_wait3A_26 = tpu.memref_slice %arg9[%dma_wait3A_25] : memref<20000xf32, #tpu.memory_space<vmem>> -> memref<80xf32, #tpu.memory_space<vmem>>
    %dma_wait3A_27 = arith.constant 0 : i32
    %dma_wait3A_28 = tpu.memref_slice %arg8[%dma_wait3A_27] : memref<20000xi32, #tpu.memory_space<vmem>> -> memref<80xi32, #tpu.memory_space<vmem>>
    %dma_wait3A_29 = arith.constant 0 : i32
    %dma_wait3A_30 = tpu.memref_slice %arg2[%dma_wait3A_29] : memref<52428800xf32, #tpu.memory_space<hbm>> -> memref<52428800xf32, #tpu.memory_space<hbm>>
    tpu.wait_indirect_dma semaphore(%arg10 : memref<!tpu.dma_semaphore, #tpu.memory_space<semaphore_mem>>) src(%dma_wait3A_30 : memref<52428800xf32, #tpu.memory_space<hbm>>) dst(%dma_wait3A_26 : memref<80xf32, #tpu.memory_space<vmem>>)
    %dma_wait3A_31 = arith.constant 0 : i32
    %dma_wait3A_32 = tpu.memref_slice %arg9[%dma_wait3A_31] : memref<20000xf32, #tpu.memory_space<vmem>> -> memref<80xf32, #tpu.memory_space<vmem>>
    %dma_wait3A_33 = arith.constant 0 : i32
    %dma_wait3A_34 = tpu.memref_slice %arg8[%dma_wait3A_33] : memref<20000xi32, #tpu.memory_space<vmem>> -> memref<80xi32, #tpu.memory_space<vmem>>
    %dma_wait3A_35 = arith.constant 0 : i32
    %dma_wait3A_36 = tpu.memref_slice %arg2[%dma_wait3A_35] : memref<52428800xf32, #tpu.memory_space<hbm>> -> memref<52428800xf32, #tpu.memory_space<hbm>>
    tpu.wait_indirect_dma semaphore(%arg10 : memref<!tpu.dma_semaphore, #tpu.memory_space<semaphore_mem>>) src(%dma_wait3A_36 : memref<52428800xf32, #tpu.memory_space<hbm>>) dst(%dma_wait3A_32 : memref<80xf32, #tpu.memory_space<vmem>>)
    %dma_wait3A_37 = arith.constant 0 : i32
    %dma_wait3A_38 = tpu.memref_slice %arg9[%dma_wait3A_37] : memref<20000xf32, #tpu.memory_space<vmem>> -> memref<80xf32, #tpu.memory_space<vmem>>
    %dma_wait3A_39 = arith.constant 0 : i32
    %dma_wait3A_40 = tpu.memref_slice %arg8[%dma_wait3A_39] : memref<20000xi32, #tpu.memory_space<vmem>> -> memref<80xi32, #tpu.memory_space<vmem>>
    %dma_wait3A_41 = arith.constant 0 : i32
    %dma_wait3A_42 = tpu.memref_slice %arg2[%dma_wait3A_41] : memref<52428800xf32, #tpu.memory_space<hbm>> -> memref<52428800xf32, #tpu.memory_space<hbm>>
    tpu.wait_indirect_dma semaphore(%arg10 : memref<!tpu.dma_semaphore, #tpu.memory_space<semaphore_mem>>) src(%dma_wait3A_42 : memref<52428800xf32, #tpu.memory_space<hbm>>) dst(%dma_wait3A_38 : memref<80xf32, #tpu.memory_space<vmem>>)
    %dma_wait3A_43 = arith.constant 0 : i32
    %dma_wait3A_44 = tpu.memref_slice %arg9[%dma_wait3A_43] : memref<20000xf32, #tpu.memory_space<vmem>> -> memref<80xf32, #tpu.memory_space<vmem>>
    %dma_wait3A_45 = arith.constant 0 : i32
    %dma_wait3A_46 = tpu.memref_slice %arg8[%dma_wait3A_45] : memref<20000xi32, #tpu.memory_space<vmem>> -> memref<80xi32, #tpu.memory_space<vmem>>
    %dma_wait3A_47 = arith.constant 0 : i32
    %dma_wait3A_48 = tpu.memref_slice %arg2[%dma_wait3A_47] : memref<52428800xf32, #tpu.memory_space<hbm>> -> memref<52428800xf32, #tpu.memory_space<hbm>>
    tpu.wait_indirect_dma semaphore(%arg10 : memref<!tpu.dma_semaphore, #tpu.memory_space<semaphore_mem>>) src(%dma_wait3A_48 : memref<52428800xf32, #tpu.memory_space<hbm>>) dst(%dma_wait3A_44 : memref<80xf32, #tpu.memory_space<vmem>>)
    %dma_wait3A_49 = arith.constant 0 : i32
    %dma_wait3A_50 = tpu.memref_slice %arg9[%dma_wait3A_49] : memref<20000xf32, #tpu.memory_space<vmem>> -> memref<80xf32, #tpu.memory_space<vmem>>
    %dma_wait3A_51 = arith.constant 0 : i32
    %dma_wait3A_52 = tpu.memref_slice %arg8[%dma_wait3A_51] : memref<20000xi32, #tpu.memory_space<vmem>> -> memref<80xi32, #tpu.memory_space<vmem>>
    %dma_wait3A_53 = arith.constant 0 : i32
    %dma_wait3A_54 = tpu.memref_slice %arg2[%dma_wait3A_53] : memref<52428800xf32, #tpu.memory_space<hbm>> -> memref<52428800xf32, #tpu.memory_space<hbm>>
    tpu.wait_indirect_dma semaphore(%arg10 : memref<!tpu.dma_semaphore, #tpu.memory_space<semaphore_mem>>) src(%dma_wait3A_54 : memref<52428800xf32, #tpu.memory_space<hbm>>) dst(%dma_wait3A_50 : memref<80xf32, #tpu.memory_space<vmem>>)
    %dma_wait3A_55 = arith.constant 0 : i32
    %dma_wait3A_56 = tpu.memref_slice %arg9[%dma_wait3A_55] : memref<20000xf32, #tpu.memory_space<vmem>> -> memref<80xf32, #tpu.memory_space<vmem>>
    %dma_wait3A_57 = arith.constant 0 : i32
    %dma_wait3A_58 = tpu.memref_slice %arg8[%dma_wait3A_57] : memref<20000xi32, #tpu.memory_space<vmem>> -> memref<80xi32, #tpu.memory_space<vmem>>
    %dma_wait3A_59 = arith.constant 0 : i32
    %dma_wait3A_60 = tpu.memref_slice %arg2[%dma_wait3A_59] : memref<52428800xf32, #tpu.memory_space<hbm>> -> memref<52428800xf32, #tpu.memory_space<hbm>>
    tpu.wait_indirect_dma semaphore(%arg10 : memref<!tpu.dma_semaphore, #tpu.memory_space<semaphore_mem>>) src(%dma_wait3A_60 : memref<52428800xf32, #tpu.memory_space<hbm>>) dst(%dma_wait3A_56 : memref<80xf32, #tpu.memory_space<vmem>>)
    %dma_wait3A_61 = arith.constant 0 : i32
    %dma_wait3A_62 = tpu.memref_slice %arg9[%dma_wait3A_61] : memref<20000xf32, #tpu.memory_space<vmem>> -> memref<80xf32, #tpu.memory_space<vmem>>
    %dma_wait3A_63 = arith.constant 0 : i32
    %dma_wait3A_64 = tpu.memref_slice %arg8[%dma_wait3A_63] : memref<20000xi32, #tpu.memory_space<vmem>> -> memref<80xi32, #tpu.memory_space<vmem>>
    %dma_wait3A_65 = arith.constant 0 : i32
    %dma_wait3A_66 = tpu.memref_slice %arg2[%dma_wait3A_65] : memref<52428800xf32, #tpu.memory_space<hbm>> -> memref<52428800xf32, #tpu.memory_space<hbm>>
    tpu.wait_indirect_dma semaphore(%arg10 : memref<!tpu.dma_semaphore, #tpu.memory_space<semaphore_mem>>) src(%dma_wait3A_66 : memref<52428800xf32, #tpu.memory_space<hbm>>) dst(%dma_wait3A_62 : memref<80xf32, #tpu.memory_space<vmem>>)
    %dma_wait3A_67 = arith.constant 0 : i32
    %dma_wait3A_68 = tpu.memref_slice %arg9[%dma_wait3A_67] : memref<20000xf32, #tpu.memory_space<vmem>> -> memref<80xf32, #tpu.memory_space<vmem>>
    %dma_wait3A_69 = arith.constant 0 : i32
    %dma_wait3A_70 = tpu.memref_slice %arg8[%dma_wait3A_69] : memref<20000xi32, #tpu.memory_space<vmem>> -> memref<80xi32, #tpu.memory_space<vmem>>
    %dma_wait3A_71 = arith.constant 0 : i32
    %dma_wait3A_72 = tpu.memref_slice %arg2[%dma_wait3A_71] : memref<52428800xf32, #tpu.memory_space<hbm>> -> memref<52428800xf32, #tpu.memory_space<hbm>>
    tpu.wait_indirect_dma semaphore(%arg10 : memref<!tpu.dma_semaphore, #tpu.memory_space<semaphore_mem>>) src(%dma_wait3A_72 : memref<52428800xf32, #tpu.memory_space<hbm>>) dst(%dma_wait3A_68 : memref<80xf32, #tpu.memory_space<vmem>>)
    %dma_wait3A_73 = arith.constant 0 : i32
    %dma_wait3A_74 = tpu.memref_slice %arg9[%dma_wait3A_73] : memref<20000xf32, #tpu.memory_space<vmem>> -> memref<80xf32, #tpu.memory_space<vmem>>
    %dma_wait3A_75 = arith.constant 0 : i32
    %dma_wait3A_76 = tpu.memref_slice %arg8[%dma_wait3A_75] : memref<20000xi32, #tpu.memory_space<vmem>> -> memref<80xi32, #tpu.memory_space<vmem>>
    %dma_wait3A_77 = arith.constant 0 : i32
    %dma_wait3A_78 = tpu.memref_slice %arg2[%dma_wait3A_77] : memref<52428800xf32, #tpu.memory_space<hbm>> -> memref<52428800xf32, #tpu.memory_space<hbm>>
    tpu.wait_indirect_dma semaphore(%arg10 : memref<!tpu.dma_semaphore, #tpu.memory_space<semaphore_mem>>) src(%dma_wait3A_78 : memref<52428800xf32, #tpu.memory_space<hbm>>) dst(%dma_wait3A_74 : memref<80xf32, #tpu.memory_space<vmem>>)
    %dma_wait3A_79 = arith.constant 0 : i32
    %dma_wait3A_80 = tpu.memref_slice %arg9[%dma_wait3A_79] : memref<20000xf32, #tpu.memory_space<vmem>> -> memref<80xf32, #tpu.memory_space<vmem>>
    %dma_wait3A_81 = arith.constant 0 : i32
    %dma_wait3A_82 = tpu.memref_slice %arg8[%dma_wait3A_81] : memref<20000xi32, #tpu.memory_space<vmem>> -> memref<80xi32, #tpu.memory_space<vmem>>
    %dma_wait3A_83 = arith.constant 0 : i32
    %dma_wait3A_84 = tpu.memref_slice %arg2[%dma_wait3A_83] : memref<52428800xf32, #tpu.memory_space<hbm>> -> memref<52428800xf32, #tpu.memory_space<hbm>>
    tpu.wait_indirect_dma semaphore(%arg10 : memref<!tpu.dma_semaphore, #tpu.memory_space<semaphore_mem>>) src(%dma_wait3A_84 : memref<52428800xf32, #tpu.memory_space<hbm>>) dst(%dma_wait3A_80 : memref<80xf32, #tpu.memory_space<vmem>>)
    %dma_wait3A_85 = arith.constant 0 : i32
    %dma_wait3A_86 = tpu.memref_slice %arg9[%dma_wait3A_85] : memref<20000xf32, #tpu.memory_space<vmem>> -> memref<80xf32, #tpu.memory_space<vmem>>
    %dma_wait3A_87 = arith.constant 0 : i32
    %dma_wait3A_88 = tpu.memref_slice %arg8[%dma_wait3A_87] : memref<20000xi32, #tpu.memory_space<vmem>> -> memref<80xi32, #tpu.memory_space<vmem>>
    %dma_wait3A_89 = arith.constant 0 : i32
    %dma_wait3A_90 = tpu.memref_slice %arg2[%dma_wait3A_89] : memref<52428800xf32, #tpu.memory_space<hbm>> -> memref<52428800xf32, #tpu.memory_space<hbm>>
    tpu.wait_indirect_dma semaphore(%arg10 : memref<!tpu.dma_semaphore, #tpu.memory_space<semaphore_mem>>) src(%dma_wait3A_90 : memref<52428800xf32, #tpu.memory_space<hbm>>) dst(%dma_wait3A_86 : memref<80xf32, #tpu.memory_space<vmem>>)
    %dma_wait3A_91 = arith.constant 0 : i32
    %dma_wait3A_92 = tpu.memref_slice %arg9[%dma_wait3A_91] : memref<20000xf32, #tpu.memory_space<vmem>> -> memref<80xf32, #tpu.memory_space<vmem>>
    %dma_wait3A_93 = arith.constant 0 : i32
    %dma_wait3A_94 = tpu.memref_slice %arg8[%dma_wait3A_93] : memref<20000xi32, #tpu.memory_space<vmem>> -> memref<80xi32, #tpu.memory_space<vmem>>
    %dma_wait3A_95 = arith.constant 0 : i32
    %dma_wait3A_96 = tpu.memref_slice %arg2[%dma_wait3A_95] : memref<52428800xf32, #tpu.memory_space<hbm>> -> memref<52428800xf32, #tpu.memory_space<hbm>>
    tpu.wait_indirect_dma semaphore(%arg10 : memref<!tpu.dma_semaphore, #tpu.memory_space<semaphore_mem>>) src(%dma_wait3A_96 : memref<52428800xf32, #tpu.memory_space<hbm>>) dst(%dma_wait3A_92 : memref<80xf32, #tpu.memory_space<vmem>>)
    %dma_wait3A_97 = arith.constant 0 : i32
    %dma_wait3A_98 = tpu.memref_slice %arg9[%dma_wait3A_97] : memref<20000xf32, #tpu.memory_space<vmem>> -> memref<80xf32, #tpu.memory_space<vmem>>
    %dma_wait3A_99 = arith.constant 0 : i32
    %dma_wait3A_100 = tpu.memref_slice %arg8[%dma_wait3A_99] : memref<20000xi32, #tpu.memory_space<vmem>> -> memref<80xi32, #tpu.memory_space<vmem>>
    %dma_wait3A_101 = arith.constant 0 : i32
    %dma_wait3A_102 = tpu.memref_slice %arg2[%dma_wait3A_101] : memref<52428800xf32, #tpu.memory_space<hbm>> -> memref<52428800xf32, #tpu.memory_space<hbm>>
    tpu.wait_indirect_dma semaphore(%arg10 : memref<!tpu.dma_semaphore, #tpu.memory_space<semaphore_mem>>) src(%dma_wait3A_102 : memref<52428800xf32, #tpu.memory_space<hbm>>) dst(%dma_wait3A_98 : memref<80xf32, #tpu.memory_space<vmem>>)
    %dma_wait3A_103 = arith.constant 0 : i32
    %dma_wait3A_104 = tpu.memref_slice %arg9[%dma_wait3A_103] : memref<20000xf32, #tpu.memory_space<vmem>> -> memref<80xf32, #tpu.memory_space<vmem>>
    %dma_wait3A_105 = arith.constant 0 : i32
    %dma_wait3A_106 = tpu.memref_slice %arg8[%dma_wait3A_105] : memref<20000xi32, #tpu.memory_space<vmem>> -> memref<80xi32, #tpu.memory_space<vmem>>
    %dma_wait3A_107 = arith.constant 0 : i32
    %dma_wait3A_108 = tpu.memref_slice %arg2[%dma_wait3A_107] : memref<52428800xf32, #tpu.memory_space<hbm>> -> memref<52428800xf32, #tpu.memory_space<hbm>>
    tpu.wait_indirect_dma semaphore(%arg10 : memref<!tpu.dma_semaphore, #tpu.memory_space<semaphore_mem>>) src(%dma_wait3A_108 : memref<52428800xf32, #tpu.memory_space<hbm>>) dst(%dma_wait3A_104 : memref<80xf32, #tpu.memory_space<vmem>>)
    %dma_wait3A_109 = arith.constant 0 : i32
    %dma_wait3A_110 = tpu.memref_slice %arg9[%dma_wait3A_109] : memref<20000xf32, #tpu.memory_space<vmem>> -> memref<80xf32, #tpu.memory_space<vmem>>
    %dma_wait3A_111 = arith.constant 0 : i32
    %dma_wait3A_112 = tpu.memref_slice %arg8[%dma_wait3A_111] : memref<20000xi32, #tpu.memory_space<vmem>> -> memref<80xi32, #tpu.memory_space<vmem>>
    %dma_wait3A_113 = arith.constant 0 : i32
    %dma_wait3A_114 = tpu.memref_slice %arg2[%dma_wait3A_113] : memref<52428800xf32, #tpu.memory_space<hbm>> -> memref<52428800xf32, #tpu.memory_space<hbm>>
    tpu.wait_indirect_dma semaphore(%arg10 : memref<!tpu.dma_semaphore, #tpu.memory_space<semaphore_mem>>) src(%dma_wait3A_114 : memref<52428800xf32, #tpu.memory_space<hbm>>) dst(%dma_wait3A_110 : memref<80xf32, #tpu.memory_space<vmem>>)
    %dma_wait3A_115 = arith.constant 0 : i32
    %dma_wait3A_116 = tpu.memref_slice %arg9[%dma_wait3A_115] : memref<20000xf32, #tpu.memory_space<vmem>> -> memref<80xf32, #tpu.memory_space<vmem>>
    %dma_wait3A_117 = arith.constant 0 : i32
    %dma_wait3A_118 = tpu.memref_slice %arg8[%dma_wait3A_117] : memref<20000xi32, #tpu.memory_space<vmem>> -> memref<80xi32, #tpu.memory_space<vmem>>
    %dma_wait3A_119 = arith.constant 0 : i32
    %dma_wait3A_120 = tpu.memref_slice %arg2[%dma_wait3A_119] : memref<52428800xf32, #tpu.memory_space<hbm>> -> memref<52428800xf32, #tpu.memory_space<hbm>>
    tpu.wait_indirect_dma semaphore(%arg10 : memref<!tpu.dma_semaphore, #tpu.memory_space<semaphore_mem>>) src(%dma_wait3A_120 : memref<52428800xf32, #tpu.memory_space<hbm>>) dst(%dma_wait3A_116 : memref<80xf32, #tpu.memory_space<vmem>>)
    %dma_wait3A_121 = arith.constant 0 : i32
    %dma_wait3A_122 = tpu.memref_slice %arg9[%dma_wait3A_121] : memref<20000xf32, #tpu.memory_space<vmem>> -> memref<80xf32, #tpu.memory_space<vmem>>
    %dma_wait3A_123 = arith.constant 0 : i32
    %dma_wait3A_124 = tpu.memref_slice %arg8[%dma_wait3A_123] : memref<20000xi32, #tpu.memory_space<vmem>> -> memref<80xi32, #tpu.memory_space<vmem>>
    %dma_wait3A_125 = arith.constant 0 : i32
    %dma_wait3A_126 = tpu.memref_slice %arg2[%dma_wait3A_125] : memref<52428800xf32, #tpu.memory_space<hbm>> -> memref<52428800xf32, #tpu.memory_space<hbm>>
    tpu.wait_indirect_dma semaphore(%arg10 : memref<!tpu.dma_semaphore, #tpu.memory_space<semaphore_mem>>) src(%dma_wait3A_126 : memref<52428800xf32, #tpu.memory_space<hbm>>) dst(%dma_wait3A_122 : memref<80xf32, #tpu.memory_space<vmem>>)
    %dma_wait3A_127 = arith.constant 0 : i32
    %dma_wait3A_128 = tpu.memref_slice %arg9[%dma_wait3A_127] : memref<20000xf32, #tpu.memory_space<vmem>> -> memref<80xf32, #tpu.memory_space<vmem>>
    %dma_wait3A_129 = arith.constant 0 : i32
    %dma_wait3A_130 = tpu.memref_slice %arg8[%dma_wait3A_129] : memref<20000xi32, #tpu.memory_space<vmem>> -> memref<80xi32, #tpu.memory_space<vmem>>
    %dma_wait3A_131 = arith.constant 0 : i32
    %dma_wait3A_132 = tpu.memref_slice %arg2[%dma_wait3A_131] : memref<52428800xf32, #tpu.memory_space<hbm>> -> memref<52428800xf32, #tpu.memory_space<hbm>>
    tpu.wait_indirect_dma semaphore(%arg10 : memref<!tpu.dma_semaphore, #tpu.memory_space<semaphore_mem>>) src(%dma_wait3A_132 : memref<52428800xf32, #tpu.memory_space<hbm>>) dst(%dma_wait3A_128 : memref<80xf32, #tpu.memory_space<vmem>>)
    %dma_wait3A_133 = arith.constant 0 : i32
    %dma_wait3A_134 = tpu.memref_slice %arg9[%dma_wait3A_133] : memref<20000xf32, #tpu.memory_space<vmem>> -> memref<80xf32, #tpu.memory_space<vmem>>
    %dma_wait3A_135 = arith.constant 0 : i32
    %dma_wait3A_136 = tpu.memref_slice %arg8[%dma_wait3A_135] : memref<20000xi32, #tpu.memory_space<vmem>> -> memref<80xi32, #tpu.memory_space<vmem>>
    %dma_wait3A_137 = arith.constant 0 : i32
    %dma_wait3A_138 = tpu.memref_slice %arg2[%dma_wait3A_137] : memref<52428800xf32, #tpu.memory_space<hbm>> -> memref<52428800xf32, #tpu.memory_space<hbm>>
    tpu.wait_indirect_dma semaphore(%arg10 : memref<!tpu.dma_semaphore, #tpu.memory_space<semaphore_mem>>) src(%dma_wait3A_138 : memref<52428800xf32, #tpu.memory_space<hbm>>) dst(%dma_wait3A_134 : memref<80xf32, #tpu.memory_space<vmem>>)
    %dma_wait3A_139 = arith.constant 0 : i32
    %dma_wait3A_140 = tpu.memref_slice %arg9[%dma_wait3A_139] : memref<20000xf32, #tpu.memory_space<vmem>> -> memref<80xf32, #tpu.memory_space<vmem>>
    %dma_wait3A_141 = arith.constant 0 : i32
    %dma_wait3A_142 = tpu.memref_slice %arg8[%dma_wait3A_141] : memref<20000xi32, #tpu.memory_space<vmem>> -> memref<80xi32, #tpu.memory_space<vmem>>
    %dma_wait3A_143 = arith.constant 0 : i32
    %dma_wait3A_144 = tpu.memref_slice %arg2[%dma_wait3A_143] : memref<52428800xf32, #tpu.memory_space<hbm>> -> memref<52428800xf32, #tpu.memory_space<hbm>>
    tpu.wait_indirect_dma semaphore(%arg10 : memref<!tpu.dma_semaphore, #tpu.memory_space<semaphore_mem>>) src(%dma_wait3A_144 : memref<52428800xf32, #tpu.memory_space<hbm>>) dst(%dma_wait3A_140 : memref<80xf32, #tpu.memory_space<vmem>>)
    %dma_wait3A_145 = arith.constant 0 : i32
    %dma_wait3A_146 = tpu.memref_slice %arg9[%dma_wait3A_145] : memref<20000xf32, #tpu.memory_space<vmem>> -> memref<80xf32, #tpu.memory_space<vmem>>
    %dma_wait3A_147 = arith.constant 0 : i32
    %dma_wait3A_148 = tpu.memref_slice %arg8[%dma_wait3A_147] : memref<20000xi32, #tpu.memory_space<vmem>> -> memref<80xi32, #tpu.memory_space<vmem>>
    %dma_wait3A_149 = arith.constant 0 : i32
    %dma_wait3A_150 = tpu.memref_slice %arg2[%dma_wait3A_149] : memref<52428800xf32, #tpu.memory_space<hbm>> -> memref<52428800xf32, #tpu.memory_space<hbm>>
    tpu.wait_indirect_dma semaphore(%arg10 : memref<!tpu.dma_semaphore, #tpu.memory_space<semaphore_mem>>) src(%dma_wait3A_150 : memref<52428800xf32, #tpu.memory_space<hbm>>) dst(%dma_wait3A_146 : memref<80xf32, #tpu.memory_space<vmem>>)
    %dma_wait3A_151 = arith.constant 0 : i32
    %dma_wait3A_152 = tpu.memref_slice %arg9[%dma_wait3A_151] : memref<20000xf32, #tpu.memory_space<vmem>> -> memref<80xf32, #tpu.memory_space<vmem>>
    %dma_wait3A_153 = arith.constant 0 : i32
    %dma_wait3A_154 = tpu.memref_slice %arg8[%dma_wait3A_153] : memref<20000xi32, #tpu.memory_space<vmem>> -> memref<80xi32, #tpu.memory_space<vmem>>
    %dma_wait3A_155 = arith.constant 0 : i32
    %dma_wait3A_156 = tpu.memref_slice %arg2[%dma_wait3A_155] : memref<52428800xf32, #tpu.memory_space<hbm>> -> memref<52428800xf32, #tpu.memory_space<hbm>>
    tpu.wait_indirect_dma semaphore(%arg10 : memref<!tpu.dma_semaphore, #tpu.memory_space<semaphore_mem>>) src(%dma_wait3A_156 : memref<52428800xf32, #tpu.memory_space<hbm>>) dst(%dma_wait3A_152 : memref<80xf32, #tpu.memory_space<vmem>>)
    %scan3A_157 = arith.constant 0 : i32
    %scan3A_158 = arith.constant 0 : i32
    %scan3A_159 = arith.constant 250 : i32
    %scan3A_160 = arith.addi %scan3A_158, %scan3A_159 : i32
    %scan3A_161 = arith.constant 1 : i32
    scf.for %scan3A_163 = %scan3A_158 to %scan3A_160 step %scan3A_161  : i32 {
      %mul3A_164 = arith.constant 5 : i32
      %mul3A_165 = arith.muli %scan3A_163, %mul3A_164 : i32
      %add3A_166 = arith.constant 0 : i32
      %add3A_167 = arith.addi %mul3A_165, %add3A_166 : i32
      %mul3A_168 = arith.constant 16 : i32
      %mul3A_169 = arith.muli %add3A_167, %mul3A_168 : i32
      %get3A = arith.index_cast %mul3A_169 : i32 to index
      %get3A_170 = tpu.vector_load %arg9[%get3A] {strides = array<i32>} : memref<20000xf32, #tpu.memory_space<vmem>>, vector<16xf32>,
      %bitcast3A = vector.bitcast %get3A_170 : vector<16xf32> to vector<16xi32>
      %get3A_171 = arith.index_cast %mul3A_169 : i32 to index
      %get3A_172 = tpu.vector_load %arg7[%get3A_171] {strides = array<i32>} : memref<20000xi32, #tpu.memory_space<vmem>>, vector<16xi32>,
      %shift_right_logical3A = arith.constant 7 : i32
      %shift_right_logical3A_173 = vector.broadcast %shift_right_logical3A : i32 to vector<16xi32>
      %shift_right_logical3A_174 = arith.shrui %get3A_172, %shift_right_logical3A_173 : vector<16xi32>
      %and3A = arith.constant 1 : i32
      %and3A_175 = vector.broadcast %and3A : i32 to vector<16xi32>
      %and3A_176 = arith.andi %shift_right_logical3A_174, %and3A_175 : vector<16xi32>
      %eq3A = arith.constant 1 : i32
      %eq3A_177 = vector.broadcast %eq3A : i32 to vector<16xi32>
      %eq3A_178 = arith.cmpi eq, %and3A_176, %eq3A_177 : vector<16xi32>
      %and3A_179 = arith.constant -65536 : i32
      %and3A_180 = vector.broadcast %and3A_179 : i32 to vector<16xi32>
      %and3A_181 = arith.andi %bitcast3A, %and3A_180 : vector<16xi32>
      %shift_left3A = arith.constant 16 : i32
      %shift_left3A_182 = vector.broadcast %shift_left3A : i32 to vector<16xi32>
      %shift_left3A_183 = arith.shli %bitcast3A, %shift_left3A_182 : vector<16xi32>
      %select_n3A = arith.select %eq3A_178, %and3A_181, %shift_left3A_183 : vector<16xi1>, vector<16xi32>
      %bitcast3A_184 = vector.bitcast %select_n3A : vector<16xi32> to vector<16xf32>
      %swap3A = arith.index_cast %mul3A_169 : i32 to index
      %swap3A_185 = tpu.vector_load %arg9[%swap3A] {strides = array<i32>} : memref<20000xf32, #tpu.memory_space<vmem>>, vector<16xf32>,
      tpu.vector_store %arg9[%swap3A], %bitcast3A_184 {strides = array<i32>} : memref<20000xf32, #tpu.memory_space<vmem>>, vector<16xf32>,
      %mul3A_186 = arith.constant 5 : i32
      %mul3A_187 = arith.muli %scan3A_163, %mul3A_186 : i32
      %add3A_188 = arith.constant 1 : i32
      %add3A_189 = arith.addi %mul3A_187, %add3A_188 : i32
      %mul3A_190 = arith.constant 16 : i32
      %mul3A_191 = arith.muli %add3A_189, %mul3A_190 : i32
      %get3A_192 = arith.index_cast %mul3A_191 : i32 to index
      %get3A_193 = tpu.vector_load %arg9[%get3A_192] {strides = array<i32>} : memref<20000xf32, #tpu.memory_space<vmem>>, vector<16xf32>,
      %bitcast3A_194 = vector.bitcast %get3A_193 : vector<16xf32> to vector<16xi32>
      %get3A_195 = arith.index_cast %mul3A_191 : i32 to index
      %get3A_196 = tpu.vector_load %arg7[%get3A_195] {strides = array<i32>} : memref<20000xi32, #tpu.memory_space<vmem>>, vector<16xi32>,
      %shift_right_logical3A_197 = arith.constant 7 : i32
      %shift_right_logical3A_198 = vector.broadcast %shift_right_logical3A_197 : i32 to vector<16xi32>
      %shift_right_logical3A_199 = arith.shrui %get3A_196, %shift_right_logical3A_198 : vector<16xi32>
      %and3A_200 = arith.constant 1 : i32
      %and3A_201 = vector.broadcast %and3A_200 : i32 to vector<16xi32>
      %and3A_202 = arith.andi %shift_right_logical3A_199, %and3A_201 : vector<16xi32>
      %eq3A_203 = arith.constant 1 : i32
      %eq3A_204 = vector.broadcast %eq3A_203 : i32 to vector<16xi32>
      %eq3A_205 = arith.cmpi eq, %and3A_202, %eq3A_204 : vector<16xi32>
      %and3A_206 = arith.constant -65536 : i32
      %and3A_207 = vector.broadcast %and3A_206 : i32 to vector<16xi32>
      %and3A_208 = arith.andi %bitcast3A_194, %and3A_207 : vector<16xi32>
      %shift_left3A_209 = arith.constant 16 : i32
      %shift_left3A_210 = vector.broadcast %shift_left3A_209 : i32 to vector<16xi32>
      %shift_left3A_211 = arith.shli %bitcast3A_194, %shift_left3A_210 : vector<16xi32>
      %select_n3A_212 = arith.select %eq3A_205, %and3A_208, %shift_left3A_211 : vector<16xi1>, vector<16xi32>
      %bitcast3A_213 = vector.bitcast %select_n3A_212 : vector<16xi32> to vector<16xf32>
      %swap3A_214 = arith.index_cast %mul3A_191 : i32 to index
      %swap3A_215 = tpu.vector_load %arg9[%swap3A_214] {strides = array<i32>} : memref<20000xf32, #tpu.memory_space<vmem>>, vector<16xf32>,
      tpu.vector_store %arg9[%swap3A_214], %bitcast3A_213 {strides = array<i32>} : memref<20000xf32, #tpu.memory_space<vmem>>, vector<16xf32>,
      %mul3A_216 = arith.constant 5 : i32
      %mul3A_217 = arith.muli %scan3A_163, %mul3A_216 : i32
      %add3A_218 = arith.constant 2 : i32
      %add3A_219 = arith.addi %mul3A_217, %add3A_218 : i32
      %mul3A_220 = arith.constant 16 : i32
      %mul3A_221 = arith.muli %add3A_219, %mul3A_220 : i32
      %get3A_222 = arith.index_cast %mul3A_221 : i32 to index
      %get3A_223 = tpu.vector_load %arg9[%get3A_222] {strides = array<i32>} : memref<20000xf32, #tpu.memory_space<vmem>>, vector<16xf32>,
      %bitcast3A_224 = vector.bitcast %get3A_223 : vector<16xf32> to vector<16xi32>
      %get3A_225 = arith.index_cast %mul3A_221 : i32 to index
      %get3A_226 = tpu.vector_load %arg7[%get3A_225] {strides = array<i32>} : memref<20000xi32, #tpu.memory_space<vmem>>, vector<16xi32>,
      %shift_right_logical3A_227 = arith.constant 7 : i32
      %shift_right_logical3A_228 = vector.broadcast %shift_right_logical3A_227 : i32 to vector<16xi32>
      %shift_right_logical3A_229 = arith.shrui %get3A_226, %shift_right_logical3A_228 : vector<16xi32>
      %and3A_230 = arith.constant 1 : i32
      %and3A_231 = vector.broadcast %and3A_230 : i32 to vector<16xi32>
      %and3A_232 = arith.andi %shift_right_logical3A_229, %and3A_231 : vector<16xi32>
      %eq3A_233 = arith.constant 1 : i32
      %eq3A_234 = vector.broadcast %eq3A_233 : i32 to vector<16xi32>
      %eq3A_235 = arith.cmpi eq, %and3A_232, %eq3A_234 : vector<16xi32>
      %and3A_236 = arith.constant -65536 : i32
      %and3A_237 = vector.broadcast %and3A_236 : i32 to vector<16xi32>
      %and3A_238 = arith.andi %bitcast3A_224, %and3A_237 : vector<16xi32>
      %shift_left3A_239 = arith.constant 16 : i32
      %shift_left3A_240 = vector.broadcast %shift_left3A_239 : i32 to vector<16xi32>
      %shift_left3A_241 = arith.shli %bitcast3A_224, %shift_left3A_240 : vector<16xi32>
      %select_n3A_242 = arith.select %eq3A_235, %and3A_238, %shift_left3A_241 : vector<16xi1>, vector<16xi32>
      %bitcast3A_243 = vector.bitcast %select_n3A_242 : vector<16xi32> to vector<16xf32>
      %swap3A_244 = arith.index_cast %mul3A_221 : i32 to index
      %swap3A_245 = tpu.vector_load %arg9[%swap3A_244] {strides = array<i32>} : memref<20000xf32, #tpu.memory_space<vmem>>, vector<16xf32>,
      tpu.vector_store %arg9[%swap3A_244], %bitcast3A_243 {strides = array<i32>} : memref<20000xf32, #tpu.memory_space<vmem>>, vector<16xf32>,
      %mul3A_246 = arith.constant 5 : i32
      %mul3A_247 = arith.muli %scan3A_163, %mul3A_246 : i32
      %add3A_248 = arith.constant 3 : i32
      %add3A_249 = arith.addi %mul3A_247, %add3A_248 : i32
      %mul3A_250 = arith.constant 16 : i32
      %mul3A_251 = arith.muli %add3A_249, %mul3A_250 : i32
      %get3A_252 = arith.index_cast %mul3A_251 : i32 to index
      %get3A_253 = tpu.vector_load %arg9[%get3A_252] {strides = array<i32>} : memref<20000xf32, #tpu.memory_space<vmem>>, vector<16xf32>,
      %bitcast3A_254 = vector.bitcast %get3A_253 : vector<16xf32> to vector<16xi32>
      %get3A_255 = arith.index_cast %mul3A_251 : i32 to index
      %get3A_256 = tpu.vector_load %arg7[%get3A_255] {strides = array<i32>} : memref<20000xi32, #tpu.memory_space<vmem>>, vector<16xi32>,
      %shift_right_logical3A_257 = arith.constant 7 : i32
      %shift_right_logical3A_258 = vector.broadcast %shift_right_logical3A_257 : i32 to vector<16xi32>
      %shift_right_logical3A_259 = arith.shrui %get3A_256, %shift_right_logical3A_258 : vector<16xi32>
      %and3A_260 = arith.constant 1 : i32
      %and3A_261 = vector.broadcast %and3A_260 : i32 to vector<16xi32>
      %and3A_262 = arith.andi %shift_right_logical3A_259, %and3A_261 : vector<16xi32>
      %eq3A_263 = arith.constant 1 : i32
      %eq3A_264 = vector.broadcast %eq3A_263 : i32 to vector<16xi32>
      %eq3A_265 = arith.cmpi eq, %and3A_262, %eq3A_264 : vector<16xi32>
      %and3A_266 = arith.constant -65536 : i32
      %and3A_267 = vector.broadcast %and3A_266 : i32 to vector<16xi32>
      %and3A_268 = arith.andi %bitcast3A_254, %and3A_267 : vector<16xi32>
      %shift_left3A_269 = arith.constant 16 : i32
      %shift_left3A_270 = vector.broadcast %shift_left3A_269 : i32 to vector<16xi32>
      %shift_left3A_271 = arith.shli %bitcast3A_254, %shift_left3A_270 : vector<16xi32>
      %select_n3A_272 = arith.select %eq3A_265, %and3A_268, %shift_left3A_271 : vector<16xi1>, vector<16xi32>
      %bitcast3A_273 = vector.bitcast %select_n3A_272 : vector<16xi32> to vector<16xf32>
      %swap3A_274 = arith.index_cast %mul3A_251 : i32 to index
      %swap3A_275 = tpu.vector_load %arg9[%swap3A_274] {strides = array<i32>} : memref<20000xf32, #tpu.memory_space<vmem>>, vector<16xf32>,
      tpu.vector_store %arg9[%swap3A_274], %bitcast3A_273 {strides = array<i32>} : memref<20000xf32, #tpu.memory_space<vmem>>, vector<16xf32>,
      %mul3A_276 = arith.constant 5 : i32
      %mul3A_277 = arith.muli %scan3A_163, %mul3A_276 : i32
      %add3A_278 = arith.constant 4 : i32
      %add3A_279 = arith.addi %mul3A_277, %add3A_278 : i32
      %mul3A_280 = arith.constant 16 : i32
      %mul3A_281 = arith.muli %add3A_279, %mul3A_280 : i32
      %get3A_282 = arith.index_cast %mul3A_281 : i32 to index
      %get3A_283 = tpu.vector_load %arg9[%get3A_282] {strides = array<i32>} : memref<20000xf32, #tpu.memory_space<vmem>>, vector<16xf32>,
      %bitcast3A_284 = vector.bitcast %get3A_283 : vector<16xf32> to vector<16xi32>
      %get3A_285 = arith.index_cast %mul3A_281 : i32 to index
      %get3A_286 = tpu.vector_load %arg7[%get3A_285] {strides = array<i32>} : memref<20000xi32, #tpu.memory_space<vmem>>, vector<16xi32>,
      %shift_right_logical3A_287 = arith.constant 7 : i32
      %shift_right_logical3A_288 = vector.broadcast %shift_right_logical3A_287 : i32 to vector<16xi32>
      %shift_right_logical3A_289 = arith.shrui %get3A_286, %shift_right_logical3A_288 : vector<16xi32>
      %and3A_290 = arith.constant 1 : i32
      %and3A_291 = vector.broadcast %and3A_290 : i32 to vector<16xi32>
      %and3A_292 = arith.andi %shift_right_logical3A_289, %and3A_291 : vector<16xi32>
      %eq3A_293 = arith.constant 1 : i32
      %eq3A_294 = vector.broadcast %eq3A_293 : i32 to vector<16xi32>
      %eq3A_295 = arith.cmpi eq, %and3A_292, %eq3A_294 : vector<16xi32>
      %and3A_296 = arith.constant -65536 : i32
      %and3A_297 = vector.broadcast %and3A_296 : i32 to vector<16xi32>
      %and3A_298 = arith.andi %bitcast3A_284, %and3A_297 : vector<16xi32>
      %shift_left3A_299 = arith.constant 16 : i32
      %shift_left3A_300 = vector.broadcast %shift_left3A_299 : i32 to vector<16xi32>
      %shift_left3A_301 = arith.shli %bitcast3A_284, %shift_left3A_300 : vector<16xi32>
      %select_n3A_302 = arith.select %eq3A_295, %and3A_298, %shift_left3A_301 : vector<16xi1>, vector<16xi32>
      %bitcast3A_303 = vector.bitcast %select_n3A_302 : vector<16xi32> to vector<16xf32>
      %swap3A_304 = arith.index_cast %mul3A_281 : i32 to index
      %swap3A_305 = tpu.vector_load %arg9[%swap3A_304] {strides = array<i32>} : memref<20000xf32, #tpu.memory_space<vmem>>, vector<16xf32>,
      tpu.vector_store %arg9[%swap3A_304], %bitcast3A_303 {strides = array<i32>} : memref<20000xf32, #tpu.memory_space<vmem>>, vector<16xf32>,
    }
    %scan3A_162 = arith.constant 250 : i32
    "tpu.region"() ({
      %run_scoped3A = tpu.sem_alloc : memref<!tpu.dma_semaphore, #tpu.memory_space<semaphore_mem>>
      %dma_start3A = tpu.memref_slice %arg5[%add3A] : memref<640000xf32, #tpu.memory_space<hbm>> -> memref<20000xf32, #tpu.memory_space<hbm>>
      %dma_start3A_163 = tpu.memref_slice %arg5[%add3A] : memref<640000xf32, #tpu.memory_space<hbm>> -> memref<20000xf32, #tpu.memory_space<hbm>>
      tpu.enqueue_dma source(%arg9 : memref<20000xf32, #tpu.memory_space<vmem>>) target(%dma_start3A_163 : memref<20000xf32, #tpu.memory_space<hbm>>) target_semaphore(%run_scoped3A : memref<!tpu.dma_semaphore, #tpu.memory_space<semaphore_mem>>)
      %dma_wait3A_164 = tpu.memref_slice %arg5[%add3A] : memref<640000xf32, #tpu.memory_space<hbm>> -> memref<20000xf32, #tpu.memory_space<hbm>>
      %dma_wait3A_165 = tpu.memref_slice %arg5[%add3A] : memref<640000xf32, #tpu.memory_space<hbm>> -> memref<20000xf32, #tpu.memory_space<hbm>>
      tpu.wait_dma2 semaphore(%run_scoped3A : memref<!tpu.dma_semaphore, #tpu.memory_space<semaphore_mem>>) src(%arg9 : memref<20000xf32, #tpu.memory_space<vmem>>) dst(%dma_wait3A_165 : memref<20000xf32, #tpu.memory_space<hbm>>)
      tpu.yield
    }) : () -> ()
    return
  }
}

module attributes {stable_mosaic.version = 14 : i64} {
  func.func @_stage2_tc(%arg0: memref<32x10240xf32, #tpu.memory_space<vmem>>, %arg1: memref<2x10240x128xf32, #tpu.memory_space<vmem>>, %arg2: memref<10000x128xf32, #tpu.memory_space<vmem>>, %arg3: memref<128xf32, #tpu.memory_space<vmem>>, %arg4: memref<128x128xf32, #tpu.memory_space<vmem>>, %arg5: memref<10000x128xf32, #tpu.memory_space<vmem>>) attributes {dimension_semantics = [], scalar_prefetch = 0 : i64, scratch_operands = 0 : i64, tpu.core_type = #tpu.core_type<tc>} {
    %get3A = arith.constant 0 : index
    %get3A_0 = arith.constant 0 : index
    %get3A_1 = vector.load %arg0[%get3A, %get3A_0] : memref<32x10240xf32, #tpu.memory_space<vmem>>, vector<32x10240xf32>
    %reduce_sum3A = arith.constant dense<0.000000e+00> : vector<10240xf32>
    %reduce_sum3A_2 = vector.multi_reduction <add>, %get3A_1, %reduce_sum3A [0] : vector<32x10240xf32> to vector<10240xf32>
    %slice3A = vector.extract_strided_slice %reduce_sum3A_2 {offsets = [0], sizes = [10000], strides = [1]} : vector<10240xf32> to vector<10000xf32>
    %add3A = arith.constant 1.000000e+00 : f32
    %add3A_3 = vector.broadcast %add3A : f32 to vector<10000xf32>
    %add3A_4 = arith.addf %slice3A, %add3A_3 : vector<10000xf32>
    %rsqrt3A = math.rsqrt %add3A_4 : vector<10000xf32>
    %broadcast_in_dim3A = vector.shape_cast %rsqrt3A : vector<10000xf32> to vector<10000x1xf32>
    %get3A_5 = arith.constant 0 : index
    %get3A_6 = arith.constant 0 : index
    %get3A_7 = arith.constant 0 : index
    %get3A_8 = vector.load %arg1[%get3A_5, %get3A_6, %get3A_7] : memref<2x10240x128xf32, #tpu.memory_space<vmem>>, vector<1x10240x128xf32>
    %get3A_9 = vector.shape_cast %get3A_8 : vector<1x10240x128xf32> to vector<10240x128xf32>
    %slice3A_10 = vector.extract_strided_slice %get3A_9 {offsets = [0, 0], sizes = [10000, 128], strides = [1, 1]} : vector<10240x128xf32> to vector<10000x128xf32>
    %get3A_11 = arith.constant 1 : index
    %get3A_12 = arith.constant 0 : index
    %get3A_13 = arith.constant 0 : index
    %get3A_14 = vector.load %arg1[%get3A_11, %get3A_12, %get3A_13] : memref<2x10240x128xf32, #tpu.memory_space<vmem>>, vector<1x10240x128xf32>
    %get3A_15 = vector.shape_cast %get3A_14 : vector<1x10240x128xf32> to vector<10240x128xf32>
    %slice3A_16 = vector.extract_strided_slice %get3A_15 {offsets = [0, 0], sizes = [10000, 128], strides = [1, 1]} : vector<10240x128xf32> to vector<10000x128xf32>
    %add3A_17 = arith.addf %slice3A_10, %slice3A_16 : vector<10000x128xf32>
    %get3A_18 = arith.constant 0 : index
    %get3A_19 = arith.constant 0 : index
    %get3A_20 = vector.load %arg2[%get3A_18, %get3A_19] : memref<10000x128xf32, #tpu.memory_space<vmem>>, vector<10000x128xf32>
    %add3A_21 = arith.addf %add3A_17, %get3A_20 : vector<10000x128xf32>
    %mul3A = vector.broadcast %broadcast_in_dim3A : vector<10000x1xf32> to vector<10000x128xf32>
    %mul3A_22 = arith.mulf %mul3A, %add3A_21 : vector<10000x128xf32>
    %get3A_23 = arith.constant 0 : index
    %get3A_24 = vector.load %arg3[%get3A_23] : memref<128xf32, #tpu.memory_space<vmem>>, vector<128xf32>
    %broadcast_in_dim3A_25 = vector.shape_cast %get3A_24 : vector<128xf32> to vector<1x128xf32>
    %add3A_26 = vector.broadcast %broadcast_in_dim3A_25 : vector<1x128xf32> to vector<10000x128xf32>
    %add3A_27 = arith.addf %mul3A_22, %add3A_26 : vector<10000x128xf32>
    %max3A = arith.constant 0.000000e+00 : f32
    %max3A_28 = vector.broadcast %max3A : f32 to vector<10000x128xf32>
    %max3A_29 = arith.maximumf %add3A_27, %max3A_28 : vector<10000x128xf32>
    %get3A_30 = arith.constant 0 : index
    %get3A_31 = arith.constant 0 : index
    %get3A_32 = vector.load %arg4[%get3A_30, %get3A_31] : memref<128x128xf32, #tpu.memory_space<vmem>>, vector<128x128xf32>
    %dot_general3A = arith.constant dense<0.000000e+00> : vector<10000x128xf32>
    %dot_general3A_33 = tpu.matmul %max3A_29, %get3A_32, %dot_general3A {dimension_numbers = #tpu.dot_dimension_numbers<[1], [0], [0], [1], [0, 0, 1, 1], [], []>, precision = #tpu.contract_precision<fp32>, transpose_lhs_hint = false} : vector<10000x128xf32>, vector<128x128xf32>, vector<10000x128xf32> -> vector<10000x128xf32>
    %mul3A_34 = vector.broadcast %broadcast_in_dim3A : vector<10000x1xf32> to vector<10000x128xf32>
    %mul3A_35 = arith.mulf %dot_general3A_33, %mul3A_34 : vector<10000x128xf32>
    %swap3A = arith.constant 0 : index
    %swap3A_36 = arith.constant 0 : index
    %swap3A_37 = vector.load %arg5[%swap3A, %swap3A_36] : memref<10000x128xf32, #tpu.memory_space<vmem>>, vector<10000x128xf32>
    tpu.vector_store %arg5[%swap3A, %swap3A_36], %mul3A_35 {strides = array<i32>} : memref<10000x128xf32, #tpu.memory_space<vmem>>, vector<10000x128xf32>,
    return
  }
}

module attributes {stable_mosaic.version = 14 : i64} {
  func.func @_stage1_tc(%arg0: memref<32x10240xf32, #tpu.memory_space<vmem>>, %arg1: memref<10000x128xf32, #tpu.memory_space<vmem>>, %arg2: memref<128x128xf32, #tpu.memory_space<vmem>>, %arg3: memref<10000x128xf32, #tpu.memory_space<vmem>>) attributes {dimension_semantics = [], scalar_prefetch = 0 : i64, scratch_operands = 0 : i64, tpu.core_type = #tpu.core_type<tc>} {
    %get3A = arith.constant 0 : index
    %get3A_0 = arith.constant 0 : index
    %get3A_1 = vector.load %arg0[%get3A, %get3A_0] : memref<32x10240xf32, #tpu.memory_space<vmem>>, vector<32x10240xf32>
    %reduce_sum3A = arith.constant dense<0.000000e+00> : vector<10240xf32>
    %reduce_sum3A_2 = vector.multi_reduction <add>, %get3A_1, %reduce_sum3A [0] : vector<32x10240xf32> to vector<10240xf32>
    %slice3A = vector.extract_strided_slice %reduce_sum3A_2 {offsets = [0], sizes = [10000], strides = [1]} : vector<10240xf32> to vector<10000xf32>
    %add3A = arith.constant 1.000000e+00 : f32
    %add3A_3 = vector.broadcast %add3A : f32 to vector<10000xf32>
    %add3A_4 = arith.addf %slice3A, %add3A_3 : vector<10000xf32>
    %rsqrt3A = math.rsqrt %add3A_4 : vector<10000xf32>
    %broadcast_in_dim3A = vector.shape_cast %rsqrt3A : vector<10000xf32> to vector<10000x1xf32>
    %get3A_5 = arith.constant 0 : index
    %get3A_6 = arith.constant 0 : index
    %get3A_7 = vector.load %arg1[%get3A_5, %get3A_6] : memref<10000x128xf32, #tpu.memory_space<vmem>>, vector<10000x128xf32>
    %get3A_8 = arith.constant 0 : index
    %get3A_9 = arith.constant 0 : index
    %get3A_10 = vector.load %arg2[%get3A_8, %get3A_9] : memref<128x128xf32, #tpu.memory_space<vmem>>, vector<128x128xf32>
    %dot_general3A = arith.constant dense<0.000000e+00> : vector<10000x128xf32>
    %dot_general3A_11 = tpu.matmul %get3A_7, %get3A_10, %dot_general3A {dimension_numbers = #tpu.dot_dimension_numbers<[1], [0], [0], [1], [0, 0, 1, 1], [], []>, precision = #tpu.contract_precision<fp32>, transpose_lhs_hint = false} : vector<10000x128xf32>, vector<128x128xf32>, vector<10000x128xf32> -> vector<10000x128xf32>
    %mul3A = vector.broadcast %broadcast_in_dim3A : vector<10000x1xf32> to vector<10000x128xf32>
    %mul3A_12 = arith.mulf %dot_general3A_11, %mul3A : vector<10000x128xf32>
    %swap3A = arith.constant 0 : index
    %swap3A_13 = arith.constant 0 : index
    %swap3A_14 = vector.load %arg3[%swap3A, %swap3A_13] : memref<10000x128xf32, #tpu.memory_space<vmem>>, vector<10000x128xf32>
    tpu.vector_store %arg3[%swap3A, %swap3A_13], %mul3A_12 {strides = array<i32>} : memref<10000x128xf32, #tpu.memory_space<vmem>>, vector<10000x128xf32>,
    return
  }
}

module attributes {stable_mosaic.version = 14 : i64} {
  func.func @_gram_fused_tc(%arg0: i32, %arg1: memref<32x10240xf32, #tpu.memory_space<vmem>>, %arg2: memref<2x10240x128xf32, #tpu.memory_space<vmem>>, %arg3: memref<10000x128xf32, #tpu.memory_space<vmem>>, %arg4: memref<128xf32, #tpu.memory_space<vmem>>, %arg5: memref<1x10240x128xf32, #tpu.memory_space<vmem>>, %arg6: memref<10240x128xbf16, #tpu.memory_space<vmem>>) attributes {dimension_semantics = [#tpu.dimension_semantics<arbitrary>], iteration_bounds = array<i64: 40>, scalar_prefetch = 0 : i64, scratch_operands = 1 : i64, tpu.core_type = #tpu.core_type<tc>, window_params = [{pipeline_mode = #tpu.pipeline_mode<synchronous>, transform_indices = @transform_0, window_bounds = array<i64: 32, 10240>}, {pipeline_mode = #tpu.pipeline_mode<synchronous>, transform_indices = @transform_1, window_bounds = array<i64: 2, 10240, 128>}, {pipeline_mode = #tpu.pipeline_mode<synchronous>, transform_indices = @transform_2, window_bounds = array<i64: 10000, 128>}, {pipeline_mode = #tpu.pipeline_mode<synchronous>, transform_indices = @transform_3, window_bounds = array<i64: 128>}, {transform_indices = @transform_4, window_bounds = array<i64: 1, 10240, 128>}]} {
    %eq3A = arith.constant 0 : i32
    %eq3A_0 = arith.cmpi eq, %arg0, %eq3A : i32
    %convert_element_type3A = arith.extui %eq3A_0 : i1 to i32
    %cond3A = arith.constant 0 : i32
    %cond3A_1 = arith.cmpi ne, %convert_element_type3A, %cond3A : i32
    scf.if %cond3A_1 {
      %get3A_26 = arith.constant 0 : index
      %get3A_27 = arith.constant 0 : index
      %get3A_28 = vector.load %arg1[%get3A_26, %get3A_27] : memref<32x10240xf32, #tpu.memory_space<vmem>>, vector<32x10240xf32>
      %reduce_sum3A = arith.constant dense<0.000000e+00> : vector<10240xf32>
      %reduce_sum3A_29 = vector.multi_reduction <add>, %get3A_28, %reduce_sum3A [0] : vector<32x10240xf32> to vector<10240xf32>
      %slice3A_30 = vector.extract_strided_slice %reduce_sum3A_29 {offsets = [0], sizes = [10000], strides = [1]} : vector<10240xf32> to vector<10000xf32>
      %add3A_31 = arith.constant 1.000000e+00 : f32
      %add3A_32 = vector.broadcast %add3A_31 : f32 to vector<10000xf32>
      %add3A_33 = arith.addf %slice3A_30, %add3A_32 : vector<10000xf32>
      %rsqrt3A = math.rsqrt %add3A_33 : vector<10000xf32>
      %broadcast_in_dim3A_34 = vector.shape_cast %rsqrt3A : vector<10000xf32> to vector<10000x1xf32>
      %get3A_35 = arith.constant 0 : index
      %get3A_36 = arith.constant 0 : index
      %get3A_37 = arith.constant 0 : index
      %get3A_38 = vector.load %arg2[%get3A_35, %get3A_36, %get3A_37] : memref<2x10240x128xf32, #tpu.memory_space<vmem>>, vector<1x10240x128xf32>
      %get3A_39 = vector.shape_cast %get3A_38 : vector<1x10240x128xf32> to vector<10240x128xf32>
      %slice3A_40 = vector.extract_strided_slice %get3A_39 {offsets = [0, 0], sizes = [10000, 128], strides = [1, 1]} : vector<10240x128xf32> to vector<10000x128xf32>
      %get3A_41 = arith.constant 1 : index
      %get3A_42 = arith.constant 0 : index
      %get3A_43 = arith.constant 0 : index
      %get3A_44 = vector.load %arg2[%get3A_41, %get3A_42, %get3A_43] : memref<2x10240x128xf32, #tpu.memory_space<vmem>>, vector<1x10240x128xf32>
      %get3A_45 = vector.shape_cast %get3A_44 : vector<1x10240x128xf32> to vector<10240x128xf32>
      %slice3A_46 = vector.extract_strided_slice %get3A_45 {offsets = [0, 0], sizes = [10000, 128], strides = [1, 1]} : vector<10240x128xf32> to vector<10000x128xf32>
      %add3A_47 = arith.addf %slice3A_40, %slice3A_46 : vector<10000x128xf32>
      %get3A_48 = arith.constant 0 : index
      %get3A_49 = arith.constant 0 : index
      %get3A_50 = vector.load %arg3[%get3A_48, %get3A_49] : memref<10000x128xf32, #tpu.memory_space<vmem>>, vector<10000x128xf32>
      %add3A_51 = arith.addf %add3A_47, %get3A_50 : vector<10000x128xf32>
      %mul3A_52 = vector.broadcast %broadcast_in_dim3A_34 : vector<10000x1xf32> to vector<10000x128xf32>
      %mul3A_53 = arith.mulf %mul3A_52, %add3A_51 : vector<10000x128xf32>
      %get3A_54 = arith.constant 0 : index
      %get3A_55 = vector.load %arg4[%get3A_54] : memref<128xf32, #tpu.memory_space<vmem>>, vector<128xf32>
      %broadcast_in_dim3A_56 = vector.shape_cast %get3A_55 : vector<128xf32> to vector<1x128xf32>
      %add3A_57 = vector.broadcast %broadcast_in_dim3A_56 : vector<1x128xf32> to vector<10000x128xf32>
      %add3A_58 = arith.addf %mul3A_53, %add3A_57 : vector<10000x128xf32>
      %broadcast_in_dim3A_59 = arith.constant 0.000000e+00 : f32
      %broadcast_in_dim3A_60 = vector.broadcast %broadcast_in_dim3A_59 : f32 to vector<240x128xf32>
      %concatenate3A = tpu.concatenate %add3A_58, %broadcast_in_dim3A_60 in 0 : vector<10000x128xf32>, vector<240x128xf32> -> vector<10240x128xf32>
      %convert_element_type3A_61 = arith.truncf %concatenate3A : vector<10240x128xf32> to vector<10240x128xbf16>
      %swap3A_62 = arith.constant 0 : index
      %swap3A_63 = arith.constant 0 : index
      %swap3A_64 = vector.load %arg6[%swap3A_62, %swap3A_63] : memref<10240x128xbf16, #tpu.memory_space<vmem>>, vector<10240x128xbf16>
      tpu.vector_store %arg6[%swap3A_62, %swap3A_63], %convert_element_type3A_61 {strides = array<i32>} : memref<10240x128xbf16, #tpu.memory_space<vmem>>, vector<10240x128xbf16>,
    } else {
    }
    %get3A = arith.constant 0 : index
    %get3A_2 = arith.constant 0 : index
    %get3A_3 = vector.load %arg6[%get3A, %get3A_2] : memref<10240x128xbf16, #tpu.memory_space<vmem>>, vector<10240x128xbf16>
    %mul3A = arith.constant 256 : i32
    %mul3A_4 = arith.muli %arg0, %mul3A : i32
    %get3A_5 = arith.index_cast %mul3A_4 : i32 to index
    %get3A_6 = arith.constant 0 : index
    %get3A_7 = vector.load %arg6[%get3A_5, %get3A_6] : memref<10240x128xbf16, #tpu.memory_space<vmem>>, vector<256x128xbf16>
    %dot_general3A = arith.constant dense<0.000000e+00> : vector<10240x256xf32>
    %dot_general3A_8 = tpu.matmul %get3A_3, %get3A_7, %dot_general3A {dimension_numbers = #tpu.dot_dimension_numbers<[1], [1], [0], [0], [0, 0, 1, 0], [], []>, transpose_lhs_hint = false} : vector<10240x128xbf16>, vector<256x128xbf16>, vector<10240x256xf32> -> vector<10240x256xf32>
    %bitcast_convert_type3A = tpu.bitcast %dot_general3A_8 : vector<10240x256xf32> -> vector<10240x256xi32>
    %add3A = arith.constant 32767 : i32
    %add3A_9 = vector.broadcast %add3A : i32 to vector<10240x256xi32>
    %add3A_10 = arith.addi %bitcast_convert_type3A, %add3A_9 : vector<10240x256xi32>
    %shift_right_logical3A = arith.constant 16 : i32
    %shift_right_logical3A_11 = vector.broadcast %shift_right_logical3A : i32 to vector<10240x256xi32>
    %shift_right_logical3A_12 = arith.shrui %bitcast_convert_type3A, %shift_right_logical3A_11 : vector<10240x256xi32>
    %and3A = arith.constant 1 : i32
    %and3A_13 = vector.broadcast %and3A : i32 to vector<10240x256xi32>
    %and3A_14 = arith.andi %shift_right_logical3A_12, %and3A_13 : vector<10240x256xi32>
    %add3A_15 = arith.addi %add3A_10, %and3A_14 : vector<10240x256xi32>
    %shift_right_logical3A_16 = arith.constant 16 : i32
    %shift_right_logical3A_17 = vector.broadcast %shift_right_logical3A_16 : i32 to vector<10240x256xi32>
    %shift_right_logical3A_18 = arith.shrui %add3A_15, %shift_right_logical3A_17 : vector<10240x256xi32>
    %slice3A = vector.extract_strided_slice %shift_right_logical3A_18 {offsets = [0, 128], sizes = [10240, 128], strides = [1, 1]} : vector<10240x256xi32> to vector<10240x128xi32>
    %shift_left3A = arith.constant 16 : i32
    %shift_left3A_19 = vector.broadcast %shift_left3A : i32 to vector<10240x128xi32>
    %shift_left3A_20 = arith.shli %slice3A, %shift_left3A_19 : vector<10240x128xi32>
    %slice3A_21 = vector.extract_strided_slice %shift_right_logical3A_18 {offsets = [0, 0], sizes = [10240, 128], strides = [1, 1]} : vector<10240x256xi32> to vector<10240x128xi32>
    %or3A = arith.ori %shift_left3A_20, %slice3A_21 : vector<10240x128xi32>
    %bitcast_convert_type3A_22 = tpu.bitcast %or3A : vector<10240x128xi32> -> vector<10240x128xf32>
    %broadcast_in_dim3A = vector.shape_cast %bitcast_convert_type3A_22 : vector<10240x128xf32> to vector<1x10240x128xf32>
    %swap3A = arith.constant 0 : index
    %swap3A_23 = arith.constant 0 : index
    %swap3A_24 = arith.constant 0 : index
    %swap3A_25 = vector.load %arg5[%swap3A, %swap3A_23, %swap3A_24] : memref<1x10240x128xf32, #tpu.memory_space<vmem>>, vector<1x10240x128xf32>
    tpu.vector_store %arg5[%swap3A, %swap3A_23, %swap3A_24], %broadcast_in_dim3A {strides = array<i32>} : memref<1x10240x128xf32, #tpu.memory_space<vmem>>, vector<1x10240x128xf32>,
    return
  }
  func.func @transform_0(%arg0: i32) -> (i32, i32) {
    %c0_i32 = arith.constant 0 : i32
    %c0_i32_0 = arith.constant 0 : i32
    %c0_i32_1 = arith.constant 0 : i32
    return %c0_i32, %c0_i32_0 : i32, i32
  }
  func.func @transform_1(%arg0: i32) -> (i32, i32, i32) {
    %c0_i32 = arith.constant 0 : i32
    %c0_i32_0 = arith.constant 0 : i32
    %c0_i32_1 = arith.constant 0 : i32
    %c0_i32_2 = arith.constant 0 : i32
    return %c0_i32, %c0_i32_0, %c0_i32_1 : i32, i32, i32
  }
  func.func @transform_2(%arg0: i32) -> (i32, i32) {
    %c0_i32 = arith.constant 0 : i32
    %c0_i32_0 = arith.constant 0 : i32
    %c0_i32_1 = arith.constant 0 : i32
    return %c0_i32, %c0_i32_0 : i32, i32
  }
  func.func @transform_3(%arg0: i32) -> i32 {
    %c0_i32 = arith.constant 0 : i32
    %c0_i32_0 = arith.constant 0 : i32
    return %c0_i32 : i32
  }
  func.func @transform_4(%arg0: i32) -> (i32, i32, i32) {
    %c0_i32 = arith.constant 0 : i32
    %c0_i32_0 = arith.constant 0 : i32
    %c0_i32_1 = arith.constant 0 : i32
    return %arg0, %c0_i32, %c0_i32_0 : i32, i32, i32
  }
}

</mosaic_0001>

<sc_bundles>
// kernel: kernel.12.cloned.1.call-start
scs
__scs_entry_jumppad:
0x0: {  	(pc) =	sbr.rel $0x88, $3  }
0x1: {  	(tag) =	ssettag $0x0;
	lr =	simm.s32 $0x1  }
0x2: {  	[smem:$0x3F9A] =	sst lr;
	_ =	strace $0xD0000000  }
0x3: {  	_ = 	snop  }
0x4: {  	_ = 	snop  }
0x5: {  	_ = 	snop  }
0x6: {  	_ = 	snop  }
0x7: {  	_ = 	snop  }
__scs_overlays_trampoline_lowered:
0x8: {  	[smem:$0x3FA9] =	sst s0  }
0x9: {  	[smem:$0x3FAA] =	sst s1  }
0xa: {  	[smem:$0x3FAB] =	sst s2  }
0xb: {  	[smem:$0x3FAC] =	sst s3  }
0xc: {  	[smem:$0x3FAD] =	sst s4  }
0xd: {  	[smem:$0x3FAE] =	sst s5  }
0xe: {  	[smem:$0x3FAF] =	sst s6  }
0xf: {  	[smem:$0x3FB0] =	sst s7  }
0x10: {  	[smem:$0x3FB1] =	sst s8  }
0x11: {  	[smem:$0x3FB2] =	sst s9;
	s0 =	simm.s32 @!p0 $0x0  }
0x12: {  	s1 =	sld [smem:$0x3F98];
	s0 =	simm.s32 @p0 $0x1  }
0x13: {  	[smem:$0x3FB3] =	sst s0;
	s0 =	simm.s32 @!p1 $0x0  }
0x14: {  	s2 =	sld [smem:$0x3F97];
	s0 =	simm.s32 @p1 $0x1  }
0x15: {  	[smem:$0x3FB4] =	sst s0;
	s0 =	simm.s32 @!p2 $0x0  }
0x16: {  	s3 =	sld [smem:$0x3FDB];
	s0 =	simm.s32 @p2 $0x1  }
0x17: {  	s4 =	simm.s32 $0x1BF5;
	[smem:$0x3FB6] =	sst s0  }
0x18: {  	s0 =	sld [smem:$0x3F99];
	_ =	swait.ge [sflag:s4], $0x0  }
0x19: {  	s7 =	sld [smem:$0x3F9A]  }
0x1a: {  	s8 =	sadd.s32 $0xFFFFE003, lr  }
0x1b: {  	s9 =	sadd.s32 $0xFFFFFEF7, lr;
	s5 =	simm.s32 $0xFFFFFFFF;
	p2 =	slt.u32 s8, $0xFFFFF086  }
0x1c: {  	p1 =	slt.u32 s9, $0xF7A;
	s5 =	simm.s32 @!p2 $0x0  }
0x1d: {  	s5 =	simm.s32 @p1 $0x1;
	p0 =	seq.s32 s7, s2  }
0x1e: {  	s7 =	smul.u32 @!p0 $0xF7A, s2;
	p2 =	seq.s32 @!p0 s5, $0x0  }
0x1f: {  	s9 =	smul.u32 $0xF7A, s1;
	s8 =	simm.s32 @!p0 $0x1BF5;
	p2 =	por !p2, p0  }
0x20: {  	[sflag:s8] =	ssyncset.s32 @!p0 $0xFFFFF086;
	s6 =	sadd.s32 @!p0 s3, s7;
	s7 =	simm.s32 @!p0 $0x108  }
0x21: {  	s3 =	sadd.s32 s3, s9;
	s6 =	sadd.s32 @!p0 $0x88, s6;
	s7 =	simm.s32 @p2 $0x1082  }
0x22: {  	[simem:s7], [sflag:s8] =	dma.local @!p0 [hbm:s6], $0xF7A  }
0x23: {  	s9 =	sor.u32 $0xD0000000, s2;
	s6 =	simm.s32 $0x108;
	_ =	swait.ge @!p0 [sflag:s8], $0x0  }
0x24: {  	s3 =	sadd.s32 $0x88, s3;
	s6 =	simm.s32 @!p1 $0x1082;
	[sflag:s4] =	ssyncset.s32 $0xFFFFF086  }
0x25: {  	[simem:s6], [sflag:s4] =	dma.local [hbm:s3], $0xF7A  }
0x26: {  	[smem:$0x3F9A] =	sst s1;
	(tag) =	ssettag s2;
	_ =	strace s9  }
0x27: {  	s1 =	sld [smem:$0x3FAA]  }
0x28: {  	s2 =	sld [smem:$0x3FAB]  }
0x29: {  	s4 =	sld [smem:$0x3FAD]  }
0x2a: {  	p0 =	seq.s32 s5, $0x0;
	s5 =	sld [smem:$0x3FAE]  }
0x2b: {  	s6 =	sld [smem:$0x3FAF]  }
0x2c: {  	s7 =	sld [smem:$0x3FB0]  }
0x2d: {  	s3 =	simm.s32 $0x108;
	s8 =	sld [smem:$0x3FB1]  }
0x2e: {  	s3 =	simm.s32 @!p0 $0x1082;
	s9 =	sld [smem:$0x3FB2]  }
0x2f: {  	lr =	sadd.s32 s0, s3;
	s0 =	sld [smem:$0x3FA9]  }
0x30: {  	s3 =	sld [smem:$0x3FAC]  }
0x31: {  	[smem:$0x3FB5] =	sst s10  }
0x32: {  	s10 =	sld [smem:$0x3FB3];
	_ =	sdelay $0x3  }
0x33: {  	p0 =	seq.s32 s10, $0x1;
	s10 =	sld [smem:$0x3FB5];
	_ =	sdelay $0x3  }
0x34: {  	[smem:$0x3FB5] =	sst s10  }
0x35: {  	s10 =	sld [smem:$0x3FB4];
	_ =	sdelay $0x3  }
0x36: {  	p1 =	seq.s32 s10, $0x1;
	s10 =	sld [smem:$0x3FB5];
	_ =	sdelay $0x3  }
0x37: {  	[smem:$0x3FB5] =	sst s10  }
0x38: {  	s10 =	sld [smem:$0x3FB6]  }
0x39: {  	_ = 	snop;
	(pc) =	sbr.ind lr, $3  }
0x3a: {  	_ = 	snop  }
0x3b: {  	_ = 	snop  }
0x3c: {  	p2 =	seq.s32 s10, $0x1;
	s10 =	sld [smem:$0x3FB5]  }
0x3d: {  	_ =	shalt  }
0x3e: {  	_ =	shalt  }
0x3f: {  	_ =	shalt  }
0x40: {  	_ =	shalt  }
0x41: {  	_ =	shalt  }
0x42: {  	_ =	shalt  }
0x43: {  	_ =	shalt  }
0x44: {  	_ =	shalt  }
0x45: {  	_ =	shalt  }
0x46: {  	_ =	shalt  }
0x47: {  	_ =	shalt  }
0x48: {  	_ =	shalt  }
0x49: {  	_ =	shalt  }
0x4a: {  	_ =	shalt  }
0x4b: {  	_ =	shalt  }
0x4c: {  	_ =	shalt  }
0x4d: {  	_ =	shalt  }
0x4e: {  	_ =	shalt  }
0x4f: {  	_ =	shalt  }
0x50: {  	_ =	shalt  }
0x51: {  	_ =	shalt  }
0x52: {  	_ =	shalt  }
0x53: {  	_ =	shalt  }
0x54: {  	_ =	shalt  }
0x55: {  	_ =	shalt  }
0x56: {  	_ =	shalt  }
0x57: {  	_ =	shalt  }
0x58: {  	_ =	shalt  }
0x59: {  	_ =	shalt  }
0x5a: {  	_ =	shalt  }
0x5b: {  	_ =	shalt  }
0x5c: {  	_ =	shalt  }
0x5d: {  	_ =	shalt  }
0x5e: {  	_ =	shalt  }
0x5f: {  	_ =	shalt  }
0x60: {  	_ =	shalt  }
0x61: {  	_ =	shalt  }
0x62: {  	_ =	shalt  }
0x63: {  	_ =	shalt  }
0x64: {  	_ =	shalt  }
0x65: {  	_ =	shalt  }
0x66: {  	_ =	shalt  }
0x67: {  	_ =	shalt  }
0x68: {  	_ =	shalt  }
0x69: {  	_ =	shalt  }
0x6a: {  	_ =	shalt  }
0x6b: {  	_ =	shalt  }
0x6c: {  	_ =	shalt  }
0x6d: {  	_ =	shalt  }
0x6e: {  	_ =	shalt  }
0x6f: {  	_ =	shalt  }
0x70: {  	_ =	shalt  }
0x71: {  	_ =	shalt  }
0x72: {  	_ =	shalt  }
0x73: {  	_ =	shalt  }
0x74: {  	_ =	shalt  }
0x75: {  	_ =	shalt  }
0x76: {  	_ =	shalt  }
0x77: {  	_ =	shalt  }
0x78: {  	_ =	shalt  }
0x79: {  	_ =	shalt  }
0x7a: {  	_ =	shalt  }
0x7b: {  	_ =	shalt  }
0x7c: {  	_ =	shalt  }
0x7d: {  	_ =	shalt  }
0x7e: {  	_ =	shalt  }
0x7f: {  	_ =	shalt  }
0x80: {  	_ =	shalt  }
0x81: {  	_ =	shalt  }
0x82: {  	_ =	shalt  }
0x83: {  	_ =	shalt  }
0x84: {  	_ =	shalt  }
0x85: {  	_ =	shalt  }
0x86: {  	_ =	shalt  }
0x87: {  	_ =	shalt  }
.Lfunc_end0:
.L_simem_size_0:
called_computation.1_lowered:
.L_overlay_start_0:
0x88: {  	s2 =	sld [smem:$0x3FD9]  }
0x89: {  	s3 =	sld [smem:$0x3FFE];
	_ =	sdelay $0x1  }
0x8a: {  	s1 =	srdreg.scid  }
0x8b: {  	s0 =	sand.u32 $0x1, s1  }
0x8c: {  	s17 =	sshll.u32 s0, $0xA;
	s2 =	sadd.s32 s3, s2  }
0x8d: {  	s2 =	sadd.s32 s2, s17  }
0x8e: {  	[smem:$0x3FC1] =	sst s2  }
0x8f: {  	_ = 	snop  }
0x90: {  	s2 =	sld [smem:$0x3FD0];
	(tm) =	ssettm $0x1  }
0x91: {  	s18 =	sld [smem:$0x3FFB];
	_ =	sdelay $0x3  }
0x92: {  	_ =	strace s18  }
0x93: {  	s3 =	sld [smem:$0x3FFC];
	_ =	sdelay $0x3  }
0x94: {  	_ =	strace s3  }
0x95: {  	s3 =	sld [smem:$0x3FFD];
	_ =	sdelay $0x3  }
0x96: {  	_ =	strace s3  }
0x97: {  	_ =	strace $0x8FFFFFFF  }
0x98: {  	s19 =	sld [smem:$0x3FDB];
	_ =	sdelay $0x1  }
0x99: {  	s4 =	simm.s32 $_scs_section_size  }
0x9a: {  	s5 =	simm.s32 $_size__tile_overlayer_lowered;
	s6 =	simm.s32 $_tile_overlayer_lowered  }
0x9b: {  	s22 =	simm.s32 $0x1BFF;
	s21 =	sshll.u32 s6, $0x1;
	s3 =	sadd.s32 s4, s19  }
0x9c: {  	s7 =	simm.s32 $0x0;
	s20 =	sshll.u32 s5, $0x1;
	s5 =	sadd.s32 s21, s3  }
0x9d: {  	[timem:s7], [sflag:s22] =	dma.local [hbm:s5], s20  }
0x9e: {  	_ =	swait.ge [sflag:s22], s20  }
0x9f: {  	s4 =	ssub.s32 $0x0, s20;
	[sflag:s22] =	ssyncset.done $0x0  }
0xa0: {  	[sflag:s22] =	ssyncadd.s32 s4;
	_ =	sdelay $0x1  }
0xa1: {  	s23 =	simm.s32 $0x1B8B  }
0xa2: {  	_ =	swait.ge [sflag:s23], $0x1  }
0xa3: {  	[sflag:s23] =	ssyncset.done $0x0  }
0xa4: {  	s25 =	simm.s32 $0x1B8E;
	s24 =	sld [smem:$0x3FFE];
	[sflag:s23] =	ssyncadd.s32 $0xFFFFFFFF  }
0xa5: {  	s26 =	simm.s32 $execute0_lowered;
	[smem:$0x3FD2] =	sst s25  }
0xa6: {  	s5 =	sshll.u32 s26, $0x1;
	_ =	strace $0x80000049;
	[dreg:$0x1] =	wrdreg $0xFFFFFFFF  }
0xa7: {  	s28 =	simm.s32 $_size_execute0_lowered;
	s3 =	sadd.s32 s3, s5;
	[dreg:$0x0] =	wrdreg $0x0  }
0xa8: {  	s5 =	sshll.u32 s28, $0x1;
	[dreg:$0x2] =	wrdreg s3  }
0xa9: {  	[dreg:$0x3] =	wrdreg s5  }
0xaa: {  	[dreg:$0x4] =	wrdreg $0xC0  }
0xab: {  	_ =	task [dreg:s7], $0x5FFFF  }
0xac: {  	[dreg:$0x1] =	wrdreg $0xFFFFFFFF  }
0xad: {  	[dreg:$0x0] =	wrdreg $0x60  }
0xae: {  	[dreg:$0x2] =	wrdreg s24  }
0xaf: {  	[dreg:$0x3] =	wrdreg s2  }
0xb0: {  	[dreg:$0x4] =	wrdreg $0x0  }
0xb1: {  	[dreg:$0x5] =	wrdreg $0x9  }
0xb2: {  	_ =	task.clear_ibuf [dreg:s7], $0x6FFFF;
	_ =	strace $0x90000049  }
0xb3: {  	s29 =	simm.s32 $0x9;
	_ =	strace $0x8000004B  }
0xb4: {  	_ =	swait.ge [sflag:s29], $0x1  }
0xb5: {  	[sflag:s29] =	ssyncadd.s32 $0xFFFFFFFF  }
0xb6: {  	_ =	strace $0x9000004B  }
0xb7: {  	_ =	sfence  }
0xb8: {  	s30 =	sld [smem:$0x0];
	_ =	sdelay $0x2  }
0xb9: {  	s31 =	sshll.u32 s1, $0xD;
	s1 =	sshrl.u32 s1, $0x2  }
0xba: {  	s3 =	sand.u32 $0x4000, s31;
	s1 =	sadd.s32 s1, s30  }
0xbb: {  	s0 =	sor.u32 s3, s0;
	s1 =	sshll.u32 s1, $0x11  }
0xbc: {  	s0 =	sor.u32 s1, s0  }
0xbd: {  	s0 =	sadd.s32 $0x8F2B, s0  }
0xbe: {  	[sflag:s0] =	ssyncadd.remote.s32 $0x1  }
0xbf: {  	_ =	sfence.sel $0xFFFF  }
0xc0: {  	[dreg:$0x0] =	wrdreg $0xFFFFFFFF;
	(pc) =	sbr.abs _section_cstart, $3  }
0xc1: {  	[dreg:$0x1] =	wrdreg $0xFFFFFFFF  }
0xc2: {  	_ =	task.clear_ibuf [dreg:s7], $0x2FFFF;
	_ =	strace $0x9FFFFFFF  }
0xc3: {  	(tm) =	ssettm $0x7FFFFFFF  }
tec
execute0_lowered:
.L_overlay_start_1:
0x0: {  	(tag) =	ssettag $0x1  }
0x1: {  	s0 =	rddreg [dreg:$0x0];
	s1 =	srdreg.scid  }
0x2: {  	s10 =	stileid.u32;
	s3 =	rddreg [dreg:$0x2];
	s4 =	simm.s32 $0x0  }
0x3: {  	s14 =	simm.s32 $0xA;
	s15 =	simm.s32 $0x14000;
	s16 =	simm.s32 $0x50  }
0x4: {  	s22 =	simm.s32 $0x7;
	s23 =	simm.s32 $0x8;
	s5 =	smul.u32 $0x2710, s10  }
0x5: {  	s24 =	simm.s32 $0x9;
	s25 =	simm.s32 $0x0;
	s7 =	smul.u32 $0x14000, s10  }
0x6: {  	s1 =	sand.u32 $0x1, s1;
	[smem:$0x7FF] =	sst s4;
	s9 =	smul.u32 $0x50000, s10  }
0x7: {  	s12 =	sadd.s32 $0xCC00, s0;
	s10 =	sshll.u32 s10, $0x6;
	s2 =	smul.u32 $0x27100, s1  }
0x8: {  	s6 =	smul.u32 $0x140000, s1;
	_ =	strace $0x8000004A;
	s1 =	ssub.s32 $0x2, s1  }
0x9: {  	s30 =	sshrl.u32 s1, $0x1;
	s9 =	sshrl.u32 s9, $0x2;
	s2 =	sadd.s32 s5, s2  }
0xa: {  	s5 =	sadd.s32 $0x16A00, s0;
	s6 =	sadd.s32 s7, s6;
	s1 =	ssub.s32 s1, s30  }
0xb: {  	s13 =	sadd.s32 s9, s3;
	s8 =	sshrl.u32 s2, $0x3;
	s6 =	sshrl.u32 s6, $0x3  }
0xc: {  	s2 =	sadd.s32 $0xA0, s2;
	s11 =	smax.u32 s1, $0x1;
	s13 =	sshrl.u32 s13, $0x3  }
0xd: {  	s29 =	sadd.s32 s8, s0;
	s0 =	sadd.s32 s6, s0;
	s6 =	sor.u32 $0x1C0A, s10  }
0xe: {  	s8 =	sadd.s32 s12, s8;
	s31 =	sshrl.u32 s2, $0x3;
	s7 =	sadd.s32 $0x2E00, s29  }
0xf: {  	s9 =	sadd.s32 $0xA, s8;
	s10 =	sadd.s32 $0x3DC00, s0;
	s12 =	sadd.s32 s31, s12  }
.LBB2_1:
0x10: {  	s0 =	rddreg [dreg:$0x1]  }
0x11: {  	[spmem:s13], [sflag:s6] =	dma.local [hbm:s0], $0x2800  }
0x12: {  	_ =	swait.ge [sflag:s14], $0x2800  }
0x13: {  	[sflag:s14] =	ssyncset.done $0x0  }
0x14: {  	[sflag:s14] =	ssyncadd.s32 $0xFFFFD800  }
0x15: {  	[tilespmem:s15], [sflag:$0xA] =	stream.linear.gather [hbm4b:s7+s4], $0x2710, $0x38;
	[tilespmem:$0x1E180] =	vst v63  }
0x16: {  	_ =	swait.ge [sflag:s14], $0x2710  }
0x17: {  	s2 =	smul.u32 $0xAB, s4;
	[sflag:s14] =	ssyncset.done $0x0  }
0x18: {  	[sflag:s14] =	ssyncadd.s32 $0xFFFFD8F0  }
0x19: {  	s20 =	simm.s32 $0x16980;
	s0 =	sadd.s32 $0x156, s2;
	[bflag:$0x0] =	sbarrier.arrive $0xFFFF  }
0x1a: {  	[tilespmem:s20], [sflag:$0x1] =	stream.indirect.gather [hbm4b:s5+s16], $0x80, s15, s16, $0xb8;
	[tilespmem:$0x1E180] =	vst v63  }
0x1b: {  	s21 =	simm.s32 $0x16780;
	s26 =	simm.s32 $0x14050;
	s0 =	sshrl.u32 s0, $0x9  }
0x1c: {  	[tilespmem:s21], [sflag:$0x4] =	stream.linear.gather [hbm4b:s8+s4], $0x50, $0x38;
	[tilespmem:$0x1E180] =	vst v63  }
0x1d: {  	s1 =	simm.s32 $0x19180;
	s18 =	sshrl.u32 s2, $0x9;
	s0 =	sand.u32 $0x7F, s0  }
0x1e: {  	[tilespmem:s1], [sflag:$0x2] =	stream.indirect.gather [hbm4b:s5+s16], $0x80, s26, s16, $0xb8;
	[tilespmem:$0x1E180] =	vst v63  }
0x1f: {  	s0 =	smul.u32 $0x3, s0;
	s1 =	sand.u32 $0x7F, s18  }
0x20: {  	s17 =	simm.s32 $0x16800;
	s1 =	smul.u32 $0x3, s1  }
0x21: {  	[tilespmem:s17], [sflag:$0x5] =	stream.linear.gather [hbm4b:s9+s4], $0x50, $0x38;
	[tilespmem:$0x1E180] =	vst v63  }
0x22: {  	p0 =	por $0x0, $0x0;
	s30 =	simm.s32 $0x2;
	s1 =	ssub.s32 $0x0, s1  }
0x23: {  	p1 =	por @!p0 $0x1, $0x1;
	s0 =	ssub.s32 $0x0, s0;
	s1 =	sand.u32 $0xFF, s1  }
0x24: {  	s2 =	simm.s32 $0x140A0;
	s0 =	sadd.s32 $0x2, s0;
	s17 =	sadd.s32 $0x1, s1  }
0x25: {  	p1 =	por p1, p0;
	s31 =	sand.u32 $0xFF, s0;
	_ =	swait.ge [sflag:s17], $0x2800  }
0x26: {  	s29 =	smul.u32 @!p0 $0xA000, s31;
	s26 =	simm.s32 $0x1;
	[sflag:s17] =	ssyncset.done $0x0  }
0x27: {  	s28 =	smul.u32 $0xA000, s1;
	s20 =	sor.u32 $0x4, s1;
	[sflag:s17] =	ssyncadd.s32 $0xFFFFD800  }
0x28: {  	s18 =	sadd.s32 @!p1 $0x7, s31;
	s19 =	sshll.u32 s1, $0x7;
	_ =	swait.ge [sflag:s20], $0x50  }
0x29: {  	s1 =	sadd.s32 $0x7, s1;
	s28 =	sshrl.u32 s28, $0x2;
	[sflag:s20] =	ssyncset.done $0x0  }
0x2a: {  	s0 =	sadd.s32 $0x16780, s19;
	s21 =	sadd.s32 $0x16980, s28;
	[sflag:s20] =	ssyncadd.s32 $0xFFFFFFB0  }
0x2b: {  	[spmem:s3] =	stream.indirect.scatter.add.f32 [tilespmem:s21], [sflag:s1], $0x80, s0, s16, $0xb8;
	[tilespmem:$0x1E180] =	vst v63  }
0x2c: {  	s28 =	sadd.s32 $0xA, s12;
	s17 =	sadd.s32 @!p0 $0x1, s31;
	_ =	swait.ge @!p1 [sflag:s18], $0x2800  }
0x2d: {  	s0 =	sshrl.u32 @!p0 s29, $0x2;
	s1 =	simm.s32 @!p0 $0x50;
	[sflag:s18] =	ssyncset.done @!p1 $0x0  }
0x2e: {  	s29 =	simm.s32 $0x140F0;
	s0 =	sadd.s32 @!p0 $0x16980, s0;
	[sflag:s18] =	ssyncadd.s32 @!p1 $0xFFFFD800  }
0x2f: {  	[tilespmem:s0], [sflag:s17] =	stream.indirect.gather @!p0 [hbm4b:s5+s1], $0x80, s2, s1, $0xb8;
	[tilespmem:$0x1E180] =	vst v63  }
0x30: {  	s2 =	sshll.u32 @!p0 s31, $0x7;
	s1 =	simm.s32 @!p0 $0x0;
	s0 =	smul.u32 $0xAB, s26  }
0x31: {  	s17 =	sadd.s32 @!p0 $0x4, s31;
	s31 =	smov.u32 s12;
	s2 =	sadd.s32 @!p0 $0x16780, s2  }
.LBB2_2:
0x32: {  	[tilespmem:s2], [sflag:s17] =	stream.linear.gather @!p0 [hbm4b:s31+s1], $0x50, $0x38;
	[tilespmem:$0x1E180] =	vst v63  }
0x33: {  	s1 =	smov.u32 s26;
	s26 =	smov.u32 s30;
	s31 =	smov.u32 s28  }
0x34: {  	s30 =	sadd.s32 $0x1, s30;
	s2 =	sshrl.u32 s0, $0x9;
	s0 =	sadd.s32 $0x156, s0  }
0x35: {  	p1 =	sne.s32 s30, $0x7D;
	s2 =	sand.u32 $0x7F, s2;
	s0 =	sshrl.u32 s0, $0x9  }
0x36: {  	s17 =	smov.u32 s29;
	s2 =	smul.u32 $0x3, s2;
	s0 =	sand.u32 $0x7F, s0  }
0x37: {  	s0 =	smul.u32 $0x3, s0  }
0x38: {  	s28 =	sadd.s32 $0xA, s28;
	s29 =	sadd.s32 $0x50, s29;
	s2 =	ssub.s32 s1, s2  }
0x39: {  	p0 =	sgt.u32 s1, $0x7A;
	s2 =	sand.u32 $0xFF, s2;
	s0 =	ssub.s32 s1, s0  }
0x3a: {  	s0 =	sadd.s32 $0x2, s0;
	s18 =	sadd.s32 $0x1, s2;
	s19 =	smul.u32 $0xA000, s2  }
0x3b: {  	s20 =	sand.u32 $0xFF, s0;
	_ =	swait.ge [sflag:s18], $0x2800;
	s0 =	sshll.u32 s2, $0x7  }
0x3c: {  	[sflag:s18] =	ssyncset.done $0x0;
	s19 =	sshrl.u32 s19, $0x2;
	s21 =	smul.u32 @!p0 $0xA000, s20  }
0x3d: {  	p2 =	seq.s32 @!p0 s1, $0x0;
	[sflag:s18] =	ssyncadd.s32 $0xFFFFD800;
	s18 =	sor.u32 $0x4, s2  }
0x3e: {  	p2 =	por p2, p0;
	_ =	swait.ge [sflag:s18], $0x50;
	s21 =	sshrl.u32 @!p0 s21, $0x2  }
0x3f: {  	s1 =	sadd.s32 $0x7, s2;
	s2 =	sadd.s32 @!p2 $0x7, s20;
	[sflag:s18] =	ssyncset.done $0x0  }
0x40: {  	s0 =	sadd.s32 $0x16780, s0;
	[sflag:s18] =	ssyncadd.s32 $0xFFFFFFB0;
	s18 =	sadd.s32 $0x16980, s19  }
0x41: {  	[spmem:s3] =	stream.indirect.scatter.add.f32 [tilespmem:s18], [sflag:s1], $0x80, s0, s16, $0xb8;
	[tilespmem:$0x1E180] =	vst v63  }
.Ltmp0:
0x42: {  	s18 =	sshll.u32 @!p0 s20, $0x7;
	_ =	swait.ge @!p2 [sflag:s2], $0x2800;
	(pc) =	sbr.rel @p1 .LBB2_2-.Ltmp0, $4  }
0x43: {  	s0 =	simm.s32 @!p0 $0x50;
	s1 =	simm.s32 @!p0 $0x0;
	[sflag:s2] =	ssyncset.done @!p2 $0x0  }
0x44: {  	s19 =	sadd.s32 @!p0 $0x1, s20;
	[sflag:s2] =	ssyncadd.s32 @!p2 $0xFFFFD800;
	s2 =	sadd.s32 @!p0 $0x16980, s21  }
0x45: {  	[tilespmem:s2], [sflag:s19] =	stream.indirect.gather @!p0 [hbm4b:s5+s0], $0x80, s17, s0, $0xb8;
	[tilespmem:$0x1E180] =	vst v63  }
0x46: {  	s0 =	smul.u32 $0xAB, s26;
	s2 =	sadd.s32 @!p0 $0x16780, s18;
	s17 =	sadd.s32 @!p0 $0x4, s20  }
0x47: {  	[tilespmem:s2], [sflag:s17] =	stream.linear.gather @!p0 [hbm4b:s31+s1], $0x50, $0x38;
	[tilespmem:$0x1E180] =	vst v63  }
0x48: {  	s18 =	sshrl.u32 s0, $0x9  }
0x49: {  	s19 =	sadd.s32 $0x156, s0;
	s1 =	sand.u32 $0x7F, s18  }
0x4a: {  	s0 =	sshrl.u32 s19, $0x9;
	s1 =	smul.u32 $0x3, s1  }
0x4b: {  	s0 =	sand.u32 $0x7F, s0  }
0x4c: {  	s0 =	smul.u32 $0x3, s0;
	s1 =	ssub.s32 s26, s1  }
0x4d: {  	p0 =	sgt.u32 s26, $0x7A;
	s1 =	sand.u32 $0xFF, s1  }
0x4e: {  	p1 =	seq.s32 @!p0 s26, $0x0;
	s0 =	ssub.s32 s26, s0;
	s20 =	sadd.s32 $0x1, s1  }
0x4f: {  	p1 =	por p1, p0;
	s0 =	sadd.s32 $0x2, s0;
	_ =	swait.ge [sflag:s20], $0x2800  }
0x50: {  	s21 =	smul.u32 $0xA000, s1;
	s18 =	sshll.u32 s1, $0x7;
	[sflag:s20] =	ssyncset.done $0x0  }
0x51: {  	s30 =	sor.u32 $0x4, s1;
	s1 =	sadd.s32 $0x7, s1;
	[sflag:s20] =	ssyncadd.s32 $0xFFFFD800  }
0x52: {  	s0 =	sand.u32 $0xFF, s0;
	s18 =	sadd.s32 $0x16780, s18;
	_ =	swait.ge [sflag:s30], $0x50  }
0x53: {  	s17 =	sshrl.u32 s21, $0x2;
	s19 =	smul.u32 @!p0 $0xA000, s0;
	[sflag:s30] =	ssyncset.done $0x0  }
0x54: {  	s20 =	sadd.s32 @!p1 $0x7, s0;
	s31 =	sadd.s32 $0x16980, s17;
	[sflag:s30] =	ssyncadd.s32 $0xFFFFFFB0  }
0x55: {  	[spmem:s3] =	stream.indirect.scatter.add.f32 [tilespmem:s31], [sflag:s1], $0x80, s18, s16, $0xb8;
	[tilespmem:$0x1E180] =	vst v63  }
0x56: {  	s2 =	sshll.u32 @!p0 s0, $0x7;
	_ =	swait.ge @!p1 [sflag:s20], $0x2800  }
0x57: {  	s17 =	simm.s32 @!p0 $0x50;
	s1 =	sshrl.u32 @!p0 s19, $0x2;
	[sflag:s20] =	ssyncset.done @!p1 $0x0  }
0x58: {  	s18 =	sadd.s32 @!p0 $0x1, s0;
	s1 =	sadd.s32 @!p0 $0x16980, s1;
	[sflag:s20] =	ssyncadd.s32 @!p1 $0xFFFFD800  }
0x59: {  	[tilespmem:s1], [sflag:s18] =	stream.indirect.gather @!p0 [hbm4b:s5+s17], $0x80, s29, s17, $0xb8;
	[tilespmem:$0x1E180] =	vst v63  }
0x5a: {  	s2 =	sadd.s32 @!p0 $0x16780, s2;
	s0 =	sadd.s32 @!p0 $0x4, s0;
	s1 =	simm.s32 @!p0 $0x0  }
0x5b: {  	[tilespmem:s2], [sflag:s0] =	stream.linear.gather @!p0 [hbm4b:s28+s1], $0x50, $0x38;
	[tilespmem:$0x1E180] =	vst v63  }
0x5c: {  	_ =	swait.ge [sflag:s22], $0x2800  }
0x5d: {  	[sflag:s22] =	ssyncset.done $0x0  }
0x5e: {  	[sflag:s22] =	ssyncadd.s32 $0xFFFFD800  }
0x5f: {  	_ =	swait.ge [sflag:s23], $0x2800  }
0x60: {  	[sflag:s23] =	ssyncset.done $0x0  }
0x61: {  	[sflag:s23] =	ssyncadd.s32 $0xFFFFD800  }
0x62: {  	_ =	swait.ge [sflag:s24], $0x2800  }
0x63: {  	s25 =	sadd.s32 $0x1, s25;
	[sflag:s24] =	ssyncset.done $0x0  }
0x64: {  	p0 =	sne.s32 s25, s11;
	[sflag:s24] =	ssyncadd.s32 $0xFFFFD800  }
.Ltmp1:
0x65: {  	[bflag:$0x0] =	sbarrier.arrive $0xFFFF;
	(pc) =	sbr.rel @p0 .LBB2_1-.Ltmp1, $4  }
0x66: {  	[hbm:s10], [sflag:s6] =	dma.local [spmem:s13], $0x2800  }
0x67: {  	_ =	swait.ge [sflag:s14], $0x2800  }
0x68: {  	[sflag:s14] =	ssyncset.done $0x0  }
0x69: {  	[sflag:s14] =	ssyncadd.s32 $0xFFFFD800  }
0x6a: {  	_ =	sfence.sel $0x180000  }
0x6b: {  	[bflag:$0x0] =	sbarrier.arrive $0xFFFF  }
0x6c: {  	_ =	strace $0x9000004A  }
0x6d: {  	s0 =	stileid.u32;
	[bflag:$0x2] =	sbarrier.arrive $0xFFFF  }
0x6e: {  	p0 =	sne.s32 s0, $0x0;
	s0 =	rddreg [dreg:$0x3]  }
0x6f: {  	s0 =	sadd.s32 @!p0 $0x100000, s0  }
0x70: {  	[sflag:s0] =	ssyncadd.tile.s32 @!p0 $0x1;
	_ =	shalt  }
.Lfunc_end2:
_tile_overlayer_lowered:
.L_overlay_start_2:
0x71: {  	(tag) =	ssettag $0x2  }
0x72: {  	s0 =	rddreg [dreg:$0x0];
	s2 =	stileid.u32  }
0x73: {  	s1 =	rddreg [dreg:$0x1];
	p0 =	sne.s32 s2, $0x0  }
0x74: {  	s3 =	rddreg [dreg:$0x2];
	[bflag:$0x3] =	sbarrier.arrive $0xFFFF;
	s2 =	simm.s32 @!p0 $0x1C0A  }
0x75: {  	[timem:s3], [sflag:s2] =	dma.local @!p0 [hbm:s0], s1  }
0x76: {  	s0 =	simm.s32 @!p0 $0xA  }
0x77: {  	_ =	swait.ge @!p0 [sflag:s0], s1  }
0x78: {  	s1 =	ssub.s32 @!p0 $0x0, s1;
	[sflag:s0] =	ssyncset.done @!p0 $0x0  }
0x79: {  	[sflag:s0] =	ssyncadd.s32 @!p0 s1  }
0x7a: {  	[bflag:$0x3] =	sbarrier.arrive $0xFFFF  }
0x7b: {  	_ =	shalt  }

// kernel: kernel.15.cloned.1.call-start
scs
__scs_entry_jumppad:
0x0: {  	(pc) =	sbr.rel $0x88, $3  }
0x1: {  	(tag) =	ssettag $0x0;
	lr =	simm.s32 $0x1  }
0x2: {  	[smem:$0x3F9A] =	sst lr;
	_ =	strace $0xD0000000  }
0x3: {  	_ = 	snop  }
0x4: {  	_ = 	snop  }
0x5: {  	_ = 	snop  }
0x6: {  	_ = 	snop  }
0x7: {  	_ = 	snop  }
__scs_overlays_trampoline_lowered:
0x8: {  	[smem:$0x3FA9] =	sst s0  }
0x9: {  	[smem:$0x3FAA] =	sst s1  }
0xa: {  	[smem:$0x3FAB] =	sst s2  }
0xb: {  	[smem:$0x3FAC] =	sst s3  }
0xc: {  	[smem:$0x3FAD] =	sst s4  }
0xd: {  	[smem:$0x3FAE] =	sst s5  }
0xe: {  	[smem:$0x3FAF] =	sst s6  }
0xf: {  	[smem:$0x3FB0] =	sst s7  }
0x10: {  	[smem:$0x3FB1] =	sst s8  }
0x11: {  	[smem:$0x3FB2] =	sst s9;
	s0 =	simm.s32 @!p0 $0x0  }
0x12: {  	s1 =	sld [smem:$0x3F98];
	s0 =	simm.s32 @p0 $0x1  }
0x13: {  	[smem:$0x3FB3] =	sst s0;
	s0 =	simm.s32 @!p1 $0x0  }
0x14: {  	s2 =	sld [smem:$0x3F97];
	s0 =	simm.s32 @p1 $0x1  }
0x15: {  	[smem:$0x3FB4] =	sst s0;
	s0 =	simm.s32 @!p2 $0x0  }
0x16: {  	s3 =	sld [smem:$0x3FDB];
	s0 =	simm.s32 @p2 $0x1  }
0x17: {  	s4 =	simm.s32 $0x1BF5;
	[smem:$0x3FB6] =	sst s0  }
0x18: {  	s0 =	sld [smem:$0x3F99];
	_ =	swait.ge [sflag:s4], $0x0  }
0x19: {  	s7 =	sld [smem:$0x3F9A]  }
0x1a: {  	s8 =	sadd.s32 $0xFFFFE003, lr  }
0x1b: {  	s9 =	sadd.s32 $0xFFFFFEF7, lr;
	s5 =	simm.s32 $0xFFFFFFFF;
	p2 =	slt.u32 s8, $0xFFFFF086  }
0x1c: {  	p1 =	slt.u32 s9, $0xF7A;
	s5 =	simm.s32 @!p2 $0x0  }
0x1d: {  	s5 =	simm.s32 @p1 $0x1;
	p0 =	seq.s32 s7, s2  }
0x1e: {  	s7 =	smul.u32 @!p0 $0xF7A, s2;
	p2 =	seq.s32 @!p0 s5, $0x0  }
0x1f: {  	s9 =	smul.u32 $0xF7A, s1;
	s8 =	simm.s32 @!p0 $0x1BF5;
	p2 =	por !p2, p0  }
0x20: {  	[sflag:s8] =	ssyncset.s32 @!p0 $0xFFFFF086;
	s6 =	sadd.s32 @!p0 s3, s7;
	s7 =	simm.s32 @!p0 $0x108  }
0x21: {  	s3 =	sadd.s32 s3, s9;
	s6 =	sadd.s32 @!p0 $0x88, s6;
	s7 =	simm.s32 @p2 $0x1082  }
0x22: {  	[simem:s7], [sflag:s8] =	dma.local @!p0 [hbm:s6], $0xF7A  }
0x23: {  	s9 =	sor.u32 $0xD0000000, s2;
	s6 =	simm.s32 $0x108;
	_ =	swait.ge @!p0 [sflag:s8], $0x0  }
0x24: {  	s3 =	sadd.s32 $0x88, s3;
	s6 =	simm.s32 @!p1 $0x1082;
	[sflag:s4] =	ssyncset.s32 $0xFFFFF086  }
0x25: {  	[simem:s6], [sflag:s4] =	dma.local [hbm:s3], $0xF7A  }
0x26: {  	[smem:$0x3F9A] =	sst s1;
	(tag) =	ssettag s2;
	_ =	strace s9  }
0x27: {  	s1 =	sld [smem:$0x3FAA]  }
0x28: {  	s2 =	sld [smem:$0x3FAB]  }
0x29: {  	s4 =	sld [smem:$0x3FAD]  }
0x2a: {  	p0 =	seq.s32 s5, $0x0;
	s5 =	sld [smem:$0x3FAE]  }
0x2b: {  	s6 =	sld [smem:$0x3FAF]  }
0x2c: {  	s7 =	sld [smem:$0x3FB0]  }
0x2d: {  	s3 =	simm.s32 $0x108;
	s8 =	sld [smem:$0x3FB1]  }
0x2e: {  	s3 =	simm.s32 @!p0 $0x1082;
	s9 =	sld [smem:$0x3FB2]  }
0x2f: {  	lr =	sadd.s32 s0, s3;
	s0 =	sld [smem:$0x3FA9]  }
0x30: {  	s3 =	sld [smem:$0x3FAC]  }
0x31: {  	[smem:$0x3FB5] =	sst s10  }
0x32: {  	s10 =	sld [smem:$0x3FB3];
	_ =	sdelay $0x3  }
0x33: {  	p0 =	seq.s32 s10, $0x1;
	s10 =	sld [smem:$0x3FB5];
	_ =	sdelay $0x3  }
0x34: {  	[smem:$0x3FB5] =	sst s10  }
0x35: {  	s10 =	sld [smem:$0x3FB4];
	_ =	sdelay $0x3  }
0x36: {  	p1 =	seq.s32 s10, $0x1;
	s10 =	sld [smem:$0x3FB5];
	_ =	sdelay $0x3  }
0x37: {  	[smem:$0x3FB5] =	sst s10  }
0x38: {  	s10 =	sld [smem:$0x3FB6]  }
0x39: {  	_ = 	snop;
	(pc) =	sbr.ind lr, $3  }
0x3a: {  	_ = 	snop  }
0x3b: {  	_ = 	snop  }
0x3c: {  	p2 =	seq.s32 s10, $0x1;
	s10 =	sld [smem:$0x3FB5]  }
0x3d: {  	_ =	shalt  }
0x3e: {  	_ =	shalt  }
0x3f: {  	_ =	shalt  }
0x40: {  	_ =	shalt  }
0x41: {  	_ =	shalt  }
0x42: {  	_ =	shalt  }
0x43: {  	_ =	shalt  }
0x44: {  	_ =	shalt  }
0x45: {  	_ =	shalt  }
0x46: {  	_ =	shalt  }
0x47: {  	_ =	shalt  }
0x48: {  	_ =	shalt  }
0x49: {  	_ =	shalt  }
0x4a: {  	_ =	shalt  }
0x4b: {  	_ =	shalt  }
0x4c: {  	_ =	shalt  }
0x4d: {  	_ =	shalt  }
0x4e: {  	_ =	shalt  }
0x4f: {  	_ =	shalt  }
0x50: {  	_ =	shalt  }
0x51: {  	_ =	shalt  }
0x52: {  	_ =	shalt  }
0x53: {  	_ =	shalt  }
0x54: {  	_ =	shalt  }
0x55: {  	_ =	shalt  }
0x56: {  	_ =	shalt  }
0x57: {  	_ =	shalt  }
0x58: {  	_ =	shalt  }
0x59: {  	_ =	shalt  }
0x5a: {  	_ =	shalt  }
0x5b: {  	_ =	shalt  }
0x5c: {  	_ =	shalt  }
0x5d: {  	_ =	shalt  }
0x5e: {  	_ =	shalt  }
0x5f: {  	_ =	shalt  }
0x60: {  	_ =	shalt  }
0x61: {  	_ =	shalt  }
0x62: {  	_ =	shalt  }
0x63: {  	_ =	shalt  }
0x64: {  	_ =	shalt  }
0x65: {  	_ =	shalt  }
0x66: {  	_ =	shalt  }
0x67: {  	_ =	shalt  }
0x68: {  	_ =	shalt  }
0x69: {  	_ =	shalt  }
0x6a: {  	_ =	shalt  }
0x6b: {  	_ =	shalt  }
0x6c: {  	_ =	shalt  }
0x6d: {  	_ =	shalt  }
0x6e: {  	_ =	shalt  }
0x6f: {  	_ =	shalt  }
0x70: {  	_ =	shalt  }
0x71: {  	_ =	shalt  }
0x72: {  	_ =	shalt  }
0x73: {  	_ =	shalt  }
0x74: {  	_ =	shalt  }
0x75: {  	_ =	shalt  }
0x76: {  	_ =	shalt  }
0x77: {  	_ =	shalt  }
0x78: {  	_ =	shalt  }
0x79: {  	_ =	shalt  }
0x7a: {  	_ =	shalt  }
0x7b: {  	_ =	shalt  }
0x7c: {  	_ =	shalt  }
0x7d: {  	_ =	shalt  }
0x7e: {  	_ =	shalt  }
0x7f: {  	_ =	shalt  }
0x80: {  	_ =	shalt  }
0x81: {  	_ =	shalt  }
0x82: {  	_ =	shalt  }
0x83: {  	_ =	shalt  }
0x84: {  	_ =	shalt  }
0x85: {  	_ =	shalt  }
0x86: {  	_ =	shalt  }
0x87: {  	_ =	shalt  }
.Lfunc_end0:
.L_simem_size_0:
called_computation.2_lowered:
.L_overlay_start_0:
0x88: {  	s2 =	sld [smem:$0x3FD9]  }
0x89: {  	s3 =	sld [smem:$0x3FFE];
	_ =	sdelay $0x1  }
0x8a: {  	s1 =	srdreg.scid  }
0x8b: {  	s0 =	sand.u32 $0x1, s1  }
0x8c: {  	s17 =	sshll.u32 s0, $0xA;
	s2 =	sadd.s32 s3, s2  }
0x8d: {  	s2 =	sadd.s32 s2, s17  }
0x8e: {  	[smem:$0x3FC1] =	sst s2  }
0x8f: {  	_ = 	snop  }
0x90: {  	s2 =	sld [smem:$0x3FD0];
	(tm) =	ssettm $0x1  }
0x91: {  	s18 =	sld [smem:$0x3FFB];
	_ =	sdelay $0x3  }
0x92: {  	_ =	strace s18  }
0x93: {  	s3 =	sld [smem:$0x3FFC];
	_ =	sdelay $0x3  }
0x94: {  	_ =	strace s3  }
0x95: {  	s3 =	sld [smem:$0x3FFD];
	_ =	sdelay $0x3  }
0x96: {  	_ =	strace s3  }
0x97: {  	_ =	strace $0x8FFFFFFF  }
0x98: {  	s19 =	sld [smem:$0x3FDB];
	_ =	sdelay $0x1  }
0x99: {  	s4 =	simm.s32 $_scs_section_size  }
0x9a: {  	s5 =	simm.s32 $_size__tile_overlayer_lowered;
	s6 =	simm.s32 $_tile_overlayer_lowered  }
0x9b: {  	s22 =	simm.s32 $0x1BFF;
	s21 =	sshll.u32 s6, $0x1;
	s3 =	sadd.s32 s4, s19  }
0x9c: {  	s7 =	simm.s32 $0x0;
	s20 =	sshll.u32 s5, $0x1;
	s5 =	sadd.s32 s21, s3  }
0x9d: {  	[timem:s7], [sflag:s22] =	dma.local [hbm:s5], s20  }
0x9e: {  	_ =	swait.ge [sflag:s22], s20  }
0x9f: {  	s4 =	ssub.s32 $0x0, s20;
	[sflag:s22] =	ssyncset.done $0x0  }
0xa0: {  	[sflag:s22] =	ssyncadd.s32 s4;
	_ =	sdelay $0x1  }
0xa1: {  	s23 =	simm.s32 $0x1B8B  }
0xa2: {  	_ =	swait.ge [sflag:s23], $0x1  }
0xa3: {  	[sflag:s23] =	ssyncset.done $0x0  }
0xa4: {  	s25 =	simm.s32 $0x1B8E;
	s24 =	sld [smem:$0x3FFE];
	[sflag:s23] =	ssyncadd.s32 $0xFFFFFFFF  }
0xa5: {  	s26 =	simm.s32 $execute0_lowered;
	[smem:$0x3FD2] =	sst s25  }
0xa6: {  	s5 =	sshll.u32 s26, $0x1;
	_ =	strace $0x8000004C;
	[dreg:$0x1] =	wrdreg $0xFFFFFFFF  }
0xa7: {  	s28 =	simm.s32 $_size_execute0_lowered;
	s3 =	sadd.s32 s3, s5;
	[dreg:$0x0] =	wrdreg $0x0  }
0xa8: {  	s5 =	sshll.u32 s28, $0x1;
	[dreg:$0x2] =	wrdreg s3  }
0xa9: {  	[dreg:$0x3] =	wrdreg s5  }
0xaa: {  	[dreg:$0x4] =	wrdreg $0xC0  }
0xab: {  	_ =	task [dreg:s7], $0x5FFFF  }
0xac: {  	[dreg:$0x1] =	wrdreg $0xFFFFFFFF  }
0xad: {  	[dreg:$0x0] =	wrdreg $0x60  }
0xae: {  	[dreg:$0x2] =	wrdreg s24  }
0xaf: {  	[dreg:$0x3] =	wrdreg s2  }
0xb0: {  	[dreg:$0x4] =	wrdreg $0x0  }
0xb1: {  	[dreg:$0x5] =	wrdreg $0x9  }
0xb2: {  	_ =	task.clear_ibuf [dreg:s7], $0x6FFFF;
	_ =	strace $0x9000004C  }
0xb3: {  	s29 =	simm.s32 $0x9;
	_ =	strace $0x8000004E  }
0xb4: {  	_ =	swait.ge [sflag:s29], $0x1  }
0xb5: {  	[sflag:s29] =	ssyncadd.s32 $0xFFFFFFFF  }
0xb6: {  	_ =	strace $0x9000004E  }
0xb7: {  	_ =	sfence  }
0xb8: {  	s30 =	sld [smem:$0x0];
	_ =	sdelay $0x2  }
0xb9: {  	s31 =	sshll.u32 s1, $0xD;
	s1 =	sshrl.u32 s1, $0x2  }
0xba: {  	s3 =	sand.u32 $0x4000, s31;
	s1 =	sadd.s32 s1, s30  }
0xbb: {  	s0 =	sor.u32 s3, s0;
	s1 =	sshll.u32 s1, $0x11  }
0xbc: {  	s0 =	sor.u32 s1, s0  }
0xbd: {  	s0 =	sadd.s32 $0x8F2B, s0  }
0xbe: {  	[sflag:s0] =	ssyncadd.remote.s32 $0x1  }
0xbf: {  	_ =	sfence.sel $0xFFFF  }
0xc0: {  	[dreg:$0x0] =	wrdreg $0xFFFFFFFF;
	(pc) =	sbr.abs _section_cstart, $3  }
0xc1: {  	[dreg:$0x1] =	wrdreg $0xFFFFFFFF  }
0xc2: {  	_ =	task.clear_ibuf [dreg:s7], $0x2FFFF;
	_ =	strace $0x9FFFFFFF  }
0xc3: {  	(tm) =	ssettm $0x7FFFFFFF  }
tec
execute0_lowered:
.L_overlay_start_1:
0x0: {  	(tag) =	ssettag $0x1  }
0x1: {  	s0 =	rddreg [dreg:$0x0];
	s1 =	srdreg.scid  }
0x2: {  	s10 =	stileid.u32;
	s3 =	rddreg [dreg:$0x2];
	s4 =	simm.s32 $0x0  }
0x3: {  	s14 =	simm.s32 $0xA;
	s15 =	simm.s32 $0x14000;
	s16 =	simm.s32 $0x50  }
0x4: {  	s22 =	simm.s32 $0x7;
	s23 =	simm.s32 $0x8;
	s5 =	smul.u32 $0x2710, s10  }
0x5: {  	s24 =	simm.s32 $0x9;
	s25 =	simm.s32 $0x0;
	s7 =	smul.u32 $0x14000, s10  }
0x6: {  	s1 =	sand.u32 $0x1, s1;
	[smem:$0x7FF] =	sst s4;
	s9 =	smul.u32 $0x50000, s10  }
0x7: {  	s12 =	sadd.s32 $0xCC00, s0;
	s10 =	sshll.u32 s10, $0x6;
	s2 =	smul.u32 $0x27100, s1  }
0x8: {  	s6 =	smul.u32 $0x140000, s1;
	_ =	strace $0x8000004D;
	s1 =	ssub.s32 $0x2, s1  }
0x9: {  	s30 =	sshrl.u32 s1, $0x1;
	s9 =	sshrl.u32 s9, $0x2;
	s2 =	sadd.s32 s5, s2  }
0xa: {  	s5 =	sadd.s32 $0x16A00, s0;
	s6 =	sadd.s32 s7, s6;
	s1 =	ssub.s32 s1, s30  }
0xb: {  	s13 =	sadd.s32 s9, s3;
	s8 =	sshrl.u32 s2, $0x3;
	s6 =	sshrl.u32 s6, $0x3  }
0xc: {  	s2 =	sadd.s32 $0xA0, s2;
	s11 =	smax.u32 s1, $0x1;
	s13 =	sshrl.u32 s13, $0x3  }
0xd: {  	s29 =	sadd.s32 s8, s0;
	s0 =	sadd.s32 s6, s0;
	s6 =	sor.u32 $0x1C0A, s10  }
0xe: {  	s8 =	sadd.s32 s12, s8;
	s31 =	sshrl.u32 s2, $0x3;
	s7 =	sadd.s32 $0x2E00, s29  }
0xf: {  	s9 =	sadd.s32 $0xA, s8;
	s10 =	sadd.s32 $0x3DC00, s0;
	s12 =	sadd.s32 s31, s12  }
.LBB2_1:
0x10: {  	s0 =	rddreg [dreg:$0x1]  }
0x11: {  	[spmem:s13], [sflag:s6] =	dma.local [hbm:s0], $0x2800  }
0x12: {  	_ =	swait.ge [sflag:s14], $0x2800  }
0x13: {  	[sflag:s14] =	ssyncset.done $0x0  }
0x14: {  	[sflag:s14] =	ssyncadd.s32 $0xFFFFD800  }
0x15: {  	[tilespmem:s15], [sflag:$0xA] =	stream.linear.gather [hbm4b:s7+s4], $0x2710, $0x38;
	[tilespmem:$0x1E180] =	vst v63  }
0x16: {  	_ =	swait.ge [sflag:s14], $0x2710  }
0x17: {  	s2 =	smul.u32 $0xAB, s4;
	[sflag:s14] =	ssyncset.done $0x0  }
0x18: {  	[sflag:s14] =	ssyncadd.s32 $0xFFFFD8F0  }
0x19: {  	s20 =	simm.s32 $0x16980;
	s0 =	sadd.s32 $0x156, s2;
	[bflag:$0x0] =	sbarrier.arrive $0xFFFF  }
0x1a: {  	[tilespmem:s20], [sflag:$0x1] =	stream.indirect.gather [hbm4b:s5+s16], $0x80, s15, s16, $0xb8;
	[tilespmem:$0x1E180] =	vst v63  }
0x1b: {  	s21 =	simm.s32 $0x16780;
	s26 =	simm.s32 $0x14050;
	s0 =	sshrl.u32 s0, $0x9  }
0x1c: {  	[tilespmem:s21], [sflag:$0x4] =	stream.linear.gather [hbm4b:s8+s4], $0x50, $0x38;
	[tilespmem:$0x1E180] =	vst v63  }
0x1d: {  	s1 =	simm.s32 $0x19180;
	s18 =	sshrl.u32 s2, $0x9;
	s0 =	sand.u32 $0x7F, s0  }
0x1e: {  	[tilespmem:s1], [sflag:$0x2] =	stream.indirect.gather [hbm4b:s5+s16], $0x80, s26, s16, $0xb8;
	[tilespmem:$0x1E180] =	vst v63  }
0x1f: {  	s0 =	smul.u32 $0x3, s0;
	s1 =	sand.u32 $0x7F, s18  }
0x20: {  	s17 =	simm.s32 $0x16800;
	s1 =	smul.u32 $0x3, s1  }
0x21: {  	[tilespmem:s17], [sflag:$0x5] =	stream.linear.gather [hbm4b:s9+s4], $0x50, $0x38;
	[tilespmem:$0x1E180] =	vst v63  }
0x22: {  	p0 =	por $0x0, $0x0;
	s30 =	simm.s32 $0x2;
	s1 =	ssub.s32 $0x0, s1  }
0x23: {  	p1 =	por @!p0 $0x1, $0x1;
	s0 =	ssub.s32 $0x0, s0;
	s1 =	sand.u32 $0xFF, s1  }
0x24: {  	s2 =	simm.s32 $0x140A0;
	s0 =	sadd.s32 $0x2, s0;
	s17 =	sadd.s32 $0x1, s1  }
0x25: {  	p1 =	por p1, p0;
	s31 =	sand.u32 $0xFF, s0;
	_ =	swait.ge [sflag:s17], $0x2800  }
0x26: {  	s29 =	smul.u32 @!p0 $0xA000, s31;
	s26 =	simm.s32 $0x1;
	[sflag:s17] =	ssyncset.done $0x0  }
0x27: {  	s28 =	smul.u32 $0xA000, s1;
	s20 =	sor.u32 $0x4, s1;
	[sflag:s17] =	ssyncadd.s32 $0xFFFFD800  }
0x28: {  	s18 =	sadd.s32 @!p1 $0x7, s31;
	s19 =	sshll.u32 s1, $0x7;
	_ =	swait.ge [sflag:s20], $0x50  }
0x29: {  	s1 =	sadd.s32 $0x7, s1;
	s28 =	sshrl.u32 s28, $0x2;
	[sflag:s20] =	ssyncset.done $0x0  }
0x2a: {  	s0 =	sadd.s32 $0x16780, s19;
	s21 =	sadd.s32 $0x16980, s28;
	[sflag:s20] =	ssyncadd.s32 $0xFFFFFFB0  }
0x2b: {  	[spmem:s3] =	stream.indirect.scatter.add.f32 [tilespmem:s21], [sflag:s1], $0x80, s0, s16, $0xb8;
	[tilespmem:$0x1E180] =	vst v63  }
0x2c: {  	s28 =	sadd.s32 $0xA, s12;
	s17 =	sadd.s32 @!p0 $0x1, s31;
	_ =	swait.ge @!p1 [sflag:s18], $0x2800  }
0x2d: {  	s0 =	sshrl.u32 @!p0 s29, $0x2;
	s1 =	simm.s32 @!p0 $0x50;
	[sflag:s18] =	ssyncset.done @!p1 $0x0  }
0x2e: {  	s29 =	simm.s32 $0x140F0;
	s0 =	sadd.s32 @!p0 $0x16980, s0;
	[sflag:s18] =	ssyncadd.s32 @!p1 $0xFFFFD800  }
0x2f: {  	[tilespmem:s0], [sflag:s17] =	stream.indirect.gather @!p0 [hbm4b:s5+s1], $0x80, s2, s1, $0xb8;
	[tilespmem:$0x1E180] =	vst v63  }
0x30: {  	s2 =	sshll.u32 @!p0 s31, $0x7;
	s1 =	simm.s32 @!p0 $0x0;
	s0 =	smul.u32 $0xAB, s26  }
0x31: {  	s17 =	sadd.s32 @!p0 $0x4, s31;
	s31 =	smov.u32 s12;
	s2 =	sadd.s32 @!p0 $0x16780, s2  }
.LBB2_2:
0x32: {  	[tilespmem:s2], [sflag:s17] =	stream.linear.gather @!p0 [hbm4b:s31+s1], $0x50, $0x38;
	[tilespmem:$0x1E180] =	vst v63  }
0x33: {  	s1 =	smov.u32 s26;
	s26 =	smov.u32 s30;
	s31 =	smov.u32 s28  }
0x34: {  	s30 =	sadd.s32 $0x1, s30;
	s2 =	sshrl.u32 s0, $0x9;
	s0 =	sadd.s32 $0x156, s0  }
0x35: {  	p1 =	sne.s32 s30, $0x7D;
	s2 =	sand.u32 $0x7F, s2;
	s0 =	sshrl.u32 s0, $0x9  }
0x36: {  	s17 =	smov.u32 s29;
	s2 =	smul.u32 $0x3, s2;
	s0 =	sand.u32 $0x7F, s0  }
0x37: {  	s0 =	smul.u32 $0x3, s0  }
0x38: {  	s28 =	sadd.s32 $0xA, s28;
	s29 =	sadd.s32 $0x50, s29;
	s2 =	ssub.s32 s1, s2  }
0x39: {  	p0 =	sgt.u32 s1, $0x7A;
	s2 =	sand.u32 $0xFF, s2;
	s0 =	ssub.s32 s1, s0  }
0x3a: {  	s0 =	sadd.s32 $0x2, s0;
	s18 =	sadd.s32 $0x1, s2;
	s19 =	smul.u32 $0xA000, s2  }
0x3b: {  	s20 =	sand.u32 $0xFF, s0;
	_ =	swait.ge [sflag:s18], $0x2800;
	s0 =	sshll.u32 s2, $0x7  }
0x3c: {  	[sflag:s18] =	ssyncset.done $0x0;
	s19 =	sshrl.u32 s19, $0x2;
	s21 =	smul.u32 @!p0 $0xA000, s20  }
0x3d: {  	p2 =	seq.s32 @!p0 s1, $0x0;
	[sflag:s18] =	ssyncadd.s32 $0xFFFFD800;
	s18 =	sor.u32 $0x4, s2  }
0x3e: {  	p2 =	por p2, p0;
	_ =	swait.ge [sflag:s18], $0x50;
	s21 =	sshrl.u32 @!p0 s21, $0x2  }
0x3f: {  	s1 =	sadd.s32 $0x7, s2;
	s2 =	sadd.s32 @!p2 $0x7, s20;
	[sflag:s18] =	ssyncset.done $0x0  }
0x40: {  	s0 =	sadd.s32 $0x16780, s0;
	[sflag:s18] =	ssyncadd.s32 $0xFFFFFFB0;
	s18 =	sadd.s32 $0x16980, s19  }
0x41: {  	[spmem:s3] =	stream.indirect.scatter.add.f32 [tilespmem:s18], [sflag:s1], $0x80, s0, s16, $0xb8;
	[tilespmem:$0x1E180] =	vst v63  }
.Ltmp0:
0x42: {  	s18 =	sshll.u32 @!p0 s20, $0x7;
	_ =	swait.ge @!p2 [sflag:s2], $0x2800;
	(pc) =	sbr.rel @p1 .LBB2_2-.Ltmp0, $4  }
0x43: {  	s0 =	simm.s32 @!p0 $0x50;
	s1 =	simm.s32 @!p0 $0x0;
	[sflag:s2] =	ssyncset.done @!p2 $0x0  }
0x44: {  	s19 =	sadd.s32 @!p0 $0x1, s20;
	[sflag:s2] =	ssyncadd.s32 @!p2 $0xFFFFD800;
	s2 =	sadd.s32 @!p0 $0x16980, s21  }
0x45: {  	[tilespmem:s2], [sflag:s19] =	stream.indirect.gather @!p0 [hbm4b:s5+s0], $0x80, s17, s0, $0xb8;
	[tilespmem:$0x1E180] =	vst v63  }
0x46: {  	s0 =	smul.u32 $0xAB, s26;
	s2 =	sadd.s32 @!p0 $0x16780, s18;
	s17 =	sadd.s32 @!p0 $0x4, s20  }
0x47: {  	[tilespmem:s2], [sflag:s17] =	stream.linear.gather @!p0 [hbm4b:s31+s1], $0x50, $0x38;
	[tilespmem:$0x1E180] =	vst v63  }
0x48: {  	s18 =	sshrl.u32 s0, $0x9  }
0x49: {  	s19 =	sadd.s32 $0x156, s0;
	s1 =	sand.u32 $0x7F, s18  }
0x4a: {  	s0 =	sshrl.u32 s19, $0x9;
	s1 =	smul.u32 $0x3, s1  }
0x4b: {  	s0 =	sand.u32 $0x7F, s0  }
0x4c: {  	s0 =	smul.u32 $0x3, s0;
	s1 =	ssub.s32 s26, s1  }
0x4d: {  	p0 =	sgt.u32 s26, $0x7A;
	s1 =	sand.u32 $0xFF, s1  }
0x4e: {  	p1 =	seq.s32 @!p0 s26, $0x0;
	s0 =	ssub.s32 s26, s0;
	s20 =	sadd.s32 $0x1, s1  }
0x4f: {  	p1 =	por p1, p0;
	s0 =	sadd.s32 $0x2, s0;
	_ =	swait.ge [sflag:s20], $0x2800  }
0x50: {  	s21 =	smul.u32 $0xA000, s1;
	s18 =	sshll.u32 s1, $0x7;
	[sflag:s20] =	ssyncset.done $0x0  }
0x51: {  	s30 =	sor.u32 $0x4, s1;
	s1 =	sadd.s32 $0x7, s1;
	[sflag:s20] =	ssyncadd.s32 $0xFFFFD800  }
0x52: {  	s0 =	sand.u32 $0xFF, s0;
	s18 =	sadd.s32 $0x16780, s18;
	_ =	swait.ge [sflag:s30], $0x50  }
0x53: {  	s17 =	sshrl.u32 s21, $0x2;
	s19 =	smul.u32 @!p0 $0xA000, s0;
	[sflag:s30] =	ssyncset.done $0x0  }
0x54: {  	s20 =	sadd.s32 @!p1 $0x7, s0;
	s31 =	sadd.s32 $0x16980, s17;
	[sflag:s30] =	ssyncadd.s32 $0xFFFFFFB0  }
0x55: {  	[spmem:s3] =	stream.indirect.scatter.add.f32 [tilespmem:s31], [sflag:s1], $0x80, s18, s16, $0xb8;
	[tilespmem:$0x1E180] =	vst v63  }
0x56: {  	s2 =	sshll.u32 @!p0 s0, $0x7;
	_ =	swait.ge @!p1 [sflag:s20], $0x2800  }
0x57: {  	s17 =	simm.s32 @!p0 $0x50;
	s1 =	sshrl.u32 @!p0 s19, $0x2;
	[sflag:s20] =	ssyncset.done @!p1 $0x0  }
0x58: {  	s18 =	sadd.s32 @!p0 $0x1, s0;
	s1 =	sadd.s32 @!p0 $0x16980, s1;
	[sflag:s20] =	ssyncadd.s32 @!p1 $0xFFFFD800  }
0x59: {  	[tilespmem:s1], [sflag:s18] =	stream.indirect.gather @!p0 [hbm4b:s5+s17], $0x80, s29, s17, $0xb8;
	[tilespmem:$0x1E180] =	vst v63  }
0x5a: {  	s2 =	sadd.s32 @!p0 $0x16780, s2;
	s0 =	sadd.s32 @!p0 $0x4, s0;
	s1 =	simm.s32 @!p0 $0x0  }
0x5b: {  	[tilespmem:s2], [sflag:s0] =	stream.linear.gather @!p0 [hbm4b:s28+s1], $0x50, $0x38;
	[tilespmem:$0x1E180] =	vst v63  }
0x5c: {  	_ =	swait.ge [sflag:s22], $0x2800  }
0x5d: {  	[sflag:s22] =	ssyncset.done $0x0  }
0x5e: {  	[sflag:s22] =	ssyncadd.s32 $0xFFFFD800  }
0x5f: {  	_ =	swait.ge [sflag:s23], $0x2800  }
0x60: {  	[sflag:s23] =	ssyncset.done $0x0  }
0x61: {  	[sflag:s23] =	ssyncadd.s32 $0xFFFFD800  }
0x62: {  	_ =	swait.ge [sflag:s24], $0x2800  }
0x63: {  	s25 =	sadd.s32 $0x1, s25;
	[sflag:s24] =	ssyncset.done $0x0  }
0x64: {  	p0 =	sne.s32 s25, s11;
	[sflag:s24] =	ssyncadd.s32 $0xFFFFD800  }
.Ltmp1:
0x65: {  	[bflag:$0x0] =	sbarrier.arrive $0xFFFF;
	(pc) =	sbr.rel @p0 .LBB2_1-.Ltmp1, $4  }
0x66: {  	[hbm:s10], [sflag:s6] =	dma.local [spmem:s13], $0x2800  }
0x67: {  	_ =	swait.ge [sflag:s14], $0x2800  }
0x68: {  	[sflag:s14] =	ssyncset.done $0x0  }
0x69: {  	[sflag:s14] =	ssyncadd.s32 $0xFFFFD800  }
0x6a: {  	_ =	sfence.sel $0x180000  }
0x6b: {  	[bflag:$0x0] =	sbarrier.arrive $0xFFFF  }
0x6c: {  	_ =	strace $0x9000004D  }
0x6d: {  	s0 =	stileid.u32;
	[bflag:$0x2] =	sbarrier.arrive $0xFFFF  }
0x6e: {  	p0 =	sne.s32 s0, $0x0;
	s0 =	rddreg [dreg:$0x3]  }
0x6f: {  	s0 =	sadd.s32 @!p0 $0x100000, s0  }
0x70: {  	[sflag:s0] =	ssyncadd.tile.s32 @!p0 $0x1;
	_ =	shalt  }
.Lfunc_end2:
_tile_overlayer_lowered:
.L_overlay_start_2:
0x71: {  	(tag) =	ssettag $0x2  }
0x72: {  	s0 =	rddreg [dreg:$0x0];
	s2 =	stileid.u32  }
0x73: {  	s1 =	rddreg [dreg:$0x1];
	p0 =	sne.s32 s2, $0x0  }
0x74: {  	s3 =	rddreg [dreg:$0x2];
	[bflag:$0x3] =	sbarrier.arrive $0xFFFF;
	s2 =	simm.s32 @!p0 $0x1C0A  }
0x75: {  	[timem:s3], [sflag:s2] =	dma.local @!p0 [hbm:s0], s1  }
0x76: {  	s0 =	simm.s32 @!p0 $0xA  }
0x77: {  	_ =	swait.ge @!p0 [sflag:s0], s1  }
0x78: {  	s1 =	ssub.s32 @!p0 $0x0, s1;
	[sflag:s0] =	ssyncset.done @!p0 $0x0  }
0x79: {  	[sflag:s0] =	ssyncadd.s32 @!p0 s1  }
0x7a: {  	[bflag:$0x3] =	sbarrier.arrive $0xFFFF  }
0x7b: {  	_ =	shalt  }

// kernel: kernel.18.cloned.1.call-start
scs
__scs_entry_jumppad:
0x0: {  	(pc) =	sbr.rel $0x88, $3  }
0x1: {  	(tag) =	ssettag $0x0;
	lr =	simm.s32 $0x1  }
0x2: {  	[smem:$0x3F9A] =	sst lr;
	_ =	strace $0xD0000000  }
0x3: {  	_ = 	snop  }
0x4: {  	_ = 	snop  }
0x5: {  	_ = 	snop  }
0x6: {  	_ = 	snop  }
0x7: {  	_ = 	snop  }
__scs_overlays_trampoline_lowered:
0x8: {  	[smem:$0x3FA9] =	sst s0  }
0x9: {  	[smem:$0x3FAA] =	sst s1  }
0xa: {  	[smem:$0x3FAB] =	sst s2  }
0xb: {  	[smem:$0x3FAC] =	sst s3  }
0xc: {  	[smem:$0x3FAD] =	sst s4  }
0xd: {  	[smem:$0x3FAE] =	sst s5  }
0xe: {  	[smem:$0x3FAF] =	sst s6  }
0xf: {  	[smem:$0x3FB0] =	sst s7  }
0x10: {  	[smem:$0x3FB1] =	sst s8  }
0x11: {  	[smem:$0x3FB2] =	sst s9;
	s0 =	simm.s32 @!p0 $0x0  }
0x12: {  	s1 =	sld [smem:$0x3F98];
	s0 =	simm.s32 @p0 $0x1  }
0x13: {  	[smem:$0x3FB3] =	sst s0;
	s0 =	simm.s32 @!p1 $0x0  }
0x14: {  	s2 =	sld [smem:$0x3F97];
	s0 =	simm.s32 @p1 $0x1  }
0x15: {  	[smem:$0x3FB4] =	sst s0;
	s0 =	simm.s32 @!p2 $0x0  }
0x16: {  	s3 =	sld [smem:$0x3FDB];
	s0 =	simm.s32 @p2 $0x1  }
0x17: {  	s4 =	simm.s32 $0x1BF5;
	[smem:$0x3FB6] =	sst s0  }
0x18: {  	s0 =	sld [smem:$0x3F99];
	_ =	swait.ge [sflag:s4], $0x0  }
0x19: {  	s7 =	sld [smem:$0x3F9A]  }
0x1a: {  	s8 =	sadd.s32 $0xFFFFE003, lr  }
0x1b: {  	s9 =	sadd.s32 $0xFFFFFEF7, lr;
	s5 =	simm.s32 $0xFFFFFFFF;
	p2 =	slt.u32 s8, $0xFFFFF086  }
0x1c: {  	p1 =	slt.u32 s9, $0xF7A;
	s5 =	simm.s32 @!p2 $0x0  }
0x1d: {  	s5 =	simm.s32 @p1 $0x1;
	p0 =	seq.s32 s7, s2  }
0x1e: {  	s7 =	smul.u32 @!p0 $0xF7A, s2;
	p2 =	seq.s32 @!p0 s5, $0x0  }
0x1f: {  	s9 =	smul.u32 $0xF7A, s1;
	s8 =	simm.s32 @!p0 $0x1BF5;
	p2 =	por !p2, p0  }
0x20: {  	[sflag:s8] =	ssyncset.s32 @!p0 $0xFFFFF086;
	s6 =	sadd.s32 @!p0 s3, s7;
	s7 =	simm.s32 @!p0 $0x108  }
0x21: {  	s3 =	sadd.s32 s3, s9;
	s6 =	sadd.s32 @!p0 $0x88, s6;
	s7 =	simm.s32 @p2 $0x1082  }
0x22: {  	[simem:s7], [sflag:s8] =	dma.local @!p0 [hbm:s6], $0xF7A  }
0x23: {  	s9 =	sor.u32 $0xD0000000, s2;
	s6 =	simm.s32 $0x108;
	_ =	swait.ge @!p0 [sflag:s8], $0x0  }
0x24: {  	s3 =	sadd.s32 $0x88, s3;
	s6 =	simm.s32 @!p1 $0x1082;
	[sflag:s4] =	ssyncset.s32 $0xFFFFF086  }
0x25: {  	[simem:s6], [sflag:s4] =	dma.local [hbm:s3], $0xF7A  }
0x26: {  	[smem:$0x3F9A] =	sst s1;
	(tag) =	ssettag s2;
	_ =	strace s9  }
0x27: {  	s1 =	sld [smem:$0x3FAA]  }
0x28: {  	s2 =	sld [smem:$0x3FAB]  }
0x29: {  	s4 =	sld [smem:$0x3FAD]  }
0x2a: {  	p0 =	seq.s32 s5, $0x0;
	s5 =	sld [smem:$0x3FAE]  }
0x2b: {  	s6 =	sld [smem:$0x3FAF]  }
0x2c: {  	s7 =	sld [smem:$0x3FB0]  }
0x2d: {  	s3 =	simm.s32 $0x108;
	s8 =	sld [smem:$0x3FB1]  }
0x2e: {  	s3 =	simm.s32 @!p0 $0x1082;
	s9 =	sld [smem:$0x3FB2]  }
0x2f: {  	lr =	sadd.s32 s0, s3;
	s0 =	sld [smem:$0x3FA9]  }
0x30: {  	s3 =	sld [smem:$0x3FAC]  }
0x31: {  	[smem:$0x3FB5] =	sst s10  }
0x32: {  	s10 =	sld [smem:$0x3FB3];
	_ =	sdelay $0x3  }
0x33: {  	p0 =	seq.s32 s10, $0x1;
	s10 =	sld [smem:$0x3FB5];
	_ =	sdelay $0x3  }
0x34: {  	[smem:$0x3FB5] =	sst s10  }
0x35: {  	s10 =	sld [smem:$0x3FB4];
	_ =	sdelay $0x3  }
0x36: {  	p1 =	seq.s32 s10, $0x1;
	s10 =	sld [smem:$0x3FB5];
	_ =	sdelay $0x3  }
0x37: {  	[smem:$0x3FB5] =	sst s10  }
0x38: {  	s10 =	sld [smem:$0x3FB6]  }
0x39: {  	_ = 	snop;
	(pc) =	sbr.ind lr, $3  }
0x3a: {  	_ = 	snop  }
0x3b: {  	_ = 	snop  }
0x3c: {  	p2 =	seq.s32 s10, $0x1;
	s10 =	sld [smem:$0x3FB5]  }
0x3d: {  	_ =	shalt  }
0x3e: {  	_ =	shalt  }
0x3f: {  	_ =	shalt  }
0x40: {  	_ =	shalt  }
0x41: {  	_ =	shalt  }
0x42: {  	_ =	shalt  }
0x43: {  	_ =	shalt  }
0x44: {  	_ =	shalt  }
0x45: {  	_ =	shalt  }
0x46: {  	_ =	shalt  }
0x47: {  	_ =	shalt  }
0x48: {  	_ =	shalt  }
0x49: {  	_ =	shalt  }
0x4a: {  	_ =	shalt  }
0x4b: {  	_ =	shalt  }
0x4c: {  	_ =	shalt  }
0x4d: {  	_ =	shalt  }
0x4e: {  	_ =	shalt  }
0x4f: {  	_ =	shalt  }
0x50: {  	_ =	shalt  }
0x51: {  	_ =	shalt  }
0x52: {  	_ =	shalt  }
0x53: {  	_ =	shalt  }
0x54: {  	_ =	shalt  }
0x55: {  	_ =	shalt  }
0x56: {  	_ =	shalt  }
0x57: {  	_ =	shalt  }
0x58: {  	_ =	shalt  }
0x59: {  	_ =	shalt  }
0x5a: {  	_ =	shalt  }
0x5b: {  	_ =	shalt  }
0x5c: {  	_ =	shalt  }
0x5d: {  	_ =	shalt  }
0x5e: {  	_ =	shalt  }
0x5f: {  	_ =	shalt  }
0x60: {  	_ =	shalt  }
0x61: {  	_ =	shalt  }
0x62: {  	_ =	shalt  }
0x63: {  	_ =	shalt  }
0x64: {  	_ =	shalt  }
0x65: {  	_ =	shalt  }
0x66: {  	_ =	shalt  }
0x67: {  	_ =	shalt  }
0x68: {  	_ =	shalt  }
0x69: {  	_ =	shalt  }
0x6a: {  	_ =	shalt  }
0x6b: {  	_ =	shalt  }
0x6c: {  	_ =	shalt  }
0x6d: {  	_ =	shalt  }
0x6e: {  	_ =	shalt  }
0x6f: {  	_ =	shalt  }
0x70: {  	_ =	shalt  }
0x71: {  	_ =	shalt  }
0x72: {  	_ =	shalt  }
0x73: {  	_ =	shalt  }
0x74: {  	_ =	shalt  }
0x75: {  	_ =	shalt  }
0x76: {  	_ =	shalt  }
0x77: {  	_ =	shalt  }
0x78: {  	_ =	shalt  }
0x79: {  	_ =	shalt  }
0x7a: {  	_ =	shalt  }
0x7b: {  	_ =	shalt  }
0x7c: {  	_ =	shalt  }
0x7d: {  	_ =	shalt  }
0x7e: {  	_ =	shalt  }
0x7f: {  	_ =	shalt  }
0x80: {  	_ =	shalt  }
0x81: {  	_ =	shalt  }
0x82: {  	_ =	shalt  }
0x83: {  	_ =	shalt  }
0x84: {  	_ =	shalt  }
0x85: {  	_ =	shalt  }
0x86: {  	_ =	shalt  }
0x87: {  	_ =	shalt  }
.Lfunc_end0:
.L_simem_size_0:
called_computation.3_lowered:
.L_overlay_start_0:
0x88: {  	s2 =	sld [smem:$0x3FD9]  }
0x89: {  	s3 =	sld [smem:$0x3FFE];
	_ =	sdelay $0x1  }
0x8a: {  	s1 =	srdreg.scid  }
0x8b: {  	s0 =	sand.u32 $0x1, s1  }
0x8c: {  	s17 =	sshll.u32 s0, $0xA;
	s2 =	sadd.s32 s3, s2  }
0x8d: {  	s2 =	sadd.s32 s2, s17  }
0x8e: {  	[smem:$0x3FC1] =	sst s2  }
0x8f: {  	_ = 	snop  }
0x90: {  	s2 =	sld [smem:$0x3FD0];
	(tm) =	ssettm $0x1  }
0x91: {  	s18 =	sld [smem:$0x3FFB];
	_ =	sdelay $0x3  }
0x92: {  	_ =	strace s18  }
0x93: {  	s3 =	sld [smem:$0x3FFC];
	_ =	sdelay $0x3  }
0x94: {  	_ =	strace s3  }
0x95: {  	s3 =	sld [smem:$0x3FFD];
	_ =	sdelay $0x3  }
0x96: {  	_ =	strace s3  }
0x97: {  	_ =	strace $0x8FFFFFFF  }
0x98: {  	s19 =	sld [smem:$0x3FDB];
	_ =	sdelay $0x1  }
0x99: {  	s4 =	simm.s32 $_scs_section_size  }
0x9a: {  	s5 =	simm.s32 $_size__tile_overlayer_lowered;
	s6 =	simm.s32 $_tile_overlayer_lowered  }
0x9b: {  	s22 =	simm.s32 $0x1BFF;
	s21 =	sshll.u32 s6, $0x1;
	s3 =	sadd.s32 s4, s19  }
0x9c: {  	s7 =	simm.s32 $0x0;
	s20 =	sshll.u32 s5, $0x1;
	s5 =	sadd.s32 s21, s3  }
0x9d: {  	[timem:s7], [sflag:s22] =	dma.local [hbm:s5], s20  }
0x9e: {  	_ =	swait.ge [sflag:s22], s20  }
0x9f: {  	s4 =	ssub.s32 $0x0, s20;
	[sflag:s22] =	ssyncset.done $0x0  }
0xa0: {  	[sflag:s22] =	ssyncadd.s32 s4;
	_ =	sdelay $0x1  }
0xa1: {  	s23 =	simm.s32 $0x1B8B  }
0xa2: {  	_ =	swait.ge [sflag:s23], $0x1  }
0xa3: {  	[sflag:s23] =	ssyncset.done $0x0  }
0xa4: {  	s25 =	simm.s32 $0x1B8E;
	s24 =	sld [smem:$0x3FFE];
	[sflag:s23] =	ssyncadd.s32 $0xFFFFFFFF  }
0xa5: {  	s26 =	simm.s32 $execute0_lowered;
	[smem:$0x3FD2] =	sst s25  }
0xa6: {  	s5 =	sshll.u32 s26, $0x1;
	_ =	strace $0x8000004F;
	[dreg:$0x1] =	wrdreg $0xFFFFFFFF  }
0xa7: {  	s28 =	simm.s32 $_size_execute0_lowered;
	s3 =	sadd.s32 s3, s5;
	[dreg:$0x0] =	wrdreg $0x0  }
0xa8: {  	s5 =	sshll.u32 s28, $0x1;
	[dreg:$0x2] =	wrdreg s3  }
0xa9: {  	[dreg:$0x3] =	wrdreg s5  }
0xaa: {  	[dreg:$0x4] =	wrdreg $0xC0  }
0xab: {  	_ =	task [dreg:s7], $0x5FFFF  }
0xac: {  	[dreg:$0x1] =	wrdreg $0xFFFFFFFF  }
0xad: {  	[dreg:$0x0] =	wrdreg $0x60  }
0xae: {  	[dreg:$0x2] =	wrdreg s24  }
0xaf: {  	[dreg:$0x3] =	wrdreg s2  }
0xb0: {  	[dreg:$0x4] =	wrdreg $0x9  }
0xb1: {  	_ =	task.clear_ibuf [dreg:s7], $0x5FFFF;
	_ =	strace $0x9000004F  }
0xb2: {  	s29 =	simm.s32 $0x9;
	_ =	strace $0x80000051  }
0xb3: {  	_ =	swait.ge [sflag:s29], $0x1  }
0xb4: {  	[sflag:s29] =	ssyncadd.s32 $0xFFFFFFFF  }
0xb5: {  	_ =	strace $0x90000051  }
0xb6: {  	_ =	sfence  }
0xb7: {  	s30 =	sld [smem:$0x0];
	_ =	sdelay $0x2  }
0xb8: {  	s31 =	sshll.u32 s1, $0xD;
	s1 =	sshrl.u32 s1, $0x2  }
0xb9: {  	s3 =	sand.u32 $0x4000, s31;
	s1 =	sadd.s32 s1, s30  }
0xba: {  	s0 =	sor.u32 s3, s0;
	s1 =	sshll.u32 s1, $0x11  }
0xbb: {  	s0 =	sor.u32 s1, s0  }
0xbc: {  	s0 =	sadd.s32 $0x8F2B, s0  }
0xbd: {  	[sflag:s0] =	ssyncadd.remote.s32 $0x1  }
0xbe: {  	_ =	sfence.sel $0xFFFF  }
0xbf: {  	[dreg:$0x0] =	wrdreg $0xFFFFFFFF;
	(pc) =	sbr.abs _section_cstart, $3  }
0xc0: {  	[dreg:$0x1] =	wrdreg $0xFFFFFFFF  }
0xc1: {  	_ =	task.clear_ibuf [dreg:s7], $0x2FFFF;
	_ =	strace $0x9FFFFFFF  }
0xc2: {  	(tm) =	ssettm $0x7FFFFFFF  }
0xc3: {  	_ =	shalt  }
tec
execute0_lowered:
.L_overlay_start_1:
0x0: {  	(tag) =	ssettag $0x1  }
0x1: {  	s5 =	rddreg [dreg:$0x0]  }
0x2: {  	s0 =	srdreg.scid;
	s7 =	rddreg [dreg:$0x1]  }
0x3: {  	s1 =	rddreg [dreg:$0x2];
	s3 =	sand.u32 $0x1, s0  }
0x4: {  	s0 =	stileid.u32;
	s4 =	smul.u32 $0x4E200, s3  }
0x5: {  	s2 =	simm.s32 $0x0;
	s10 =	simm.s32 $0x50;
	s6 =	smul.u32 $0x4E20, s0  }
0x6: {  	s11 =	simm.s32 $0x1;
	s12 =	simm.s32 $0xEB80;
	s13 =	simm.s32 $0x0  }
0x7: {  	[smem:$0x7FF] =	sst s2;
	s31 =	ssub.s32 $0x2, s3;
	s4 =	sadd.s32 s6, s4  }
0x8: {  	_ =	strace $0x80000050;
	s9 =	sshrl.u32 s31, $0x1;
	s6 =	sshrl.u32 s4, $0x3  }
0x9: {  	s3 =	sadd.s32 $0xB5000, s5;
	s9 =	ssub.s32 s31, s9;
	s8 =	sadd.s32 s6, s5  }
0xa: {  	s6 =	sadd.s32 s7, s6;
	s7 =	smax.u32 s9, $0x1;
	s9 =	simm.s32 $0x4E80  }
0xb: {  	s4 =	sadd.s32 $0x8DC00, s8;
	s5 =	sadd.s32 $0xA1600, s8;
	s8 =	simm.s32 $0x2  }
.LBB2_1:
0xc: {  	[tilespmem:s2], [sflag:$0x2] =	stream.linear.gather [hbm4b:s4+s2], $0x4E20, $0x38;
	[tilespmem:$0x13A00] =	vst v63  }
0xd: {  	_ =	swait.ge [sflag:s8], $0x4E20  }
0xe: {  	[sflag:s8] =	ssyncset.done $0x0  }
0xf: {  	[sflag:s8] =	ssyncadd.s32 $0xFFFFB1E0  }
0x10: {  	[tilespmem:s9], [sflag:$0x2] =	stream.linear.gather [hbm4b:s5+s2], $0x4E20, $0x38;
	[tilespmem:$0x13A00] =	vst v63  }
0x11: {  	_ =	swait.ge [sflag:s8], $0x4E20  }
0x12: {  	[sflag:s8] =	ssyncset.done $0x0  }
0x13: {  	s15 =	simm.s32 $0x0;
	[sflag:s8] =	ssyncadd.s32 $0xFFFFB1E0  }
0x14: {  	v5 =	vld [tilespmem:s15+$0x4EC0]  }
0x15: {  	v3 =	vld [tilespmem:s15+$0x4E80]  }
0x16: {  	v4 =	vld [tilespmem:s15+$0x40]  }
0x17: {  	v2 =	vld [tilespmem:s15+$0x4E90];
	_ =	sdelay $0x1  }
0x18: {  	v1 =	vld [tilespmem:s15+$0x4EA0]  }
0x19: {  	v0 =	vld [tilespmem:s15+$0x4EB0];
	v7 =	vshrl.u32 v5, $0x8  }
0x1a: {  	v6 =	vld [tilespmem:s15+$0x0];
	v8 =	vshrl.u32 v3, $0x8;
	v9 =	vmul.u32 $0x140000, v7  }
0x1b: {  	v3 =	vand.u32 $0x7F, v3;
	v10 =	vshll.u32 v4, $0x7;
	v11 =	vshrl.u32 v2, $0x8;
	v7 =	vld [tilespmem:s15+$0x10]  }
0x1c: {  	v4 =	vld [tilespmem:s15+$0x20];
	v12 =	vand.u32 $0x7F, v5;
	v8 =	vmul.u32 $0x140000, v8;
	v13 =	vadd.s32 v10, v9  }
0x1d: {  	s14 =	simm.s32 $0x50;
	s16 =	simm.s32 $0x280;
	v5 =	vld [tilespmem:s15+$0x30];
	v9 =	vmul.u32 $0x140000, v11;
	v10 =	vshrl.u32 v1, $0x8;
	v11 =	vor.u32 v12, v13  }
.LBB2_2:
0x1e: {  	p0 =	sne.s32 s16, $0x13740;
	v12 =	vld [tilespmem:s14+$0x4EC0];
	v13 =	vand.u32 $0x7F, v2;
	v10 =	vmul.u32 $0x140000, v10;
	v2 =	vshrl.u32 v0, $0x8;
	[tilespmem:s15+$0x9D40] =	vst v11  }
0x1f: {  	v14 =	vand.u32 $0x7F, v1;
	v11 =	vld [tilespmem:s14+$0x4E80];
	v6 =	vshll.u32 v6, $0x7;
	v15 =	vmul.u32 $0x140000, v2  }
0x20: {  	v17 =	vand.u32 $0x7F, v0;
	v16 =	vld [tilespmem:s14+$0x40];
	v1 =	vadd.s32 v6, v8;
	v6 =	vshll.u32 v7, $0x7  }
0x21: {  	v2 =	vld [tilespmem:s14+$0x4E90];
	v0 =	vor.u32 v3, v1;
	v3 =	vadd.s32 v6, v9;
	v4 =	vshll.u32 v4, $0x7  }
0x22: {  	v1 =	vld [tilespmem:s14+$0x4EA0];
	[tilespmem:s15+$0x9D00] =	vst v0;
	v3 =	vor.u32 v13, v3;
	v4 =	vadd.s32 v4, v10;
	v5 =	vshll.u32 v5, $0x7  }
.Ltmp0:
0x23: {  	v0 =	vld [tilespmem:s14+$0x4EB0];
	v7 =	vshrl.u32 v12, $0x8;
	[tilespmem:s15+$0x9D10] =	vst v3;
	v4 =	vor.u32 v14, v4;
	v5 =	vadd.s32 v5, v15;
	(pc) =	sbr.rel @p0 .LBB2_2-.Ltmp0, $4  }
0x24: {  	v6 =	vld [tilespmem:s14+$0x0];
	v8 =	vshrl.u32 v11, $0x8;
	v3 =	vand.u32 $0x7F, v11;
	v9 =	vmul.u32 $0x140000, v7;
	[tilespmem:s15+$0x9D20] =	vst v4  }
0x25: {  	v5 =	vor.u32 v17, v5;
	v8 =	vmul.u32 $0x140000, v8;
	v7 =	vld [tilespmem:s14+$0x10];
	v10 =	vshll.u32 v16, $0x7  }
0x26: {  	v12 =	vand.u32 $0x7F, v12;
	v11 =	vshrl.u32 v2, $0x8;
	v4 =	vld [tilespmem:s14+$0x20];
	v13 =	vadd.s32 v10, v9;
	[tilespmem:s15+$0x9D30] =	vst v5;
	s15 =	smov.u32 s14  }
0x27: {  	s14 =	sshra.s32 s16, $0x2;
	s16 =	sadd.s32 $0x140, s16;
	v9 =	vmul.u32 $0x140000, v11;
	v10 =	vshrl.u32 v1, $0x8;
	v5 =	vld [tilespmem:s15+$0x30];
	v11 =	vor.u32 v12, v13  }
0x28: {  	v12 =	vld [tilespmem:s14+$0x4EC0];
	[tilespmem:s15+$0x9D40] =	vst v11  }
0x29: {  	v2 =	vand.u32 $0x7F, v2;
	v10 =	vmul.u32 $0x140000, v10;
	v11 =	vld [tilespmem:s14+$0x4E80]  }
0x2a: {  	v38 =	vshrl.u32 v0, $0x8;
	v1 =	vand.u32 $0x7F, v1;
	v6 =	vshll.u32 v6, $0x7;
	v13 =	vld [tilespmem:s14+$0x40]  }
0x2b: {  	v41 =	vand.u32 $0x7F, v0;
	v34 =	vld [tilespmem:s14+$0x4E90];
	v6 =	vadd.s32 v6, v8;
	v7 =	vshll.u32 v7, $0x7  }
0x2c: {  	v35 =	vld [tilespmem:s14+$0x4EA0];
	v3 =	vor.u32 v3, v6;
	v7 =	vadd.s32 v7, v9;
	v36 =	vshll.u32 v4, $0x7  }
0x2d: {  	v39 =	vmul.u32 $0x140000, v38;
	[tilespmem:s15+$0x9D00] =	vst v3;
	v2 =	vor.u32 v2, v7;
	v3 =	vadd.s32 v36, v10  }
0x2e: {  	v5 =	vshll.u32 v5, $0x7;
	v37 =	vld [tilespmem:s14+$0x4EB0];
	[tilespmem:s15+$0x9D10] =	vst v2;
	v1 =	vor.u32 v1, v3;
	v42 =	vshrl.u32 v12, $0x8  }
0x2f: {  	v43 =	vadd.s32 v5, v39;
	v12 =	vand.u32 $0x7F, v12;
	v40 =	vld [tilespmem:s14+$0x0];
	[tilespmem:s15+$0x9D20] =	vst v1;
	v44 =	vshrl.u32 v11, $0x8  }
0x30: {  	v45 =	vand.u32 $0x7F, v11;
	v7 =	vmul.u32 $0x140000, v42;
	v0 =	vor.u32 v41, v43;
	v46 =	vld [tilespmem:s14+$0x10]  }
0x31: {  	v48 =	vshll.u32 v13, $0x7;
	v49 =	vshrl.u32 v34, $0x8;
	v52 =	vshrl.u32 v35, $0x8;
	v47 =	vld [tilespmem:s14+$0x20];
	[tilespmem:s15+$0x9D30] =	vst v0  }
0x32: {  	v8 =	vand.u32 $0x7F, v34;
	v6 =	vand.u32 $0x7F, v35;
	v2 =	vmul.u32 $0x140000, v44;
	v53 =	vld [tilespmem:s14+$0x30]  }
0x33: {  	v51 =	vmul.u32 $0x140000, v49;
	v10 =	vmul.u32 $0x140000, v52;
	v50 =	vadd.s32 v48, v7  }
0x34: {  	v0 =	vor.u32 v12, v50;
	v54 =	vshrl.u32 v37, $0x8;
	v3 =	vshll.u32 v40, $0x7  }
0x35: {  	v12 =	vmul.u32 $0x140000, v54;
	v2 =	vadd.s32 v3, v2;
	v55 =	vshll.u32 v46, $0x7  }
0x36: {  	[tilespmem:s14+$0x9D40] =	vst v0;
	v1 =	vshll.u32 v47, $0x7;
	v56 =	vor.u32 v45, v2;
	v57 =	vadd.s32 v55, v51  }
0x37: {  	v1 =	vadd.s32 v1, v10;
	v59 =	vshll.u32 v53, $0x7;
	[tilespmem:s14+$0x9D00] =	vst v56;
	v58 =	vor.u32 v8, v57  }
0x38: {  	v60 =	vand.u32 $0x7F, v37;
	v61 =	vor.u32 v6, v1;
	v62 =	vadd.s32 v59, v12;
	[tilespmem:s14+$0x9D10] =	vst v58  }
0x39: {  	p0 =	por $0x1, $0x1;
	[tilespmem:s14+$0x9D20] =	vst v61;
	v63 =	vor.u32 v60, v62  }
0x3a: {  	s31 =	simm.s32 $0xEB80;
	s17 =	simm.s32 @!p0 $0x1;
	[tilespmem:s14+$0x9D30] =	vst v63;
	s14 =	simm.s32 $0x9D00  }
0x3b: {  	[tilespmem:s31], [sflag:$0x1] =	stream.indirect.gather [hbm4b:s3+s10], $0x1, s14, s10, $0xb8;
	[tilespmem:$0x13A00] =	vst v63  }
0x3c: {  	_ =	swait.ge @!p0 [sflag:s17], $0x50  }
0x3d: {  	s16 =	simm.s32 $0xEBD0;
	s15 =	simm.s32 $0x1;
	[sflag:s17] =	ssyncset.done @!p0 $0x0  }
.LBB2_4:
0x3e: {  	[sflag:s17] =	ssyncadd.s32 @!p0 $0xFFFFFFB0  }
0x3f: {  	s14 =	sadd.s32 $0x50, s14;
	s17 =	smov.u32 s15;
	s15 =	sadd.s32 $0x1, s15  }
0x40: {  	p1 =	sne.s32 s15, $0xFA  }
0x41: {  	[tilespmem:s16], [sflag:$0x1] =	stream.indirect.gather [hbm4b:s3+s10], $0x1, s14, s10, $0xb8;
	[tilespmem:$0x13A00] =	vst v63  }
.Ltmp1:
0x42: {  	_ = 	snop;
	(pc) =	sbr.rel @p1 .LBB2_4-.Ltmp1, $4  }
0x43: {  	p0 =	slt.u32 s17, $0x18  }
0x44: {  	s17 =	simm.s32 @!p0 $0x1  }
0x45: {  	_ =	swait.ge @!p0 [sflag:s17], $0x50  }
0x46: {  	s16 =	sadd.s32 $0x50, s16;
	[sflag:s17] =	ssyncset.done @!p0 $0x0  }
0x47: {  	[sflag:s17] =	ssyncadd.s32 @!p0 $0xFFFFFFB0  }
0x48: {  	_ =	swait.ge [sflag:s11], $0x50  }
0x49: {  	[sflag:s11] =	ssyncset.done $0x0  }
0x4a: {  	[sflag:s11] =	ssyncadd.s32 $0xFFFFFFB0  }
0x4b: {  	_ =	swait.ge [sflag:s11], $0x50  }
0x4c: {  	[sflag:s11] =	ssyncset.done $0x0  }
0x4d: {  	[sflag:s11] =	ssyncadd.s32 $0xFFFFFFB0  }
0x4e: {  	_ =	swait.ge [sflag:s11], $0x50  }
0x4f: {  	[sflag:s11] =	ssyncset.done $0x0  }
0x50: {  	[sflag:s11] =	ssyncadd.s32 $0xFFFFFFB0  }
0x51: {  	_ =	swait.ge [sflag:s11], $0x50  }
0x52: {  	[sflag:s11] =	ssyncset.done $0x0  }
0x53: {  	[sflag:s11] =	ssyncadd.s32 $0xFFFFFFB0  }
0x54: {  	_ =	swait.ge [sflag:s11], $0x50  }
0x55: {  	[sflag:s11] =	ssyncset.done $0x0  }
0x56: {  	[sflag:s11] =	ssyncadd.s32 $0xFFFFFFB0  }
0x57: {  	_ =	swait.ge [sflag:s11], $0x50  }
0x58: {  	[sflag:s11] =	ssyncset.done $0x0  }
0x59: {  	[sflag:s11] =	ssyncadd.s32 $0xFFFFFFB0  }
0x5a: {  	_ =	swait.ge [sflag:s11], $0x50  }
0x5b: {  	[sflag:s11] =	ssyncset.done $0x0  }
0x5c: {  	[sflag:s11] =	ssyncadd.s32 $0xFFFFFFB0  }
0x5d: {  	_ =	swait.ge [sflag:s11], $0x50  }
0x5e: {  	[sflag:s11] =	ssyncset.done $0x0  }
0x5f: {  	[sflag:s11] =	ssyncadd.s32 $0xFFFFFFB0  }
0x60: {  	_ =	swait.ge [sflag:s11], $0x50  }
0x61: {  	[sflag:s11] =	ssyncset.done $0x0  }
0x62: {  	[sflag:s11] =	ssyncadd.s32 $0xFFFFFFB0  }
0x63: {  	_ =	swait.ge [sflag:s11], $0x50  }
0x64: {  	[sflag:s11] =	ssyncset.done $0x0  }
0x65: {  	[sflag:s11] =	ssyncadd.s32 $0xFFFFFFB0  }
0x66: {  	_ =	swait.ge [sflag:s11], $0x50  }
0x67: {  	[sflag:s11] =	ssyncset.done $0x0  }
0x68: {  	[sflag:s11] =	ssyncadd.s32 $0xFFFFFFB0  }
0x69: {  	_ =	swait.ge [sflag:s11], $0x50  }
0x6a: {  	[sflag:s11] =	ssyncset.done $0x0  }
0x6b: {  	[sflag:s11] =	ssyncadd.s32 $0xFFFFFFB0  }
0x6c: {  	_ =	swait.ge [sflag:s11], $0x50  }
0x6d: {  	[sflag:s11] =	ssyncset.done $0x0  }
0x6e: {  	[sflag:s11] =	ssyncadd.s32 $0xFFFFFFB0  }
0x6f: {  	_ =	swait.ge [sflag:s11], $0x50  }
0x70: {  	[sflag:s11] =	ssyncset.done $0x0  }
0x71: {  	[sflag:s11] =	ssyncadd.s32 $0xFFFFFFB0  }
0x72: {  	_ =	swait.ge [sflag:s11], $0x50  }
0x73: {  	[sflag:s11] =	ssyncset.done $0x0  }
0x74: {  	[sflag:s11] =	ssyncadd.s32 $0xFFFFFFB0  }
0x75: {  	_ =	swait.ge [sflag:s11], $0x50  }
0x76: {  	[sflag:s11] =	ssyncset.done $0x0  }
0x77: {  	[sflag:s11] =	ssyncadd.s32 $0xFFFFFFB0  }
0x78: {  	_ =	swait.ge [sflag:s11], $0x50  }
0x79: {  	[sflag:s11] =	ssyncset.done $0x0  }
0x7a: {  	[sflag:s11] =	ssyncadd.s32 $0xFFFFFFB0  }
0x7b: {  	_ =	swait.ge [sflag:s11], $0x50  }
0x7c: {  	[sflag:s11] =	ssyncset.done $0x0  }
0x7d: {  	[sflag:s11] =	ssyncadd.s32 $0xFFFFFFB0  }
0x7e: {  	_ =	swait.ge [sflag:s11], $0x50  }
0x7f: {  	[sflag:s11] =	ssyncset.done $0x0  }
0x80: {  	[sflag:s11] =	ssyncadd.s32 $0xFFFFFFB0  }
0x81: {  	_ =	swait.ge [sflag:s11], $0x50  }
0x82: {  	[sflag:s11] =	ssyncset.done $0x0  }
0x83: {  	[sflag:s11] =	ssyncadd.s32 $0xFFFFFFB0  }
0x84: {  	_ =	swait.ge [sflag:s11], $0x50  }
0x85: {  	[sflag:s11] =	ssyncset.done $0x0  }
0x86: {  	[sflag:s11] =	ssyncadd.s32 $0xFFFFFFB0  }
0x87: {  	_ =	swait.ge [sflag:s11], $0x50  }
0x88: {  	[sflag:s11] =	ssyncset.done $0x0  }
0x89: {  	[sflag:s11] =	ssyncadd.s32 $0xFFFFFFB0  }
0x8a: {  	_ =	swait.ge [sflag:s11], $0x50  }
0x8b: {  	[sflag:s11] =	ssyncset.done $0x0  }
0x8c: {  	[sflag:s11] =	ssyncadd.s32 $0xFFFFFFB0  }
0x8d: {  	_ =	swait.ge [sflag:s11], $0x50  }
0x8e: {  	[sflag:s11] =	ssyncset.done $0x0  }
0x8f: {  	s14 =	simm.s32 $0x0;
	[sflag:s11] =	ssyncadd.s32 $0xFFFFFFB0  }
0x90: {  	v1 =	vld [tilespmem:s14+$0x4EC0]  }
0x91: {  	v2 =	vld [tilespmem:s14+$0x4E90]  }
0x92: {  	v8 =	vld [tilespmem:s14+$0xEBC0]  }
0x93: {  	v3 =	vld [tilespmem:s14+$0xEB90]  }
0x94: {  	v0 =	vld [tilespmem:s14+$0x4EA0]  }
0x95: {  	v4 =	vld [tilespmem:s14+$0x4EB0]  }
0x96: {  	v5 =	vld [tilespmem:s14+$0x4E80];
	v6 =	vand.u32 $0x80, v1  }
0x97: {  	v7 =	vand.u32 $0x80, v2;
	v1 =	vld [tilespmem:s14+$0xEBA0];
	vm0 =	veq.s32 v6, $0x0;
	v6 =	vand.u32 $0xFFFF0000, v8  }
0x98: {  	s15 =	simm.s32 $0x140;
	v2 =	vld [tilespmem:s14+$0xEB80];
	vm1 =	veq.s32 v7, $0x0;
	v7 =	vand.u32 $0xFFFF0000, v3;
	v8 =	vshll.u32 v8, $0x10  }
.LBB2_6:
0x99: {  	s16 =	sshra.s32 s15, $0x2;
	p0 =	sne.s32 s15, $0x13740;
	s15 =	sadd.s32 $0x140, s15;
	v3 =	vshll.u32 v3, $0x10;
	v9 =	vld [tilespmem:s14+$0xEBB0]  }
0x9a: {  	v6 =	vsel vm0, v8, v6;
	v10 =	vld [tilespmem:s16+$0x4EC0];
	v4 =	vand.u32 $0x80, v4  }
0x9b: {  	v3 =	vsel vm1, v3, v7;
	v8 =	vld [tilespmem:s16+$0x4E90];
	v5 =	vand.u32 $0x80, v5;
	vm0 =	veq.s32 v4, $0x0;
	[tilespmem:s14+$0xEBC0] =	vst v6  }
0x9c: {  	v0 =	vand.u32 $0x80, v0;
	v11 =	vld [tilespmem:s16+$0xEBC0];
	vm1 =	veq.s32 v5, $0x0;
	[tilespmem:s14+$0xEB90] =	vst v3  }
0x9d: {  	vm2 =	veq.s32 v0, $0x0;
	v5 =	vand.u32 $0xFFFF0000, v1;
	v3 =	vld [tilespmem:s16+$0xEB90]  }
.Ltmp2:
0x9e: {  	v1 =	vshll.u32 v1, $0x10;
	v0 =	vld [tilespmem:s16+$0x4EA0];
	v6 =	vand.u32 $0xFFFF0000, v9;
	v7 =	vshll.u32 v9, $0x10;
	(pc) =	sbr.rel @p0 .LBB2_6-.Ltmp2, $4  }
0x9f: {  	v1 =	vsel vm2, v1, v5;
	v9 =	vand.u32 $0xFFFF0000, v2;
	v2 =	vshll.u32 v2, $0x10;
	v4 =	vld [tilespmem:s16+$0x4EB0]  }
0xa0: {  	v10 =	vand.u32 $0x80, v10;
	v2 =	vsel vm1, v2, v9;
	v9 =	vsel vm0, v7, v6;
	v5 =	vld [tilespmem:s16+$0x4E80];
	[tilespmem:s14+$0xEBA0] =	vst v1  }
0xa1: {  	v7 =	vand.u32 $0x80, v8;
	vm0 =	veq.s32 v10, $0x0;
	v1 =	vld [tilespmem:s16+$0xEBA0];
	v6 =	vand.u32 $0xFFFF0000, v11;
	[tilespmem:s14+$0xEB80] =	vst v2  }
0xa2: {  	vm1 =	veq.s32 v7, $0x0;
	v8 =	vshll.u32 v11, $0x10;
	v2 =	vld [tilespmem:s16+$0xEB80];
	v7 =	vand.u32 $0xFFFF0000, v3;
	[tilespmem:s14+$0xEBB0] =	vst v9;
	s14 =	smov.u32 s16  }
0xa3: {  	v3 =	vshll.u32 v3, $0x10;
	v9 =	vld [tilespmem:s14+$0xEBB0];
	v6 =	vsel vm0, v8, v6  }
0xa4: {  	v0 =	vand.u32 $0x80, v0;
	v4 =	vand.u32 $0x80, v4;
	v3 =	vsel vm1, v3, v7  }
0xa5: {  	vm2 =	veq.s32 v0, $0x0;
	v5 =	vand.u32 $0x80, v5;
	vm14 =	veq.s32 v4, $0x0  }
0xa6: {  	[tilespmem:s14+$0xEBC0] =	vst v6;
	vm15 =	veq.s32 v5, $0x0;
	v57 =	vand.u32 $0xFFFF0000, v1;
	v58 =	vshll.u32 v1, $0x10  }
0xa7: {  	[tilespmem:s14+$0xEB90] =	vst v3;
	v59 =	vand.u32 $0xFFFF0000, v2;
	v60 =	vshll.u32 v2, $0x10;
	v0 =	vsel vm2, v58, v57  }
0xa8: {  	s13 =	sadd.s32 $0x1, s13;
	v61 =	vand.u32 $0xFFFF0000, v9;
	v62 =	vshll.u32 v9, $0x10;
	v2 =	vsel vm15, v60, v59;
	[tilespmem:s14+$0xEBA0] =	vst v0  }
0xa9: {  	p0 =	sne.s32 s13, s7;
	v63 =	vsel vm14, v62, v61;
	[tilespmem:s14+$0xEB80] =	vst v2  }
.Ltmp3:
0xaa: {  	[tilespmem:s14+$0xEBB0] =	vst v63;
	(pc) =	sbr.rel @p0 .LBB2_1-.Ltmp3, $4  }
0xab: {  	[hbm4b:s6+s2] =	stream.linear.scatter [tilespmem:s12], [sflag:$0x2], $0x4E20, $0x38;
	[tilespmem:$0x13A00] =	vst v63  }
0xac: {  	_ =	swait.ge [sflag:s8], $0x4E20  }
0xad: {  	[sflag:s8] =	ssyncset.done $0x0  }
0xae: {  	[sflag:s8] =	ssyncadd.s32 $0xFFFFB1E0  }
0xaf: {  	_ =	sfence.sel $0x180000  }
0xb0: {  	[bflag:$0x0] =	sbarrier.arrive $0xFFFF  }
0xb1: {  	p0 =	sne.s32 s0, $0x0;
	_ =	strace $0x90000050  }
0xb2: {  	s0 =	sadd.s32 @!p0 $0x100000, s1;
	[bflag:$0x2] =	sbarrier.arrive $0xFFFF  }
0xb3: {  	[sflag:s0] =	ssyncadd.tile.s32 @!p0 $0x1;
	_ =	shalt  }
.Lfunc_end2:
_tile_overlayer_lowered:
.L_overlay_start_2:
0xb4: {  	(tag) =	ssettag $0x2  }
0xb5: {  	s0 =	rddreg [dreg:$0x0];
	s2 =	stileid.u32  }
0xb6: {  	s1 =	rddreg [dreg:$0x1];
	p0 =	sne.s32 s2, $0x0  }
0xb7: {  	s3 =	rddreg [dreg:$0x2];
	[bflag:$0x3] =	sbarrier.arrive $0xFFFF;
	s2 =	simm.s32 @!p0 $0x1C02  }
0xb8: {  	[timem:s3], [sflag:s2] =	dma.local @!p0 [hbm:s0], s1  }
0xb9: {  	s0 =	simm.s32 @!p0 $0x2  }
0xba: {  	_ =	swait.ge @!p0 [sflag:s0], s1  }
0xbb: {  	s1 =	ssub.s32 @!p0 $0x0, s1;
	[sflag:s0] =	ssyncset.done @!p0 $0x0  }
0xbc: {  	[sflag:s0] =	ssyncadd.s32 @!p0 s1  }
0xbd: {  	[bflag:$0x3] =	sbarrier.arrive $0xFFFF  }
0xbe: {  	_ =	shalt  }

// kernel: kernel.9.cloned.1.call-start
scs
__scs_entry_jumppad:
0x0: {  	(pc) =	sbr.rel $0x88, $3  }
0x1: {  	(tag) =	ssettag $0x0;
	lr =	simm.s32 $0x1  }
0x2: {  	[smem:$0x3F9A] =	sst lr;
	_ =	strace $0xD0000000  }
0x3: {  	_ = 	snop  }
0x4: {  	_ = 	snop  }
0x5: {  	_ = 	snop  }
0x6: {  	_ = 	snop  }
0x7: {  	_ = 	snop  }
__scs_overlays_trampoline_lowered:
0x8: {  	[smem:$0x3FA9] =	sst s0  }
0x9: {  	[smem:$0x3FAA] =	sst s1  }
0xa: {  	[smem:$0x3FAB] =	sst s2  }
0xb: {  	[smem:$0x3FAC] =	sst s3  }
0xc: {  	[smem:$0x3FAD] =	sst s4  }
0xd: {  	[smem:$0x3FAE] =	sst s5  }
0xe: {  	[smem:$0x3FAF] =	sst s6  }
0xf: {  	[smem:$0x3FB0] =	sst s7  }
0x10: {  	[smem:$0x3FB1] =	sst s8  }
0x11: {  	[smem:$0x3FB2] =	sst s9;
	s0 =	simm.s32 @!p0 $0x0  }
0x12: {  	s1 =	sld [smem:$0x3F98];
	s0 =	simm.s32 @p0 $0x1  }
0x13: {  	[smem:$0x3FB3] =	sst s0;
	s0 =	simm.s32 @!p1 $0x0  }
0x14: {  	s2 =	sld [smem:$0x3F97];
	s0 =	simm.s32 @p1 $0x1  }
0x15: {  	[smem:$0x3FB4] =	sst s0;
	s0 =	simm.s32 @!p2 $0x0  }
0x16: {  	s3 =	sld [smem:$0x3FDB];
	s0 =	simm.s32 @p2 $0x1  }
0x17: {  	s4 =	simm.s32 $0x1BF5;
	[smem:$0x3FB6] =	sst s0  }
0x18: {  	s0 =	sld [smem:$0x3F99];
	_ =	swait.ge [sflag:s4], $0x0  }
0x19: {  	s7 =	sld [smem:$0x3F9A]  }
0x1a: {  	s8 =	sadd.s32 $0xFFFFE003, lr  }
0x1b: {  	s9 =	sadd.s32 $0xFFFFFEF7, lr;
	s5 =	simm.s32 $0xFFFFFFFF;
	p2 =	slt.u32 s8, $0xFFFFF086  }
0x1c: {  	p1 =	slt.u32 s9, $0xF7A;
	s5 =	simm.s32 @!p2 $0x0  }
0x1d: {  	s5 =	simm.s32 @p1 $0x1;
	p0 =	seq.s32 s7, s2  }
0x1e: {  	s7 =	smul.u32 @!p0 $0xF7A, s2;
	p2 =	seq.s32 @!p0 s5, $0x0  }
0x1f: {  	s9 =	smul.u32 $0xF7A, s1;
	s8 =	simm.s32 @!p0 $0x1BF5;
	p2 =	por !p2, p0  }
0x20: {  	[sflag:s8] =	ssyncset.s32 @!p0 $0xFFFFF086;
	s6 =	sadd.s32 @!p0 s3, s7;
	s7 =	simm.s32 @!p0 $0x108  }
0x21: {  	s3 =	sadd.s32 s3, s9;
	s6 =	sadd.s32 @!p0 $0x88, s6;
	s7 =	simm.s32 @p2 $0x1082  }
0x22: {  	[simem:s7], [sflag:s8] =	dma.local @!p0 [hbm:s6], $0xF7A  }
0x23: {  	s9 =	sor.u32 $0xD0000000, s2;
	s6 =	simm.s32 $0x108;
	_ =	swait.ge @!p0 [sflag:s8], $0x0  }
0x24: {  	s3 =	sadd.s32 $0x88, s3;
	s6 =	simm.s32 @!p1 $0x1082;
	[sflag:s4] =	ssyncset.s32 $0xFFFFF086  }
0x25: {  	[simem:s6], [sflag:s4] =	dma.local [hbm:s3], $0xF7A  }
0x26: {  	[smem:$0x3F9A] =	sst s1;
	(tag) =	ssettag s2;
	_ =	strace s9  }
0x27: {  	s1 =	sld [smem:$0x3FAA]  }
0x28: {  	s2 =	sld [smem:$0x3FAB]  }
0x29: {  	s4 =	sld [smem:$0x3FAD]  }
0x2a: {  	p0 =	seq.s32 s5, $0x0;
	s5 =	sld [smem:$0x3FAE]  }
0x2b: {  	s6 =	sld [smem:$0x3FAF]  }
0x2c: {  	s7 =	sld [smem:$0x3FB0]  }
0x2d: {  	s3 =	simm.s32 $0x108;
	s8 =	sld [smem:$0x3FB1]  }
0x2e: {  	s3 =	simm.s32 @!p0 $0x1082;
	s9 =	sld [smem:$0x3FB2]  }
0x2f: {  	lr =	sadd.s32 s0, s3;
	s0 =	sld [smem:$0x3FA9]  }
0x30: {  	s3 =	sld [smem:$0x3FAC]  }
0x31: {  	[smem:$0x3FB5] =	sst s10  }
0x32: {  	s10 =	sld [smem:$0x3FB3];
	_ =	sdelay $0x3  }
0x33: {  	p0 =	seq.s32 s10, $0x1;
	s10 =	sld [smem:$0x3FB5];
	_ =	sdelay $0x3  }
0x34: {  	[smem:$0x3FB5] =	sst s10  }
0x35: {  	s10 =	sld [smem:$0x3FB4];
	_ =	sdelay $0x3  }
0x36: {  	p1 =	seq.s32 s10, $0x1;
	s10 =	sld [smem:$0x3FB5];
	_ =	sdelay $0x3  }
0x37: {  	[smem:$0x3FB5] =	sst s10  }
0x38: {  	s10 =	sld [smem:$0x3FB6]  }
0x39: {  	_ = 	snop;
	(pc) =	sbr.ind lr, $3  }
0x3a: {  	_ = 	snop  }
0x3b: {  	_ = 	snop  }
0x3c: {  	p2 =	seq.s32 s10, $0x1;
	s10 =	sld [smem:$0x3FB5]  }
0x3d: {  	_ =	shalt  }
0x3e: {  	_ =	shalt  }
0x3f: {  	_ =	shalt  }
0x40: {  	_ =	shalt  }
0x41: {  	_ =	shalt  }
0x42: {  	_ =	shalt  }
0x43: {  	_ =	shalt  }
0x44: {  	_ =	shalt  }
0x45: {  	_ =	shalt  }
0x46: {  	_ =	shalt  }
0x47: {  	_ =	shalt  }
0x48: {  	_ =	shalt  }
0x49: {  	_ =	shalt  }
0x4a: {  	_ =	shalt  }
0x4b: {  	_ =	shalt  }
0x4c: {  	_ =	shalt  }
0x4d: {  	_ =	shalt  }
0x4e: {  	_ =	shalt  }
0x4f: {  	_ =	shalt  }
0x50: {  	_ =	shalt  }
0x51: {  	_ =	shalt  }
0x52: {  	_ =	shalt  }
0x53: {  	_ =	shalt  }
0x54: {  	_ =	shalt  }
0x55: {  	_ =	shalt  }
0x56: {  	_ =	shalt  }
0x57: {  	_ =	shalt  }
0x58: {  	_ =	shalt  }
0x59: {  	_ =	shalt  }
0x5a: {  	_ =	shalt  }
0x5b: {  	_ =	shalt  }
0x5c: {  	_ =	shalt  }
0x5d: {  	_ =	shalt  }
0x5e: {  	_ =	shalt  }
0x5f: {  	_ =	shalt  }
0x60: {  	_ =	shalt  }
0x61: {  	_ =	shalt  }
0x62: {  	_ =	shalt  }
0x63: {  	_ =	shalt  }
0x64: {  	_ =	shalt  }
0x65: {  	_ =	shalt  }
0x66: {  	_ =	shalt  }
0x67: {  	_ =	shalt  }
0x68: {  	_ =	shalt  }
0x69: {  	_ =	shalt  }
0x6a: {  	_ =	shalt  }
0x6b: {  	_ =	shalt  }
0x6c: {  	_ =	shalt  }
0x6d: {  	_ =	shalt  }
0x6e: {  	_ =	shalt  }
0x6f: {  	_ =	shalt  }
0x70: {  	_ =	shalt  }
0x71: {  	_ =	shalt  }
0x72: {  	_ =	shalt  }
0x73: {  	_ =	shalt  }
0x74: {  	_ =	shalt  }
0x75: {  	_ =	shalt  }
0x76: {  	_ =	shalt  }
0x77: {  	_ =	shalt  }
0x78: {  	_ =	shalt  }
0x79: {  	_ =	shalt  }
0x7a: {  	_ =	shalt  }
0x7b: {  	_ =	shalt  }
0x7c: {  	_ =	shalt  }
0x7d: {  	_ =	shalt  }
0x7e: {  	_ =	shalt  }
0x7f: {  	_ =	shalt  }
0x80: {  	_ =	shalt  }
0x81: {  	_ =	shalt  }
0x82: {  	_ =	shalt  }
0x83: {  	_ =	shalt  }
0x84: {  	_ =	shalt  }
0x85: {  	_ =	shalt  }
0x86: {  	_ =	shalt  }
0x87: {  	_ =	shalt  }
.Lfunc_end0:
.L_simem_size_0:
called_computation_lowered:
.L_overlay_start_0:
0x88: {  	s2 =	sld [smem:$0x3FD9]  }
0x89: {  	s3 =	sld [smem:$0x3FFE];
	_ =	sdelay $0x1  }
0x8a: {  	s1 =	srdreg.scid  }
0x8b: {  	s0 =	sand.u32 $0x1, s1  }
0x8c: {  	s17 =	sshll.u32 s0, $0xA;
	s2 =	sadd.s32 s3, s2  }
0x8d: {  	s2 =	sadd.s32 s2, s17  }
0x8e: {  	[smem:$0x3FC1] =	sst s2  }
0x8f: {  	_ = 	snop  }
0x90: {  	s2 =	sld [smem:$0x3FD0];
	(tm) =	ssettm $0x1  }
0x91: {  	s18 =	sld [smem:$0x3FFB];
	_ =	sdelay $0x3  }
0x92: {  	_ =	strace s18  }
0x93: {  	s3 =	sld [smem:$0x3FFC];
	_ =	sdelay $0x3  }
0x94: {  	_ =	strace s3  }
0x95: {  	s3 =	sld [smem:$0x3FFD];
	_ =	sdelay $0x3  }
0x96: {  	_ =	strace s3  }
0x97: {  	_ =	strace $0x8FFFFFFF  }
0x98: {  	s19 =	sld [smem:$0x3FDB];
	_ =	sdelay $0x1  }
0x99: {  	s4 =	simm.s32 $_scs_section_size  }
0x9a: {  	s5 =	simm.s32 $_size__tile_overlayer_lowered;
	s6 =	simm.s32 $_tile_overlayer_lowered  }
0x9b: {  	s22 =	simm.s32 $0x1BFF;
	s21 =	sshll.u32 s6, $0x1;
	s3 =	sadd.s32 s4, s19  }
0x9c: {  	s7 =	simm.s32 $0x0;
	s20 =	sshll.u32 s5, $0x1;
	s5 =	sadd.s32 s21, s3  }
0x9d: {  	[timem:s7], [sflag:s22] =	dma.local [hbm:s5], s20  }
0x9e: {  	_ =	swait.ge [sflag:s22], s20  }
0x9f: {  	s4 =	ssub.s32 $0x0, s20;
	[sflag:s22] =	ssyncset.done $0x0  }
0xa0: {  	[sflag:s22] =	ssyncadd.s32 s4;
	_ =	sdelay $0x1  }
0xa1: {  	s23 =	simm.s32 $0x1B8B  }
0xa2: {  	_ =	swait.ge [sflag:s23], $0x1  }
0xa3: {  	[sflag:s23] =	ssyncset.done $0x0  }
0xa4: {  	s25 =	simm.s32 $0x1B8E;
	s24 =	sld [smem:$0x3FFE];
	[sflag:s23] =	ssyncadd.s32 $0xFFFFFFFF  }
0xa5: {  	s26 =	simm.s32 $execute0_lowered;
	[smem:$0x3FD2] =	sst s25  }
0xa6: {  	s5 =	sshll.u32 s26, $0x1;
	_ =	strace $0x80000046;
	[dreg:$0x1] =	wrdreg $0xFFFFFFFF  }
0xa7: {  	s28 =	simm.s32 $_size_execute0_lowered;
	s3 =	sadd.s32 s3, s5;
	[dreg:$0x0] =	wrdreg $0x0  }
0xa8: {  	s5 =	sshll.u32 s28, $0x1;
	[dreg:$0x2] =	wrdreg s3  }
0xa9: {  	[dreg:$0x3] =	wrdreg s5  }
0xaa: {  	[dreg:$0x4] =	wrdreg $0xC0  }
0xab: {  	_ =	task [dreg:s7], $0x5FFFF  }
0xac: {  	[dreg:$0x1] =	wrdreg $0xFFFFFFFF  }
0xad: {  	[dreg:$0x0] =	wrdreg $0x60  }
0xae: {  	[dreg:$0x2] =	wrdreg s24  }
0xaf: {  	[dreg:$0x3] =	wrdreg s2  }
0xb0: {  	[dreg:$0x4] =	wrdreg $0x9  }
0xb1: {  	_ =	task.clear_ibuf [dreg:s7], $0x5FFFF;
	_ =	strace $0x90000046  }
0xb2: {  	s29 =	simm.s32 $0x9;
	_ =	strace $0x80000048  }
0xb3: {  	_ =	swait.ge [sflag:s29], $0x1  }
0xb4: {  	[sflag:s29] =	ssyncadd.s32 $0xFFFFFFFF  }
0xb5: {  	_ =	strace $0x90000048  }
0xb6: {  	_ =	sfence  }
0xb7: {  	s30 =	sld [smem:$0x0];
	_ =	sdelay $0x2  }
0xb8: {  	s31 =	sshll.u32 s1, $0xD;
	s1 =	sshrl.u32 s1, $0x2  }
0xb9: {  	s3 =	sand.u32 $0x4000, s31;
	s1 =	sadd.s32 s1, s30  }
0xba: {  	s0 =	sor.u32 s3, s0;
	s1 =	sshll.u32 s1, $0x11  }
0xbb: {  	s0 =	sor.u32 s1, s0  }
0xbc: {  	s0 =	sadd.s32 $0x8F2B, s0  }
0xbd: {  	[sflag:s0] =	ssyncadd.remote.s32 $0x1  }
0xbe: {  	_ =	sfence.sel $0xFFFF  }
0xbf: {  	[dreg:$0x0] =	wrdreg $0xFFFFFFFF;
	(pc) =	sbr.abs _section_cstart, $3  }
0xc0: {  	[dreg:$0x1] =	wrdreg $0xFFFFFFFF  }
0xc1: {  	_ =	task.clear_ibuf [dreg:s7], $0x2FFFF;
	_ =	strace $0x9FFFFFFF  }
0xc2: {  	(tm) =	ssettm $0x7FFFFFFF  }
0xc3: {  	_ =	shalt  }
tec
execute0_lowered:
.L_overlay_start_1:
0x0: {  	(tag) =	ssettag $0x1  }
0x1: {  	s3 =	rddreg [dreg:$0x0];
	s0 =	srdreg.scid  }
0x2: {  	s4 =	rddreg [dreg:$0x1];
	s1 =	stileid.u32;
	s2 =	simm.s32 $0x0  }
0x3: {  	s5 =	sand.u32 $0x1, s0;
	s0 =	rddreg [dreg:$0x2];
	s7 =	smul.u32 $0x2710, s1  }
0x4: {  	[smem:$0x7FF] =	sst s2;
	s6 =	smul.u32 $0x27100, s5;
	s8 =	sshll.u32 s5, $0x4  }
0x5: {  	s5 =	ssub.s32 $0x2, s5;
	_ =	strace $0x80000047;
	s30 =	sor.u32 s1, s8  }
0x6: {  	s31 =	sshrl.u32 s5, $0x1;
	s6 =	sadd.s32 s7, s6;
	s7 =	smul.u32 $0x500, s30  }
0x7: {  	s8 =	simm.s32 $0x0;
	s5 =	ssub.s32 s5, s31;
	s6 =	sshrl.u32 s6, $0x3  }
0x8: {  	s5 =	smax.u32 s5, $0x1;
	s3 =	sadd.s32 s6, s3;
	s4 =	sadd.s32 s4, s7  }
0x9: {  	v0 =	vimm.f32 $0.0e+00;
	v1 =	vimm.f32 $1.000000000e+00;
	s6 =	simm.s32 $0x2800;
	s7 =	simm.s32 $0x1;
	s3 =	sadd.s32 $0xCC00, s3  }
.LBB2_1:
0xa: {  	s9 =	simm.s32 $0x0;
	s10 =	simm.s32 $0x400  }
.LBB2_2:
0xb: {  	p0 =	sne.s32 s10, $0x9C00;
	[tilespmem:s9+$0xF0] =	vst v0  }
0xc: {  	[tilespmem:s9+$0x0] =	vst v0  }
0xd: {  	[tilespmem:s9+$0x10] =	vst v0  }
0xe: {  	[tilespmem:s9+$0x20] =	vst v0  }
0xf: {  	[tilespmem:s9+$0x30] =	vst v0  }
0x10: {  	[tilespmem:s9+$0x40] =	vst v0  }
0x11: {  	[tilespmem:s9+$0x50] =	vst v0  }
0x12: {  	[tilespmem:s9+$0x60] =	vst v0  }
0x13: {  	[tilespmem:s9+$0x70] =	vst v0  }
0x14: {  	[tilespmem:s9+$0x80] =	vst v0  }
0x15: {  	[tilespmem:s9+$0x90] =	vst v0  }
.Ltmp0:
0x16: {  	[tilespmem:s9+$0xA0] =	vst v0;
	(pc) =	sbr.rel @p0 .LBB2_2-.Ltmp0, $4  }
0x17: {  	[tilespmem:s9+$0xB0] =	vst v0  }
0x18: {  	[tilespmem:s9+$0xC0] =	vst v0  }
0x19: {  	[tilespmem:s9+$0xD0] =	vst v0  }
0x1a: {  	[tilespmem:s9+$0xE0] =	vst v0;
	s9 =	sshra.s32 s10, $0x2;
	s10 =	sadd.s32 $0x400, s10  }
0x1b: {  	[tilespmem:s9+$0xF0] =	vst v0  }
0x1c: {  	[tilespmem:s9+$0x0] =	vst v0  }
0x1d: {  	[tilespmem:s9+$0x10] =	vst v0  }
0x1e: {  	[tilespmem:s9+$0x20] =	vst v0  }
0x1f: {  	[tilespmem:s9+$0x30] =	vst v0  }
0x20: {  	[tilespmem:s9+$0x40] =	vst v0  }
0x21: {  	[tilespmem:s9+$0x50] =	vst v0  }
0x22: {  	[tilespmem:s9+$0x60] =	vst v0  }
0x23: {  	[tilespmem:s9+$0x70] =	vst v0  }
0x24: {  	[tilespmem:s9+$0x80] =	vst v0  }
0x25: {  	[tilespmem:s9+$0x90] =	vst v0  }
0x26: {  	[tilespmem:s9+$0xA0] =	vst v0  }
0x27: {  	[tilespmem:s9+$0xB0] =	vst v0  }
0x28: {  	[tilespmem:s9+$0xC0] =	vst v0  }
0x29: {  	[tilespmem:s9+$0xD0] =	vst v0  }
0x2a: {  	[tilespmem:s9+$0xE0] =	vst v0;
	s9 =	simm.s32 $0x0  }
0x2b: {  	[tilespmem:s6], [sflag:$0x1] =	stream.linear.gather [hbm4b:s3+s9], $0x2710, $0x38;
	[tilespmem:$0x4F80] =	vst v63  }
0x2c: {  	_ =	swait.ge [sflag:s7], $0x2710  }
0x2d: {  	[sflag:s7] =	ssyncset.done $0x0  }
0x2e: {  	s10 =	simm.s32 $0x28C0;
	[sflag:s7] =	ssyncadd.s32 $0xFFFFD8F0  }
.LBB2_4:
0x2f: {  	v2 =	vld [tilespmem:s10+$0xFFFFFF40];
	_ =	sdelay $0x7  }
0x30: {  	[tilespmem:v2+s2+$0x0] =	vst.idx.add.f32.msk $0xffff, v1  }
0x31: {  	v2 =	vld [tilespmem:s10+$0xFFFFFF50];
	_ =	sdelay $0x7  }
0x32: {  	[tilespmem:v2+s2+$0x0] =	vst.idx.add.f32.msk $0xffff, v1  }
0x33: {  	v2 =	vld [tilespmem:s10+$0xFFFFFF60];
	_ =	sdelay $0x7  }
0x34: {  	[tilespmem:v2+s2+$0x0] =	vst.idx.add.f32.msk $0xffff, v1  }
0x35: {  	v2 =	vld [tilespmem:s10+$0xFFFFFF70];
	_ =	sdelay $0x7  }
0x36: {  	[tilespmem:v2+s2+$0x0] =	vst.idx.add.f32.msk $0xffff, v1  }
0x37: {  	v2 =	vld [tilespmem:s10+$0xFFFFFF80];
	_ =	sdelay $0x7  }
0x38: {  	[tilespmem:v2+s2+$0x0] =	vst.idx.add.f32.msk $0xffff, v1  }
0x39: {  	v2 =	vld [tilespmem:s10+$0xFFFFFF90];
	_ =	sdelay $0x7  }
0x3a: {  	[tilespmem:v2+s2+$0x0] =	vst.idx.add.f32.msk $0xffff, v1  }
0x3b: {  	v2 =	vld [tilespmem:s10+$0xFFFFFFA0];
	_ =	sdelay $0x7  }
0x3c: {  	[tilespmem:v2+s2+$0x0] =	vst.idx.add.f32.msk $0xffff, v1  }
0x3d: {  	v2 =	vld [tilespmem:s10+$0xFFFFFFB0];
	_ =	sdelay $0x7  }
0x3e: {  	s11 =	sand.u32 $0x3FF0, s9;
	[tilespmem:v2+s2+$0x0] =	vst.idx.add.f32.msk $0xffff, v1  }
0x3f: {  	v2 =	vld [tilespmem:s11+$0x2880];
	_ =	sdelay $0x7  }
0x40: {  	[tilespmem:v2+s2+$0x0] =	vst.idx.add.f32.msk $0xffff, v1  }
0x41: {  	v2 =	vld [tilespmem:s10+$0xFFFFFFD0];
	_ =	sdelay $0x7  }
0x42: {  	[tilespmem:v2+s2+$0x0] =	vst.idx.add.f32.msk $0xffff, v1  }
0x43: {  	v2 =	vld [tilespmem:s10+$0xFFFFFFE0];
	_ =	sdelay $0x7  }
0x44: {  	[tilespmem:v2+s2+$0x0] =	vst.idx.add.f32.msk $0xffff, v1  }
0x45: {  	v2 =	vld [tilespmem:s10+$0xFFFFFFF0];
	_ =	sdelay $0x7  }
0x46: {  	[tilespmem:v2+s2+$0x0] =	vst.idx.add.f32.msk $0xffff, v1  }
0x47: {  	v2 =	vld [tilespmem:s10+$0x0];
	_ =	sdelay $0x7  }
0x48: {  	[tilespmem:v2+s2+$0x0] =	vst.idx.add.f32.msk $0xffff, v1  }
0x49: {  	v2 =	vld [tilespmem:s10+$0x10];
	_ =	sdelay $0x7  }
0x4a: {  	[tilespmem:v2+s2+$0x0] =	vst.idx.add.f32.msk $0xffff, v1  }
0x4b: {  	v2 =	vld [tilespmem:s10+$0x20];
	_ =	sdelay $0x7  }
0x4c: {  	[tilespmem:v2+s2+$0x0] =	vst.idx.add.f32.msk $0xffff, v1  }
0x4d: {  	v2 =	vld [tilespmem:s10+$0x30];
	_ =	sdelay $0x7  }
0x4e: {  	[tilespmem:v2+s2+$0x0] =	vst.idx.add.f32.msk $0xffff, v1  }
0x4f: {  	v2 =	vld [tilespmem:s11+$0x2900];
	_ =	sdelay $0x7  }
0x50: {  	[tilespmem:v2+s2+$0x0] =	vst.idx.add.f32.msk $0xffff, v1  }
0x51: {  	v2 =	vld [tilespmem:s10+$0x50];
	_ =	sdelay $0x7  }
0x52: {  	[tilespmem:v2+s2+$0x0] =	vst.idx.add.f32.msk $0xffff, v1  }
0x53: {  	v2 =	vld [tilespmem:s10+$0x60];
	_ =	sdelay $0x7  }
0x54: {  	[tilespmem:v2+s2+$0x0] =	vst.idx.add.f32.msk $0xffff, v1  }
0x55: {  	v2 =	vld [tilespmem:s10+$0x70];
	_ =	sdelay $0x7  }
0x56: {  	[tilespmem:v2+s2+$0x0] =	vst.idx.add.f32.msk $0xffff, v1  }
0x57: {  	v2 =	vld [tilespmem:s10+$0x80];
	_ =	sdelay $0x7  }
0x58: {  	[tilespmem:v2+s2+$0x0] =	vst.idx.add.f32.msk $0xffff, v1  }
0x59: {  	v2 =	vld [tilespmem:s10+$0x90];
	_ =	sdelay $0x7  }
0x5a: {  	[tilespmem:v2+s2+$0x0] =	vst.idx.add.f32.msk $0xffff, v1  }
0x5b: {  	v2 =	vld [tilespmem:s10+$0xA0];
	_ =	sdelay $0x7  }
0x5c: {  	[tilespmem:v2+s2+$0x0] =	vst.idx.add.f32.msk $0xffff, v1  }
0x5d: {  	v2 =	vld [tilespmem:s10+$0xB0];
	_ =	sdelay $0x7  }
0x5e: {  	[tilespmem:v2+s2+$0x0] =	vst.idx.add.f32.msk $0xffff, v1  }
0x5f: {  	v2 =	vld [tilespmem:s11+$0x2980];
	_ =	sdelay $0x2  }
0x60: {  	p0 =	sne.s32 s9, $0x2580  }
.Ltmp1:
0x61: {  	_ = 	snop;
	(pc) =	sbr.rel @p0 .LBB2_4-.Ltmp1, $2  }
0x62: {  	_ =	sdelay $0x2  }
0x63: {  	s9 =	sadd.s32 $0x190, s9;
	s10 =	sadd.s32 $0x190, s10;
	[tilespmem:v2+s2+$0x0] =	vst.idx.add.f32.msk $0xffff, v1  }
0x64: {  	s8 =	sadd.s32 $0x1, s8  }
0x65: {  	p0 =	sne.s32 s8, s5  }
.Ltmp2:
0x66: {  	_ = 	snop;
	(pc) =	sbr.rel @p0 .LBB2_1-.Ltmp2, $4  }
0x67: {  	[hbm4b:s4+s2] =	stream.linear.scatter [tilespmem:s2], [sflag:$0x1], $0x2800, $0x38;
	[tilespmem:$0x4F80] =	vst v63  }
0x68: {  	_ =	swait.ge [sflag:s7], $0x2800  }
0x69: {  	[sflag:s7] =	ssyncset.done $0x0  }
0x6a: {  	[sflag:s7] =	ssyncadd.s32 $0xFFFFD800  }
0x6b: {  	_ =	sfence.sel $0x180000  }
0x6c: {  	[bflag:$0x0] =	sbarrier.arrive $0xFFFF  }
0x6d: {  	p0 =	sne.s32 s1, $0x0;
	_ =	strace $0x90000047  }
0x6e: {  	s0 =	sadd.s32 @!p0 $0x100000, s0;
	[bflag:$0x2] =	sbarrier.arrive $0xFFFF  }
0x6f: {  	[sflag:s0] =	ssyncadd.tile.s32 @!p0 $0x1;
	_ =	shalt  }
.Lfunc_end2:
_tile_overlayer_lowered:
.L_overlay_start_2:
0x70: {  	(tag) =	ssettag $0x2  }
0x71: {  	s0 =	rddreg [dreg:$0x0];
	s2 =	stileid.u32  }
0x72: {  	s1 =	rddreg [dreg:$0x1];
	p0 =	sne.s32 s2, $0x0  }
0x73: {  	s3 =	rddreg [dreg:$0x2];
	[bflag:$0x3] =	sbarrier.arrive $0xFFFF;
	s2 =	simm.s32 @!p0 $0x1C01  }
0x74: {  	[timem:s3], [sflag:s2] =	dma.local @!p0 [hbm:s0], s1  }
0x75: {  	s0 =	simm.s32 @!p0 $0x1  }
0x76: {  	_ =	swait.ge @!p0 [sflag:s0], s1  }
0x77: {  	s1 =	ssub.s32 @!p0 $0x0, s1;
	[sflag:s0] =	ssyncset.done @!p0 $0x0  }
0x78: {  	[sflag:s0] =	ssyncadd.s32 @!p0 s1  }
0x79: {  	[bflag:$0x3] =	sbarrier.arrive $0xFFFF  }
0x7a: {  	_ =	shalt  }

</sc_bundles>
